<compile_context>
chip_gen: v7x
topology: tpu7x:2x2x1
jax: 0.10.2.dev20260603
libtpu: 0.0.44.dev20260713+nightly
codegen_flags: <defaults>
</compile_context>

<pallas_src>
import functools

import jax
import jax.numpy as jnp
from jax import lax
from jax.experimental import pallas as pl
from jax.experimental.pallas import tpu as pltpu
from jax.experimental.pallas import tpu_sc as plsc

NC = 2
NS = 16
NW = NC * NS

_f32 = jnp.float32

_MESH = plsc.VectorSubcoreMesh(
    core_axis_name="c", subcore_axis_name="s", num_cores=NC, num_subcores=NS
)


def _deg_call(npad, nblk, bch, c, rps):

    @functools.partial(
        pl.kernel,
        out_type=jax.ShapeDtypeStruct((NC, npad, 16), _f32),
        mesh=_MESH,
        compiler_params=pltpu.CompilerParams(use_tc_tiling_on_sc=False),
        scratch_types=[
            pltpu.VMEM_SHARED((npad, 16), _f32),
            pltpu.VMEM((bch, c), jnp.int32),
            pltpu.VMEM((c, 16), _f32),
        ],
    )
    def deg_kernel(dst_hbm, ones_hbm, z16_hbm, out_hbm, acc, didx, ones_v):
        cid = lax.axis_index("c")
        sid = lax.axis_index("s")
        w = cid * NS + sid
        pltpu.sync_copy(z16_hbm, acc.at[pl.ds(sid * rps, rps)])
        pltpu.sync_copy(ones_hbm, ones_v)
        plsc.subcore_barrier()

        @pl.loop(0, nblk)
        def _blk(j):
            pltpu.sync_copy(dst_hbm.at[j * NW + w], didx)
            for i in range(bch):
                pltpu.sync_copy(ones_v, acc.at[didx.at[i]], add=True)

        plsc.subcore_barrier()
        pltpu.sync_copy(
            acc.at[pl.ds(sid * rps, rps)],
            out_hbm.at[cid, pl.ds(sid * rps, rps)],
        )

    return deg_kernel


def _hop_call(npad, d, nblk, bch, c, rps):

    @functools.partial(
        pl.kernel,
        out_type=jax.ShapeDtypeStruct((NC, npad, d), _f32),
        mesh=_MESH,
        scratch_types=[
            pltpu.VMEM_SHARED((npad, d), _f32),
            pltpu.VMEM((bch, c), jnp.int32),
            pltpu.VMEM((bch, c), jnp.int32),
            pltpu.VMEM((c, d), _f32),
            pltpu.VMEM((c, d), _f32),
            pltpu.SemaphoreType.DMA,
            pltpu.SemaphoreType.DMA,
        ],
    )
    def hop_kernel(g_hbm, src_hbm, dst_hbm, zrows_hbm, out_hbm,
                   acc, sidx, didx, rows0, rows1, gsem0, gsem1):
        cid = lax.axis_index("c")
        sid = lax.axis_index("s")
        w = cid * NS + sid
        rows = (rows0, rows1)
        gsem = (gsem0, gsem1)

        pltpu.sync_copy(zrows_hbm, acc.at[pl.ds(sid * rps, rps)])
        plsc.subcore_barrier()

        @pl.loop(0, nblk)
        def _blk(j):
            pltpu.sync_copy(src_hbm.at[j * NW + w], sidx)
            pltpu.sync_copy(dst_hbm.at[j * NW + w], didx)
            pend = [
                pltpu.async_copy(g_hbm.at[sidx.at[0]], rows0, gsem0),
                pltpu.async_copy(g_hbm.at[sidx.at[1]], rows1, gsem1),
            ]
            for i in range(bch):
                b = i % 2
                pend[b].wait()
                pltpu.sync_copy(rows[b], acc.at[didx.at[i]], add=True)
                if i + 2 < bch:
                    pend[b] = pltpu.async_copy(
                        g_hbm.at[sidx.at[i + 2]], rows[b], gsem[b]
                    )

        plsc.subcore_barrier()
        pltpu.sync_copy(
            acc.at[pl.ds(sid * rps, rps)],
            out_hbm.at[cid, pl.ds(sid * rps, rps)],
        )

    return hop_kernel


def _lin_relu(x, W11, b11, r):
    n, d = x.shape
    h = W11.shape[1]

    def body(x_ref, w_ref, b_ref, h_ref):
        hh = jnp.dot(x_ref[...], w_ref[...], preferred_element_type=_f32)
        h_ref[...] = jnp.maximum(hh + b_ref[...], 0.0)

    return pl.pallas_call(
        body,
        grid=(n // r,),
        in_specs=[
            pl.BlockSpec((r, d), lambda i: (i, 0)),
            pl.BlockSpec((d, h), lambda i: (0, 0)),
            pl.BlockSpec((1, h), lambda i: (0, 0)),
        ],
        out_specs=pl.BlockSpec((r, h), lambda i: (i, 0)),
        out_shape=jax.ShapeDtypeStruct((n, h), _f32),
    )(x, W11, b11.reshape(1, h))


def _scale(h0, dp, r):
    n, h = h0.shape

    def body(h_ref, dp_ref, g0_ref, dinv_ref):
        deg = 1.0 + dp_ref[0, :, 0:1] + dp_ref[1, :, 0:1]
        dinv = lax.rsqrt(deg)
        g0_ref[...] = h_ref[...] * dinv
        dinv_ref[...] = jnp.broadcast_to(dinv, (r, 16))

    return pl.pallas_call(
        body,
        grid=(n // r,),
        in_specs=[
            pl.BlockSpec((r, h), lambda i: (i, 0)),
            pl.BlockSpec((NC, r, 16), lambda i: (0, i, 0)),
        ],
        out_specs=[
            pl.BlockSpec((r, h), lambda i: (i, 0)),
            pl.BlockSpec((r, 16), lambda i: (i, 0)),
        ],
        out_shape=[
            jax.ShapeDtypeStruct((n, h), _f32),
            jax.ShapeDtypeStruct((n, 16), _f32),
        ],
    )(h0, dp)


def _combine(p, g, dinv16, r):
    n, h = g.shape

    def body(p_ref, g_ref, dinv_ref, o_ref):
        dinv = dinv_ref[:, 0:1]
        o_ref[...] = (p_ref[0] + p_ref[1] + g_ref[...]) * (dinv * dinv)

    return pl.pallas_call(
        body,
        grid=(n // r,),
        in_specs=[
            pl.BlockSpec((NC, r, h), lambda i: (0, i, 0)),
            pl.BlockSpec((r, h), lambda i: (i, 0)),
            pl.BlockSpec((r, 16), lambda i: (i, 0)),
        ],
        out_specs=pl.BlockSpec((r, h), lambda i: (i, 0)),
        out_shape=jax.ShapeDtypeStruct((n, h), _f32),
    )(p, g, dinv16)


def _final(p, g, dinv16, W1, b1, r):
    n, h = g.shape
    cls = W1.shape[1]

    def body(p_ref, g_ref, dinv_ref, w_ref, b_ref, o_ref):
        dinv = dinv_ref[:, 0:1]
        h2 = (p_ref[0] + p_ref[1] + g_ref[...]) * dinv
        z = jnp.dot(h2, w_ref[...], preferred_element_type=_f32) + b_ref[...]
        m = jnp.max(z, axis=1, keepdims=True)
        zs = z - m
        lse = jnp.log(jnp.sum(jnp.exp(zs), axis=1, keepdims=True))
        o_ref[...] = zs - lse

    return pl.pallas_call(
        body,
        grid=(n // r,),
        in_specs=[
            pl.BlockSpec((NC, r, h), lambda i: (0, i, 0)),
            pl.BlockSpec((r, h), lambda i: (i, 0)),
            pl.BlockSpec((r, 16), lambda i: (i, 0)),
            pl.BlockSpec((h, cls), lambda i: (0, 0)),
            pl.BlockSpec((1, cls), lambda i: (0, 0)),
        ],
        out_specs=pl.BlockSpec((r, cls), lambda i: (i, 0)),
        out_shape=jax.ShapeDtypeStruct((n, cls), _f32),
    )(p, g, dinv16, W1, b1.reshape(1, cls))


def kernel(x, edge_index, W11, b11, W1, b1):
    n, d = x.shape
    h = W11.shape[1]
    e = edge_index.shape[1]

    rps = -(-n // (NS * 8)) * 8
    npad = rps * NS
    r = 1000

    c = 128
    bch = 10
    blk_e = NW * bch * c
    nblk = -(-e // blk_e)
    e_pad = nblk * blk_e
    pad = e_pad - e
    pad_src = jnp.arange(pad, dtype=jnp.int32) % n
    pad_dst = n + jnp.arange(pad, dtype=jnp.int32) % (npad - n)
    src_p = jnp.concatenate([edge_index[0], pad_src])
    dst_p = jnp.concatenate([edge_index[1], pad_dst])
    src3 = (src_p.reshape(NW, nblk, bch * c)
            .transpose(1, 0, 2).reshape(nblk * NW, bch, c))
    dst3 = (dst_p.reshape(NW, nblk, bch * c)
            .transpose(1, 0, 2).reshape(nblk * NW, bch, c))

    cd = 80
    nch_d = e // NW // cd
    nblk_d = 5
    bch_d = nch_d // nblk_d
    dst3d = (edge_index[1].reshape(NW, nblk_d, bch_d * cd)
             .transpose(1, 0, 2).reshape(nblk_d * NW, bch_d, cd))

    ones16 = jnp.ones((cd, 16), _f32)
    z16 = jnp.zeros((rps, 16), _f32)
    zrows = jnp.zeros((rps, d), _f32)

    hop = _hop_call(npad, h, nblk, bch, c, rps)

    dp = _deg_call(npad, nblk_d, bch_d, cd, rps)(dst3d, ones16, z16)
    h0 = _lin_relu(x, W11, b11, r)
    g0, dinv16 = _scale(h0, dp, r)
    p1 = hop(g0, src3, dst3, zrows)
    g1 = _combine(p1, g0, dinv16, r)
    p2 = hop(g1, src3, dst3, zrows)
    return _final(p2, g1, dinv16, W1, b1, r)

# --- scband reference (transcript-rebuilt; emitter-appended) ---
"""Pipeline reference for scband-conv-g-4320737100475 (READ-ONLY COPY).

The authoritative reference and input builder live on the scoring server;
editing this copy changes nothing except your own understanding.
"""

import jax, jax.numpy as jnp
import numpy as np

N = 10000
E = 320000
D_FEAT = 128
HIDDEN = 128
N_CLASSES = 40
K_HOPS = 2  # args.Inc2


def setup_inputs(seed: int = 0) -> dict:
    key = jax.random.key(seed)
    ks = jax.random.split(key, 6)
    x = jax.random.normal(ks[0], (N, D_FEAT), dtype=jnp.float32)
    edge_index = jax.random.randint(ks[1], (2, E), 0, N, dtype=jnp.int32)
    W11 = jax.random.normal(ks[2], (D_FEAT, HIDDEN), dtype=jnp.float32) / np.sqrt(D_FEAT)
    b11 = jnp.zeros((HIDDEN,), dtype=jnp.float32)
    W1 = jax.random.normal(ks[3], (HIDDEN, N_CLASSES), dtype=jnp.float32) / np.sqrt(HIDDEN)
    b1 = jnp.zeros((N_CLASSES,), dtype=jnp.float32)
    return {"x": x, "edge_index": edge_index, "W11": W11, "b11": b11, "W1": W1, "b1": b1}


def _propagate(h, src, dst, dinv):
    # one hop of symmetrically-normalized adjacency propagation with self-loops
    coef = (dinv[src] * dinv[dst])[:, None]
    msg = h[src] * coef              # gather (memory-bound)
    agg = jnp.zeros_like(h).at[dst].add(msg)  # scatter-add (memory-bound)
    return agg + h * (dinv * dinv)[:, None]   # self-loop term


def reference(x, edge_index, W11, b11, W1, b1):
    # eval mode: dropout is identity (training=False); BatchNorm self.m is unused in forward
    src = edge_index[0]
    dst = edge_index[1]
    n = x.shape[0]
    deg = jnp.zeros((n,), dtype=jnp.float32).at[dst].add(1.0) + 1.0  # +1 for self-loop
    dinv = jax.lax.rsqrt(deg)
    h = jax.nn.relu(x @ W11 + b11)          # lin11 + relu
    for _ in range(K_HOPS):                  # prop11 = Gra_inc(args.Inc2)
        h = _propagate(h, src, dst, dinv)
    out = h @ W1 + b1                        # lin1
    return jax.nn.log_softmax(out, axis=1)

if __name__ == "__main__":
    import jax
    _d = setup_inputs()
    print(jax.jit(kernel)(*tuple(_d.values())))

</pallas_src>

<mosaic_0001>
#map = affine_map<(d0, d1) -> (0, 0)>
#map1 = affine_map<(d0, d1) -> (0, 0, 0)>
module attributes {stable_mosaic.version = 14 : i64} {
  func.func @hop_kernel(%arg0: i32, %arg1: i32, %arg2: memref<10000x128xf32, #tpu.memory_space<hbm>>, %arg3: memref<256x10x128xi32, #tpu.memory_space<hbm>>, %arg4: memref<256x10x128xi32, #tpu.memory_space<hbm>>, %arg5: memref<632x128xf32, #tpu.memory_space<hbm>>, %arg6: memref<2x10112x128xf32, #tpu.memory_space<hbm>>, %arg7: memref<10112x128xf32, #tpu.memory_space<vmem_shared>>, %arg8: memref<10x128xi32, #tpu.memory_space<vmem>>, %arg9: memref<10x128xi32, #tpu.memory_space<vmem>>, %arg10: memref<128x128xf32, #tpu.memory_space<vmem>>, %arg11: memref<128x128xf32, #tpu.memory_space<vmem>>, %arg12: memref<!tpu.dma_semaphore, #tpu.memory_space<semaphore_mem>>, %arg13: memref<!tpu.dma_semaphore, #tpu.memory_space<semaphore_mem>>) attributes {dimension_semantics = [#tpu.dimension_semantics<core_parallel>, #tpu.dimension_semantics<subcore_parallel>], iteration_bounds = array<i64: 2, 16>, scalar_prefetch = 0 : i64, scratch_operands = 7 : i64, tpu.core_type = #tpu.core_type<sc_vector_subcore>, window_params = [{transform_indices = #map}, {transform_indices = #map1}, {transform_indices = #map1}, {transform_indices = #map}, {transform_indices = #map1}]} {
    %mul3A = arith.constant 16 : i32
    %mul3A_0 = arith.muli %arg0, %mul3A : i32
    %add3A = arith.addi %mul3A_0, %arg1 : i32
    %mul3A_1 = arith.constant 632 : i32
    %mul3A_2 = arith.muli %arg1, %mul3A_1 : i32
    "tpu.region"() ({
      %run_scoped3A = tpu.sem_alloc : memref<!tpu.dma_semaphore, #tpu.memory_space<semaphore_mem>>
      %dma_start3A = arith.constant 0 : i32
      %dma_start3A_12 = tpu.memref_slice %arg7[%mul3A_2, %dma_start3A] : memref<10112x128xf32, #tpu.memory_space<vmem_shared>> -> memref<632x128xf32, #tpu.memory_space<vmem_shared>>
      tpu.enqueue_dma source(%arg5 : memref<632x128xf32, #tpu.memory_space<hbm>>) target(%dma_start3A_12 : memref<632x128xf32, #tpu.memory_space<vmem_shared>>) target_semaphore(%run_scoped3A : memref<!tpu.dma_semaphore, #tpu.memory_space<semaphore_mem>>)
      %dma_wait3A = arith.constant 0 : i32
      %dma_wait3A_13 = tpu.memref_slice %arg7[%mul3A_2, %dma_wait3A] : memref<10112x128xf32, #tpu.memory_space<vmem_shared>> -> memref<632x128xf32, #tpu.memory_space<vmem_shared>>
      tpu.wait_dma2 semaphore(%run_scoped3A : memref<!tpu.dma_semaphore, #tpu.memory_space<semaphore_mem>>) src(%arg5 : memref<632x128xf32, #tpu.memory_space<hbm>>) dst(%dma_wait3A_13 : memref<632x128xf32, #tpu.memory_space<vmem_shared>>)
      tpu.yield
    }) : () -> ()
    %barrier3A = arith.constant 0 : index
    tpu.barrier barrier_id(%barrier3A)
    %scan3A = arith.constant 0 : i32
    %scan3A_3 = arith.constant 8 : i32
    %scan3A_4 = arith.addi %scan3A, %scan3A_3 : i32
    %scan3A_5 = arith.constant 1 : i32
    scf.for %scan3A_12 = %scan3A to %scan3A_4 step %scan3A_5  : i32 {
      %mul3A_13 = arith.constant 1 : i32
      %mul3A_14 = arith.muli %scan3A_12, %mul3A_13 : i32
      %add3A_15 = arith.constant 0 : i32
      %add3A_16 = arith.addi %add3A_15, %mul3A_14 : i32
      %mul3A_17 = arith.constant 32 : i32
      %mul3A_18 = arith.muli %add3A_16, %mul3A_17 : i32
      %add3A_19 = arith.addi %mul3A_18, %add3A : i32
      "tpu.region"() ({
        %run_scoped3A_170 = tpu.sem_alloc : memref<!tpu.dma_semaphore, #tpu.memory_space<semaphore_mem>>
        %dma_start3A_171 = arith.constant 0 : i32
        %dma_start3A_172 = arith.constant 0 : i32
        %dma_start3A_173 = tpu.memref_slice %arg3[%add3A_19, %dma_start3A_171, %dma_start3A_172] : memref<256x10x128xi32, #tpu.memory_space<hbm>> -> memref<1x10x128xi32, #tpu.memory_space<hbm>>
        %dma_start3A_174 = tpu.memref_squeeze %dma_start3A_173 : memref<1x10x128xi32, #tpu.memory_space<hbm>> -> memref<10x128xi32, #tpu.memory_space<hbm>>
        %dma_start3A_175 = arith.constant 0 : i32
        %dma_start3A_176 = arith.constant 0 : i32
        %dma_start3A_177 = tpu.memref_slice %arg3[%add3A_19, %dma_start3A_175, %dma_start3A_176] : memref<256x10x128xi32, #tpu.memory_space<hbm>> -> memref<1x10x128xi32, #tpu.memory_space<hbm>>
        %dma_start3A_178 = tpu.memref_squeeze %dma_start3A_177 : memref<1x10x128xi32, #tpu.memory_space<hbm>> -> memref<10x128xi32, #tpu.memory_space<hbm>>
        tpu.enqueue_dma source(%dma_start3A_178 : memref<10x128xi32, #tpu.memory_space<hbm>>) target(%arg8 : memref<10x128xi32, #tpu.memory_space<vmem>>) target_semaphore(%run_scoped3A_170 : memref<!tpu.dma_semaphore, #tpu.memory_space<semaphore_mem>>)
        %dma_wait3A_179 = arith.constant 0 : i32
        %dma_wait3A_180 = arith.constant 0 : i32
        %dma_wait3A_181 = tpu.memref_slice %arg3[%add3A_19, %dma_wait3A_179, %dma_wait3A_180] : memref<256x10x128xi32, #tpu.memory_space<hbm>> -> memref<1x10x128xi32, #tpu.memory_space<hbm>>
        %dma_wait3A_182 = tpu.memref_squeeze %dma_wait3A_181 : memref<1x10x128xi32, #tpu.memory_space<hbm>> -> memref<10x128xi32, #tpu.memory_space<hbm>>
        %dma_wait3A_183 = arith.constant 0 : i32
        %dma_wait3A_184 = arith.constant 0 : i32
        %dma_wait3A_185 = tpu.memref_slice %arg3[%add3A_19, %dma_wait3A_183, %dma_wait3A_184] : memref<256x10x128xi32, #tpu.memory_space<hbm>> -> memref<1x10x128xi32, #tpu.memory_space<hbm>>
        %dma_wait3A_186 = tpu.memref_squeeze %dma_wait3A_185 : memref<1x10x128xi32, #tpu.memory_space<hbm>> -> memref<10x128xi32, #tpu.memory_space<hbm>>
        tpu.wait_dma2 semaphore(%run_scoped3A_170 : memref<!tpu.dma_semaphore, #tpu.memory_space<semaphore_mem>>) src(%dma_wait3A_186 : memref<10x128xi32, #tpu.memory_space<hbm>>) dst(%arg8 : memref<10x128xi32, #tpu.memory_space<vmem>>)
        tpu.yield
      }) : () -> ()
      %mul3A_20 = arith.constant 32 : i32
      %mul3A_21 = arith.muli %add3A_16, %mul3A_20 : i32
      %add3A_22 = arith.addi %mul3A_21, %add3A : i32
      "tpu.region"() ({
        %run_scoped3A_170 = tpu.sem_alloc : memref<!tpu.dma_semaphore, #tpu.memory_space<semaphore_mem>>
        %dma_start3A_171 = arith.constant 0 : i32
        %dma_start3A_172 = arith.constant 0 : i32
        %dma_start3A_173 = tpu.memref_slice %arg4[%add3A_22, %dma_start3A_171, %dma_start3A_172] : memref<256x10x128xi32, #tpu.memory_space<hbm>> -> memref<1x10x128xi32, #tpu.memory_space<hbm>>
        %dma_start3A_174 = tpu.memref_squeeze %dma_start3A_173 : memref<1x10x128xi32, #tpu.memory_space<hbm>> -> memref<10x128xi32, #tpu.memory_space<hbm>>
        %dma_start3A_175 = arith.constant 0 : i32
        %dma_start3A_176 = arith.constant 0 : i32
        %dma_start3A_177 = tpu.memref_slice %arg4[%add3A_22, %dma_start3A_175, %dma_start3A_176] : memref<256x10x128xi32, #tpu.memory_space<hbm>> -> memref<1x10x128xi32, #tpu.memory_space<hbm>>
        %dma_start3A_178 = tpu.memref_squeeze %dma_start3A_177 : memref<1x10x128xi32, #tpu.memory_space<hbm>> -> memref<10x128xi32, #tpu.memory_space<hbm>>
        tpu.enqueue_dma source(%dma_start3A_178 : memref<10x128xi32, #tpu.memory_space<hbm>>) target(%arg9 : memref<10x128xi32, #tpu.memory_space<vmem>>) target_semaphore(%run_scoped3A_170 : memref<!tpu.dma_semaphore, #tpu.memory_space<semaphore_mem>>)
        %dma_wait3A_179 = arith.constant 0 : i32
        %dma_wait3A_180 = arith.constant 0 : i32
        %dma_wait3A_181 = tpu.memref_slice %arg4[%add3A_22, %dma_wait3A_179, %dma_wait3A_180] : memref<256x10x128xi32, #tpu.memory_space<hbm>> -> memref<1x10x128xi32, #tpu.memory_space<hbm>>
        %dma_wait3A_182 = tpu.memref_squeeze %dma_wait3A_181 : memref<1x10x128xi32, #tpu.memory_space<hbm>> -> memref<10x128xi32, #tpu.memory_space<hbm>>
        %dma_wait3A_183 = arith.constant 0 : i32
        %dma_wait3A_184 = arith.constant 0 : i32
        %dma_wait3A_185 = tpu.memref_slice %arg4[%add3A_22, %dma_wait3A_183, %dma_wait3A_184] : memref<256x10x128xi32, #tpu.memory_space<hbm>> -> memref<1x10x128xi32, #tpu.memory_space<hbm>>
        %dma_wait3A_186 = tpu.memref_squeeze %dma_wait3A_185 : memref<1x10x128xi32, #tpu.memory_space<hbm>> -> memref<10x128xi32, #tpu.memory_space<hbm>>
        tpu.wait_dma2 semaphore(%run_scoped3A_170 : memref<!tpu.dma_semaphore, #tpu.memory_space<semaphore_mem>>) src(%dma_wait3A_186 : memref<10x128xi32, #tpu.memory_space<hbm>>) dst(%arg9 : memref<10x128xi32, #tpu.memory_space<vmem>>)
        tpu.yield
      }) : () -> ()
      %dma_start3A = arith.constant 0 : i32
      %dma_start3A_23 = arith.constant 0 : i32
      %dma_start3A_24 = tpu.memref_slice %arg8[%dma_start3A, %dma_start3A_23] : memref<10x128xi32, #tpu.memory_space<vmem>> -> memref<1x128xi32, #tpu.memory_space<vmem>>
      %dma_start3A_25 = tpu.memref_squeeze %dma_start3A_24 : memref<1x128xi32, #tpu.memory_space<vmem>> -> memref<128xi32, #tpu.memory_space<vmem>>
      %dma_start3A_26 = arith.constant 0 : i32
      %dma_start3A_27 = arith.constant 0 : i32
      %dma_start3A_28 = tpu.memref_slice %arg2[%dma_start3A_26, %dma_start3A_27] : memref<10000x128xf32, #tpu.memory_space<hbm>> -> memref<10000x128xf32, #tpu.memory_space<hbm>>
      tpu.enqueue_indirect_dma source(%dma_start3A_28 : memref<10000x128xf32, #tpu.memory_space<hbm>>) target(%arg10 : memref<128x128xf32, #tpu.memory_space<vmem>>) offsets(%dma_start3A_25 : memref<128xi32, #tpu.memory_space<vmem>>) semaphore(%arg12 : memref<!tpu.dma_semaphore, #tpu.memory_space<semaphore_mem>>)
      %dma_start3A_29 = arith.constant 1 : i32
      %dma_start3A_30 = arith.constant 0 : i32
      %dma_start3A_31 = tpu.memref_slice %arg8[%dma_start3A_29, %dma_start3A_30] : memref<10x128xi32, #tpu.memory_space<vmem>> -> memref<1x128xi32, #tpu.memory_space<vmem>>
      %dma_start3A_32 = tpu.memref_squeeze %dma_start3A_31 : memref<1x128xi32, #tpu.memory_space<vmem>> -> memref<128xi32, #tpu.memory_space<vmem>>
      %dma_start3A_33 = arith.constant 0 : i32
      %dma_start3A_34 = arith.constant 0 : i32
      %dma_start3A_35 = tpu.memref_slice %arg2[%dma_start3A_33, %dma_start3A_34] : memref<10000x128xf32, #tpu.memory_space<hbm>> -> memref<10000x128xf32, #tpu.memory_space<hbm>>
      tpu.enqueue_indirect_dma source(%dma_start3A_35 : memref<10000x128xf32, #tpu.memory_space<hbm>>) target(%arg11 : memref<128x128xf32, #tpu.memory_space<vmem>>) offsets(%dma_start3A_32 : memref<128xi32, #tpu.memory_space<vmem>>) semaphore(%arg13 : memref<!tpu.dma_semaphore, #tpu.memory_space<semaphore_mem>>)
      %dma_wait3A = arith.constant 0 : i32
      %dma_wait3A_36 = arith.constant 0 : i32
      %dma_wait3A_37 = tpu.memref_slice %arg8[%dma_wait3A, %dma_wait3A_36] : memref<10x128xi32, #tpu.memory_space<vmem>> -> memref<1x128xi32, #tpu.memory_space<vmem>>
      %dma_wait3A_38 = tpu.memref_squeeze %dma_wait3A_37 : memref<1x128xi32, #tpu.memory_space<vmem>> -> memref<128xi32, #tpu.memory_space<vmem>>
      %dma_wait3A_39 = arith.constant 0 : i32
      %dma_wait3A_40 = arith.constant 0 : i32
      %dma_wait3A_41 = tpu.memref_slice %arg2[%dma_wait3A_39, %dma_wait3A_40] : memref<10000x128xf32, #tpu.memory_space<hbm>> -> memref<10000x128xf32, #tpu.memory_space<hbm>>
      tpu.wait_indirect_dma semaphore(%arg12 : memref<!tpu.dma_semaphore, #tpu.memory_space<semaphore_mem>>) src(%dma_wait3A_41 : memref<10000x128xf32, #tpu.memory_space<hbm>>) dst(%arg10 : memref<128x128xf32, #tpu.memory_space<vmem>>)
      %run_scoped3A = arith.constant 0 : i32
      "tpu.region"() ({
        %run_scoped3A_170 = tpu.sem_alloc : memref<!tpu.dma_semaphore, #tpu.memory_space<semaphore_mem>>
        %dma_start3A_171 = arith.constant 0 : i32
        %dma_start3A_172 = tpu.memref_slice %arg9[%run_scoped3A, %dma_start3A_171] : memref<10x128xi32, #tpu.memory_space<vmem>> -> memref<1x128xi32, #tpu.memory_space<vmem>>
        %dma_start3A_173 = tpu.memref_squeeze %dma_start3A_172 : memref<1x128xi32, #tpu.memory_space<vmem>> -> memref<128xi32, #tpu.memory_space<vmem>>
        %dma_start3A_174 = arith.constant 0 : i32
        %dma_start3A_175 = arith.constant 0 : i32
        %dma_start3A_176 = tpu.memref_slice %arg7[%dma_start3A_174, %dma_start3A_175] : memref<10112x128xf32, #tpu.memory_space<vmem_shared>> -> memref<10112x128xf32, #tpu.memory_space<vmem_shared>>
        tpu.enqueue_indirect_dma source(%arg10 : memref<128x128xf32, #tpu.memory_space<vmem>>) target(%dma_start3A_176 : memref<10112x128xf32, #tpu.memory_space<vmem_shared>>) offsets(%dma_start3A_173 : memref<128xi32, #tpu.memory_space<vmem>>) semaphore(%run_scoped3A_170 : memref<!tpu.dma_semaphore, #tpu.memory_space<semaphore_mem>>) {add = true}
        %dma_wait3A_177 = arith.constant 0 : i32
        %dma_wait3A_178 = tpu.memref_slice %arg9[%run_scoped3A, %dma_wait3A_177] : memref<10x128xi32, #tpu.memory_space<vmem>> -> memref<1x128xi32, #tpu.memory_space<vmem>>
        %dma_wait3A_179 = tpu.memref_squeeze %dma_wait3A_178 : memref<1x128xi32, #tpu.memory_space<vmem>> -> memref<128xi32, #tpu.memory_space<vmem>>
        %dma_wait3A_180 = arith.constant 0 : i32
        %dma_wait3A_181 = arith.constant 0 : i32
        %dma_wait3A_182 = tpu.memref_slice %arg7[%dma_wait3A_180, %dma_wait3A_181] : memref<10112x128xf32, #tpu.memory_space<vmem_shared>> -> memref<10112x128xf32, #tpu.memory_space<vmem_shared>>
        tpu.wait_indirect_dma semaphore(%run_scoped3A_170 : memref<!tpu.dma_semaphore, #tpu.memory_space<semaphore_mem>>) src(%arg10 : memref<128x128xf32, #tpu.memory_space<vmem>>) dst(%dma_wait3A_182 : memref<10112x128xf32, #tpu.memory_space<vmem_shared>>)
        tpu.yield
      }) : () -> ()
      %dma_start3A_42 = arith.constant 2 : i32
      %dma_start3A_43 = arith.constant 0 : i32
      %dma_start3A_44 = tpu.memref_slice %arg8[%dma_start3A_42, %dma_start3A_43] : memref<10x128xi32, #tpu.memory_space<vmem>> -> memref<1x128xi32, #tpu.memory_space<vmem>>
      %dma_start3A_45 = tpu.memref_squeeze %dma_start3A_44 : memref<1x128xi32, #tpu.memory_space<vmem>> -> memref<128xi32, #tpu.memory_space<vmem>>
      %dma_start3A_46 = arith.constant 0 : i32
      %dma_start3A_47 = arith.constant 0 : i32
      %dma_start3A_48 = tpu.memref_slice %arg2[%dma_start3A_46, %dma_start3A_47] : memref<10000x128xf32, #tpu.memory_space<hbm>> -> memref<10000x128xf32, #tpu.memory_space<hbm>>
      tpu.enqueue_indirect_dma source(%dma_start3A_48 : memref<10000x128xf32, #tpu.memory_space<hbm>>) target(%arg10 : memref<128x128xf32, #tpu.memory_space<vmem>>) offsets(%dma_start3A_45 : memref<128xi32, #tpu.memory_space<vmem>>) semaphore(%arg12 : memref<!tpu.dma_semaphore, #tpu.memory_space<semaphore_mem>>)
      %dma_wait3A_49 = arith.constant 1 : i32
      %dma_wait3A_50 = arith.constant 0 : i32
      %dma_wait3A_51 = tpu.memref_slice %arg8[%dma_wait3A_49, %dma_wait3A_50] : memref<10x128xi32, #tpu.memory_space<vmem>> -> memref<1x128xi32, #tpu.memory_space<vmem>>
      %dma_wait3A_52 = tpu.memref_squeeze %dma_wait3A_51 : memref<1x128xi32, #tpu.memory_space<vmem>> -> memref<128xi32, #tpu.memory_space<vmem>>
      %dma_wait3A_53 = arith.constant 0 : i32
      %dma_wait3A_54 = arith.constant 0 : i32
      %dma_wait3A_55 = tpu.memref_slice %arg2[%dma_wait3A_53, %dma_wait3A_54] : memref<10000x128xf32, #tpu.memory_space<hbm>> -> memref<10000x128xf32, #tpu.memory_space<hbm>>
      tpu.wait_indirect_dma semaphore(%arg13 : memref<!tpu.dma_semaphore, #tpu.memory_space<semaphore_mem>>) src(%dma_wait3A_55 : memref<10000x128xf32, #tpu.memory_space<hbm>>) dst(%arg11 : memref<128x128xf32, #tpu.memory_space<vmem>>)
      %run_scoped3A_56 = arith.constant 1 : i32
      "tpu.region"() ({
        %run_scoped3A_170 = tpu.sem_alloc : memref<!tpu.dma_semaphore, #tpu.memory_space<semaphore_mem>>
        %dma_start3A_171 = arith.constant 0 : i32
        %dma_start3A_172 = tpu.memref_slice %arg9[%run_scoped3A_56, %dma_start3A_171] : memref<10x128xi32, #tpu.memory_space<vmem>> -> memref<1x128xi32, #tpu.memory_space<vmem>>
        %dma_start3A_173 = tpu.memref_squeeze %dma_start3A_172 : memref<1x128xi32, #tpu.memory_space<vmem>> -> memref<128xi32, #tpu.memory_space<vmem>>
        %dma_start3A_174 = arith.constant 0 : i32
        %dma_start3A_175 = arith.constant 0 : i32
        %dma_start3A_176 = tpu.memref_slice %arg7[%dma_start3A_174, %dma_start3A_175] : memref<10112x128xf32, #tpu.memory_space<vmem_shared>> -> memref<10112x128xf32, #tpu.memory_space<vmem_shared>>
        tpu.enqueue_indirect_dma source(%arg11 : memref<128x128xf32, #tpu.memory_space<vmem>>) target(%dma_start3A_176 : memref<10112x128xf32, #tpu.memory_space<vmem_shared>>) offsets(%dma_start3A_173 : memref<128xi32, #tpu.memory_space<vmem>>) semaphore(%run_scoped3A_170 : memref<!tpu.dma_semaphore, #tpu.memory_space<semaphore_mem>>) {add = true}
        %dma_wait3A_177 = arith.constant 0 : i32
        %dma_wait3A_178 = tpu.memref_slice %arg9[%run_scoped3A_56, %dma_wait3A_177] : memref<10x128xi32, #tpu.memory_space<vmem>> -> memref<1x128xi32, #tpu.memory_space<vmem>>
        %dma_wait3A_179 = tpu.memref_squeeze %dma_wait3A_178 : memref<1x128xi32, #tpu.memory_space<vmem>> -> memref<128xi32, #tpu.memory_space<vmem>>
        %dma_wait3A_180 = arith.constant 0 : i32
        %dma_wait3A_181 = arith.constant 0 : i32
        %dma_wait3A_182 = tpu.memref_slice %arg7[%dma_wait3A_180, %dma_wait3A_181] : memref<10112x128xf32, #tpu.memory_space<vmem_shared>> -> memref<10112x128xf32, #tpu.memory_space<vmem_shared>>
        tpu.wait_indirect_dma semaphore(%run_scoped3A_170 : memref<!tpu.dma_semaphore, #tpu.memory_space<semaphore_mem>>) src(%arg11 : memref<128x128xf32, #tpu.memory_space<vmem>>) dst(%dma_wait3A_182 : memref<10112x128xf32, #tpu.memory_space<vmem_shared>>)
        tpu.yield
      }) : () -> ()
      %dma_start3A_57 = arith.constant 3 : i32
      %dma_start3A_58 = arith.constant 0 : i32
      %dma_start3A_59 = tpu.memref_slice %arg8[%dma_start3A_57, %dma_start3A_58] : memref<10x128xi32, #tpu.memory_space<vmem>> -> memref<1x128xi32, #tpu.memory_space<vmem>>
      %dma_start3A_60 = tpu.memref_squeeze %dma_start3A_59 : memref<1x128xi32, #tpu.memory_space<vmem>> -> memref<128xi32, #tpu.memory_space<vmem>>
      %dma_start3A_61 = arith.constant 0 : i32
      %dma_start3A_62 = arith.constant 0 : i32
      %dma_start3A_63 = tpu.memref_slice %arg2[%dma_start3A_61, %dma_start3A_62] : memref<10000x128xf32, #tpu.memory_space<hbm>> -> memref<10000x128xf32, #tpu.memory_space<hbm>>
      tpu.enqueue_indirect_dma source(%dma_start3A_63 : memref<10000x128xf32, #tpu.memory_space<hbm>>) target(%arg11 : memref<128x128xf32, #tpu.memory_space<vmem>>) offsets(%dma_start3A_60 : memref<128xi32, #tpu.memory_space<vmem>>) semaphore(%arg13 : memref<!tpu.dma_semaphore, #tpu.memory_space<semaphore_mem>>)
      %dma_wait3A_64 = arith.constant 2 : i32
      %dma_wait3A_65 = arith.constant 0 : i32
      %dma_wait3A_66 = tpu.memref_slice %arg8[%dma_wait3A_64, %dma_wait3A_65] : memref<10x128xi32, #tpu.memory_space<vmem>> -> memref<1x128xi32, #tpu.memory_space<vmem>>
      %dma_wait3A_67 = tpu.memref_squeeze %dma_wait3A_66 : memref<1x128xi32, #tpu.memory_space<vmem>> -> memref<128xi32, #tpu.memory_space<vmem>>
      %dma_wait3A_68 = arith.constant 0 : i32
      %dma_wait3A_69 = arith.constant 0 : i32
      %dma_wait3A_70 = tpu.memref_slice %arg2[%dma_wait3A_68, %dma_wait3A_69] : memref<10000x128xf32, #tpu.memory_space<hbm>> -> memref<10000x128xf32, #tpu.memory_space<hbm>>
      tpu.wait_indirect_dma semaphore(%arg12 : memref<!tpu.dma_semaphore, #tpu.memory_space<semaphore_mem>>) src(%dma_wait3A_70 : memref<10000x128xf32, #tpu.memory_space<hbm>>) dst(%arg10 : memref<128x128xf32, #tpu.memory_space<vmem>>)
      %run_scoped3A_71 = arith.constant 2 : i32
      "tpu.region"() ({
        %run_scoped3A_170 = tpu.sem_alloc : memref<!tpu.dma_semaphore, #tpu.memory_space<semaphore_mem>>
        %dma_start3A_171 = arith.constant 0 : i32
        %dma_start3A_172 = tpu.memref_slice %arg9[%run_scoped3A_71, %dma_start3A_171] : memref<10x128xi32, #tpu.memory_space<vmem>> -> memref<1x128xi32, #tpu.memory_space<vmem>>
        %dma_start3A_173 = tpu.memref_squeeze %dma_start3A_172 : memref<1x128xi32, #tpu.memory_space<vmem>> -> memref<128xi32, #tpu.memory_space<vmem>>
        %dma_start3A_174 = arith.constant 0 : i32
        %dma_start3A_175 = arith.constant 0 : i32
        %dma_start3A_176 = tpu.memref_slice %arg7[%dma_start3A_174, %dma_start3A_175] : memref<10112x128xf32, #tpu.memory_space<vmem_shared>> -> memref<10112x128xf32, #tpu.memory_space<vmem_shared>>
        tpu.enqueue_indirect_dma source(%arg10 : memref<128x128xf32, #tpu.memory_space<vmem>>) target(%dma_start3A_176 : memref<10112x128xf32, #tpu.memory_space<vmem_shared>>) offsets(%dma_start3A_173 : memref<128xi32, #tpu.memory_space<vmem>>) semaphore(%run_scoped3A_170 : memref<!tpu.dma_semaphore, #tpu.memory_space<semaphore_mem>>) {add = true}
        %dma_wait3A_177 = arith.constant 0 : i32
        %dma_wait3A_178 = tpu.memref_slice %arg9[%run_scoped3A_71, %dma_wait3A_177] : memref<10x128xi32, #tpu.memory_space<vmem>> -> memref<1x128xi32, #tpu.memory_space<vmem>>
        %dma_wait3A_179 = tpu.memref_squeeze %dma_wait3A_178 : memref<1x128xi32, #tpu.memory_space<vmem>> -> memref<128xi32, #tpu.memory_space<vmem>>
        %dma_wait3A_180 = arith.constant 0 : i32
        %dma_wait3A_181 = arith.constant 0 : i32
        %dma_wait3A_182 = tpu.memref_slice %arg7[%dma_wait3A_180, %dma_wait3A_181] : memref<10112x128xf32, #tpu.memory_space<vmem_shared>> -> memref<10112x128xf32, #tpu.memory_space<vmem_shared>>
        tpu.wait_indirect_dma semaphore(%run_scoped3A_170 : memref<!tpu.dma_semaphore, #tpu.memory_space<semaphore_mem>>) src(%arg10 : memref<128x128xf32, #tpu.memory_space<vmem>>) dst(%dma_wait3A_182 : memref<10112x128xf32, #tpu.memory_space<vmem_shared>>)
        tpu.yield
      }) : () -> ()
      %dma_start3A_72 = arith.constant 4 : i32
      %dma_start3A_73 = arith.constant 0 : i32
      %dma_start3A_74 = tpu.memref_slice %arg8[%dma_start3A_72, %dma_start3A_73] : memref<10x128xi32, #tpu.memory_space<vmem>> -> memref<1x128xi32, #tpu.memory_space<vmem>>
      %dma_start3A_75 = tpu.memref_squeeze %dma_start3A_74 : memref<1x128xi32, #tpu.memory_space<vmem>> -> memref<128xi32, #tpu.memory_space<vmem>>
      %dma_start3A_76 = arith.constant 0 : i32
      %dma_start3A_77 = arith.constant 0 : i32
      %dma_start3A_78 = tpu.memref_slice %arg2[%dma_start3A_76, %dma_start3A_77] : memref<10000x128xf32, #tpu.memory_space<hbm>> -> memref<10000x128xf32, #tpu.memory_space<hbm>>
      tpu.enqueue_indirect_dma source(%dma_start3A_78 : memref<10000x128xf32, #tpu.memory_space<hbm>>) target(%arg10 : memref<128x128xf32, #tpu.memory_space<vmem>>) offsets(%dma_start3A_75 : memref<128xi32, #tpu.memory_space<vmem>>) semaphore(%arg12 : memref<!tpu.dma_semaphore, #tpu.memory_space<semaphore_mem>>)
      %dma_wait3A_79 = arith.constant 3 : i32
      %dma_wait3A_80 = arith.constant 0 : i32
      %dma_wait3A_81 = tpu.memref_slice %arg8[%dma_wait3A_79, %dma_wait3A_80] : memref<10x128xi32, #tpu.memory_space<vmem>> -> memref<1x128xi32, #tpu.memory_space<vmem>>
      %dma_wait3A_82 = tpu.memref_squeeze %dma_wait3A_81 : memref<1x128xi32, #tpu.memory_space<vmem>> -> memref<128xi32, #tpu.memory_space<vmem>>
      %dma_wait3A_83 = arith.constant 0 : i32
      %dma_wait3A_84 = arith.constant 0 : i32
      %dma_wait3A_85 = tpu.memref_slice %arg2[%dma_wait3A_83, %dma_wait3A_84] : memref<10000x128xf32, #tpu.memory_space<hbm>> -> memref<10000x128xf32, #tpu.memory_space<hbm>>
      tpu.wait_indirect_dma semaphore(%arg13 : memref<!tpu.dma_semaphore, #tpu.memory_space<semaphore_mem>>) src(%dma_wait3A_85 : memref<10000x128xf32, #tpu.memory_space<hbm>>) dst(%arg11 : memref<128x128xf32, #tpu.memory_space<vmem>>)
      %run_scoped3A_86 = arith.constant 3 : i32
      "tpu.region"() ({
        %run_scoped3A_170 = tpu.sem_alloc : memref<!tpu.dma_semaphore, #tpu.memory_space<semaphore_mem>>
        %dma_start3A_171 = arith.constant 0 : i32
        %dma_start3A_172 = tpu.memref_slice %arg9[%run_scoped3A_86, %dma_start3A_171] : memref<10x128xi32, #tpu.memory_space<vmem>> -> memref<1x128xi32, #tpu.memory_space<vmem>>
        %dma_start3A_173 = tpu.memref_squeeze %dma_start3A_172 : memref<1x128xi32, #tpu.memory_space<vmem>> -> memref<128xi32, #tpu.memory_space<vmem>>
        %dma_start3A_174 = arith.constant 0 : i32
        %dma_start3A_175 = arith.constant 0 : i32
        %dma_start3A_176 = tpu.memref_slice %arg7[%dma_start3A_174, %dma_start3A_175] : memref<10112x128xf32, #tpu.memory_space<vmem_shared>> -> memref<10112x128xf32, #tpu.memory_space<vmem_shared>>
        tpu.enqueue_indirect_dma source(%arg11 : memref<128x128xf32, #tpu.memory_space<vmem>>) target(%dma_start3A_176 : memref<10112x128xf32, #tpu.memory_space<vmem_shared>>) offsets(%dma_start3A_173 : memref<128xi32, #tpu.memory_space<vmem>>) semaphore(%run_scoped3A_170 : memref<!tpu.dma_semaphore, #tpu.memory_space<semaphore_mem>>) {add = true}
        %dma_wait3A_177 = arith.constant 0 : i32
        %dma_wait3A_178 = tpu.memref_slice %arg9[%run_scoped3A_86, %dma_wait3A_177] : memref<10x128xi32, #tpu.memory_space<vmem>> -> memref<1x128xi32, #tpu.memory_space<vmem>>
        %dma_wait3A_179 = tpu.memref_squeeze %dma_wait3A_178 : memref<1x128xi32, #tpu.memory_space<vmem>> -> memref<128xi32, #tpu.memory_space<vmem>>
        %dma_wait3A_180 = arith.constant 0 : i32
        %dma_wait3A_181 = arith.constant 0 : i32
        %dma_wait3A_182 = tpu.memref_slice %arg7[%dma_wait3A_180, %dma_wait3A_181] : memref<10112x128xf32, #tpu.memory_space<vmem_shared>> -> memref<10112x128xf32, #tpu.memory_space<vmem_shared>>
        tpu.wait_indirect_dma semaphore(%run_scoped3A_170 : memref<!tpu.dma_semaphore, #tpu.memory_space<semaphore_mem>>) src(%arg11 : memref<128x128xf32, #tpu.memory_space<vmem>>) dst(%dma_wait3A_182 : memref<10112x128xf32, #tpu.memory_space<vmem_shared>>)
        tpu.yield
      }) : () -> ()
      %dma_start3A_87 = arith.constant 5 : i32
      %dma_start3A_88 = arith.constant 0 : i32
      %dma_start3A_89 = tpu.memref_slice %arg8[%dma_start3A_87, %dma_start3A_88] : memref<10x128xi32, #tpu.memory_space<vmem>> -> memref<1x128xi32, #tpu.memory_space<vmem>>
      %dma_start3A_90 = tpu.memref_squeeze %dma_start3A_89 : memref<1x128xi32, #tpu.memory_space<vmem>> -> memref<128xi32, #tpu.memory_space<vmem>>
      %dma_start3A_91 = arith.constant 0 : i32
      %dma_start3A_92 = arith.constant 0 : i32
      %dma_start3A_93 = tpu.memref_slice %arg2[%dma_start3A_91, %dma_start3A_92] : memref<10000x128xf32, #tpu.memory_space<hbm>> -> memref<10000x128xf32, #tpu.memory_space<hbm>>
      tpu.enqueue_indirect_dma source(%dma_start3A_93 : memref<10000x128xf32, #tpu.memory_space<hbm>>) target(%arg11 : memref<128x128xf32, #tpu.memory_space<vmem>>) offsets(%dma_start3A_90 : memref<128xi32, #tpu.memory_space<vmem>>) semaphore(%arg13 : memref<!tpu.dma_semaphore, #tpu.memory_space<semaphore_mem>>)
      %dma_wait3A_94 = arith.constant 4 : i32
      %dma_wait3A_95 = arith.constant 0 : i32
      %dma_wait3A_96 = tpu.memref_slice %arg8[%dma_wait3A_94, %dma_wait3A_95] : memref<10x128xi32, #tpu.memory_space<vmem>> -> memref<1x128xi32, #tpu.memory_space<vmem>>
      %dma_wait3A_97 = tpu.memref_squeeze %dma_wait3A_96 : memref<1x128xi32, #tpu.memory_space<vmem>> -> memref<128xi32, #tpu.memory_space<vmem>>
      %dma_wait3A_98 = arith.constant 0 : i32
      %dma_wait3A_99 = arith.constant 0 : i32
      %dma_wait3A_100 = tpu.memref_slice %arg2[%dma_wait3A_98, %dma_wait3A_99] : memref<10000x128xf32, #tpu.memory_space<hbm>> -> memref<10000x128xf32, #tpu.memory_space<hbm>>
      tpu.wait_indirect_dma semaphore(%arg12 : memref<!tpu.dma_semaphore, #tpu.memory_space<semaphore_mem>>) src(%dma_wait3A_100 : memref<10000x128xf32, #tpu.memory_space<hbm>>) dst(%arg10 : memref<128x128xf32, #tpu.memory_space<vmem>>)
      %run_scoped3A_101 = arith.constant 4 : i32
      "tpu.region"() ({
        %run_scoped3A_170 = tpu.sem_alloc : memref<!tpu.dma_semaphore, #tpu.memory_space<semaphore_mem>>
        %dma_start3A_171 = arith.constant 0 : i32
        %dma_start3A_172 = tpu.memref_slice %arg9[%run_scoped3A_101, %dma_start3A_171] : memref<10x128xi32, #tpu.memory_space<vmem>> -> memref<1x128xi32, #tpu.memory_space<vmem>>
        %dma_start3A_173 = tpu.memref_squeeze %dma_start3A_172 : memref<1x128xi32, #tpu.memory_space<vmem>> -> memref<128xi32, #tpu.memory_space<vmem>>
        %dma_start3A_174 = arith.constant 0 : i32
        %dma_start3A_175 = arith.constant 0 : i32
        %dma_start3A_176 = tpu.memref_slice %arg7[%dma_start3A_174, %dma_start3A_175] : memref<10112x128xf32, #tpu.memory_space<vmem_shared>> -> memref<10112x128xf32, #tpu.memory_space<vmem_shared>>
        tpu.enqueue_indirect_dma source(%arg10 : memref<128x128xf32, #tpu.memory_space<vmem>>) target(%dma_start3A_176 : memref<10112x128xf32, #tpu.memory_space<vmem_shared>>) offsets(%dma_start3A_173 : memref<128xi32, #tpu.memory_space<vmem>>) semaphore(%run_scoped3A_170 : memref<!tpu.dma_semaphore, #tpu.memory_space<semaphore_mem>>) {add = true}
        %dma_wait3A_177 = arith.constant 0 : i32
        %dma_wait3A_178 = tpu.memref_slice %arg9[%run_scoped3A_101, %dma_wait3A_177] : memref<10x128xi32, #tpu.memory_space<vmem>> -> memref<1x128xi32, #tpu.memory_space<vmem>>
        %dma_wait3A_179 = tpu.memref_squeeze %dma_wait3A_178 : memref<1x128xi32, #tpu.memory_space<vmem>> -> memref<128xi32, #tpu.memory_space<vmem>>
        %dma_wait3A_180 = arith.constant 0 : i32
        %dma_wait3A_181 = arith.constant 0 : i32
        %dma_wait3A_182 = tpu.memref_slice %arg7[%dma_wait3A_180, %dma_wait3A_181] : memref<10112x128xf32, #tpu.memory_space<vmem_shared>> -> memref<10112x128xf32, #tpu.memory_space<vmem_shared>>
        tpu.wait_indirect_dma semaphore(%run_scoped3A_170 : memref<!tpu.dma_semaphore, #tpu.memory_space<semaphore_mem>>) src(%arg10 : memref<128x128xf32, #tpu.memory_space<vmem>>) dst(%dma_wait3A_182 : memref<10112x128xf32, #tpu.memory_space<vmem_shared>>)
        tpu.yield
      }) : () -> ()
      %dma_start3A_102 = arith.constant 6 : i32
      %dma_start3A_103 = arith.constant 0 : i32
      %dma_start3A_104 = tpu.memref_slice %arg8[%dma_start3A_102, %dma_start3A_103] : memref<10x128xi32, #tpu.memory_space<vmem>> -> memref<1x128xi32, #tpu.memory_space<vmem>>
      %dma_start3A_105 = tpu.memref_squeeze %dma_start3A_104 : memref<1x128xi32, #tpu.memory_space<vmem>> -> memref<128xi32, #tpu.memory_space<vmem>>
      %dma_start3A_106 = arith.constant 0 : i32
      %dma_start3A_107 = arith.constant 0 : i32
      %dma_start3A_108 = tpu.memref_slice %arg2[%dma_start3A_106, %dma_start3A_107] : memref<10000x128xf32, #tpu.memory_space<hbm>> -> memref<10000x128xf32, #tpu.memory_space<hbm>>
      tpu.enqueue_indirect_dma source(%dma_start3A_108 : memref<10000x128xf32, #tpu.memory_space<hbm>>) target(%arg10 : memref<128x128xf32, #tpu.memory_space<vmem>>) offsets(%dma_start3A_105 : memref<128xi32, #tpu.memory_space<vmem>>) semaphore(%arg12 : memref<!tpu.dma_semaphore, #tpu.memory_space<semaphore_mem>>)
      %dma_wait3A_109 = arith.constant 5 : i32
      %dma_wait3A_110 = arith.constant 0 : i32
      %dma_wait3A_111 = tpu.memref_slice %arg8[%dma_wait3A_109, %dma_wait3A_110] : memref<10x128xi32, #tpu.memory_space<vmem>> -> memref<1x128xi32, #tpu.memory_space<vmem>>
      %dma_wait3A_112 = tpu.memref_squeeze %dma_wait3A_111 : memref<1x128xi32, #tpu.memory_space<vmem>> -> memref<128xi32, #tpu.memory_space<vmem>>
      %dma_wait3A_113 = arith.constant 0 : i32
      %dma_wait3A_114 = arith.constant 0 : i32
      %dma_wait3A_115 = tpu.memref_slice %arg2[%dma_wait3A_113, %dma_wait3A_114] : memref<10000x128xf32, #tpu.memory_space<hbm>> -> memref<10000x128xf32, #tpu.memory_space<hbm>>
      tpu.wait_indirect_dma semaphore(%arg13 : memref<!tpu.dma_semaphore, #tpu.memory_space<semaphore_mem>>) src(%dma_wait3A_115 : memref<10000x128xf32, #tpu.memory_space<hbm>>) dst(%arg11 : memref<128x128xf32, #tpu.memory_space<vmem>>)
      %run_scoped3A_116 = arith.constant 5 : i32
      "tpu.region"() ({
        %run_scoped3A_170 = tpu.sem_alloc : memref<!tpu.dma_semaphore, #tpu.memory_space<semaphore_mem>>
        %dma_start3A_171 = arith.constant 0 : i32
        %dma_start3A_172 = tpu.memref_slice %arg9[%run_scoped3A_116, %dma_start3A_171] : memref<10x128xi32, #tpu.memory_space<vmem>> -> memref<1x128xi32, #tpu.memory_space<vmem>>
        %dma_start3A_173 = tpu.memref_squeeze %dma_start3A_172 : memref<1x128xi32, #tpu.memory_space<vmem>> -> memref<128xi32, #tpu.memory_space<vmem>>
        %dma_start3A_174 = arith.constant 0 : i32
        %dma_start3A_175 = arith.constant 0 : i32
        %dma_start3A_176 = tpu.memref_slice %arg7[%dma_start3A_174, %dma_start3A_175] : memref<10112x128xf32, #tpu.memory_space<vmem_shared>> -> memref<10112x128xf32, #tpu.memory_space<vmem_shared>>
        tpu.enqueue_indirect_dma source(%arg11 : memref<128x128xf32, #tpu.memory_space<vmem>>) target(%dma_start3A_176 : memref<10112x128xf32, #tpu.memory_space<vmem_shared>>) offsets(%dma_start3A_173 : memref<128xi32, #tpu.memory_space<vmem>>) semaphore(%run_scoped3A_170 : memref<!tpu.dma_semaphore, #tpu.memory_space<semaphore_mem>>) {add = true}
        %dma_wait3A_177 = arith.constant 0 : i32
        %dma_wait3A_178 = tpu.memref_slice %arg9[%run_scoped3A_116, %dma_wait3A_177] : memref<10x128xi32, #tpu.memory_space<vmem>> -> memref<1x128xi32, #tpu.memory_space<vmem>>
        %dma_wait3A_179 = tpu.memref_squeeze %dma_wait3A_178 : memref<1x128xi32, #tpu.memory_space<vmem>> -> memref<128xi32, #tpu.memory_space<vmem>>
        %dma_wait3A_180 = arith.constant 0 : i32
        %dma_wait3A_181 = arith.constant 0 : i32
        %dma_wait3A_182 = tpu.memref_slice %arg7[%dma_wait3A_180, %dma_wait3A_181] : memref<10112x128xf32, #tpu.memory_space<vmem_shared>> -> memref<10112x128xf32, #tpu.memory_space<vmem_shared>>
        tpu.wait_indirect_dma semaphore(%run_scoped3A_170 : memref<!tpu.dma_semaphore, #tpu.memory_space<semaphore_mem>>) src(%arg11 : memref<128x128xf32, #tpu.memory_space<vmem>>) dst(%dma_wait3A_182 : memref<10112x128xf32, #tpu.memory_space<vmem_shared>>)
        tpu.yield
      }) : () -> ()
      %dma_start3A_117 = arith.constant 7 : i32
      %dma_start3A_118 = arith.constant 0 : i32
      %dma_start3A_119 = tpu.memref_slice %arg8[%dma_start3A_117, %dma_start3A_118] : memref<10x128xi32, #tpu.memory_space<vmem>> -> memref<1x128xi32, #tpu.memory_space<vmem>>
      %dma_start3A_120 = tpu.memref_squeeze %dma_start3A_119 : memref<1x128xi32, #tpu.memory_space<vmem>> -> memref<128xi32, #tpu.memory_space<vmem>>
      %dma_start3A_121 = arith.constant 0 : i32
      %dma_start3A_122 = arith.constant 0 : i32
      %dma_start3A_123 = tpu.memref_slice %arg2[%dma_start3A_121, %dma_start3A_122] : memref<10000x128xf32, #tpu.memory_space<hbm>> -> memref<10000x128xf32, #tpu.memory_space<hbm>>
      tpu.enqueue_indirect_dma source(%dma_start3A_123 : memref<10000x128xf32, #tpu.memory_space<hbm>>) target(%arg11 : memref<128x128xf32, #tpu.memory_space<vmem>>) offsets(%dma_start3A_120 : memref<128xi32, #tpu.memory_space<vmem>>) semaphore(%arg13 : memref<!tpu.dma_semaphore, #tpu.memory_space<semaphore_mem>>)
      %dma_wait3A_124 = arith.constant 6 : i32
      %dma_wait3A_125 = arith.constant 0 : i32
      %dma_wait3A_126 = tpu.memref_slice %arg8[%dma_wait3A_124, %dma_wait3A_125] : memref<10x128xi32, #tpu.memory_space<vmem>> -> memref<1x128xi32, #tpu.memory_space<vmem>>
      %dma_wait3A_127 = tpu.memref_squeeze %dma_wait3A_126 : memref<1x128xi32, #tpu.memory_space<vmem>> -> memref<128xi32, #tpu.memory_space<vmem>>
      %dma_wait3A_128 = arith.constant 0 : i32
      %dma_wait3A_129 = arith.constant 0 : i32
      %dma_wait3A_130 = tpu.memref_slice %arg2[%dma_wait3A_128, %dma_wait3A_129] : memref<10000x128xf32, #tpu.memory_space<hbm>> -> memref<10000x128xf32, #tpu.memory_space<hbm>>
      tpu.wait_indirect_dma semaphore(%arg12 : memref<!tpu.dma_semaphore, #tpu.memory_space<semaphore_mem>>) src(%dma_wait3A_130 : memref<10000x128xf32, #tpu.memory_space<hbm>>) dst(%arg10 : memref<128x128xf32, #tpu.memory_space<vmem>>)
      %run_scoped3A_131 = arith.constant 6 : i32
      "tpu.region"() ({
        %run_scoped3A_170 = tpu.sem_alloc : memref<!tpu.dma_semaphore, #tpu.memory_space<semaphore_mem>>
        %dma_start3A_171 = arith.constant 0 : i32
        %dma_start3A_172 = tpu.memref_slice %arg9[%run_scoped3A_131, %dma_start3A_171] : memref<10x128xi32, #tpu.memory_space<vmem>> -> memref<1x128xi32, #tpu.memory_space<vmem>>
        %dma_start3A_173 = tpu.memref_squeeze %dma_start3A_172 : memref<1x128xi32, #tpu.memory_space<vmem>> -> memref<128xi32, #tpu.memory_space<vmem>>
        %dma_start3A_174 = arith.constant 0 : i32
        %dma_start3A_175 = arith.constant 0 : i32
        %dma_start3A_176 = tpu.memref_slice %arg7[%dma_start3A_174, %dma_start3A_175] : memref<10112x128xf32, #tpu.memory_space<vmem_shared>> -> memref<10112x128xf32, #tpu.memory_space<vmem_shared>>
        tpu.enqueue_indirect_dma source(%arg10 : memref<128x128xf32, #tpu.memory_space<vmem>>) target(%dma_start3A_176 : memref<10112x128xf32, #tpu.memory_space<vmem_shared>>) offsets(%dma_start3A_173 : memref<128xi32, #tpu.memory_space<vmem>>) semaphore(%run_scoped3A_170 : memref<!tpu.dma_semaphore, #tpu.memory_space<semaphore_mem>>) {add = true}
        %dma_wait3A_177 = arith.constant 0 : i32
        %dma_wait3A_178 = tpu.memref_slice %arg9[%run_scoped3A_131, %dma_wait3A_177] : memref<10x128xi32, #tpu.memory_space<vmem>> -> memref<1x128xi32, #tpu.memory_space<vmem>>
        %dma_wait3A_179 = tpu.memref_squeeze %dma_wait3A_178 : memref<1x128xi32, #tpu.memory_space<vmem>> -> memref<128xi32, #tpu.memory_space<vmem>>
        %dma_wait3A_180 = arith.constant 0 : i32
        %dma_wait3A_181 = arith.constant 0 : i32
        %dma_wait3A_182 = tpu.memref_slice %arg7[%dma_wait3A_180, %dma_wait3A_181] : memref<10112x128xf32, #tpu.memory_space<vmem_shared>> -> memref<10112x128xf32, #tpu.memory_space<vmem_shared>>
        tpu.wait_indirect_dma semaphore(%run_scoped3A_170 : memref<!tpu.dma_semaphore, #tpu.memory_space<semaphore_mem>>) src(%arg10 : memref<128x128xf32, #tpu.memory_space<vmem>>) dst(%dma_wait3A_182 : memref<10112x128xf32, #tpu.memory_space<vmem_shared>>)
        tpu.yield
      }) : () -> ()
      %dma_start3A_132 = arith.constant 8 : i32
      %dma_start3A_133 = arith.constant 0 : i32
      %dma_start3A_134 = tpu.memref_slice %arg8[%dma_start3A_132, %dma_start3A_133] : memref<10x128xi32, #tpu.memory_space<vmem>> -> memref<1x128xi32, #tpu.memory_space<vmem>>
      %dma_start3A_135 = tpu.memref_squeeze %dma_start3A_134 : memref<1x128xi32, #tpu.memory_space<vmem>> -> memref<128xi32, #tpu.memory_space<vmem>>
      %dma_start3A_136 = arith.constant 0 : i32
      %dma_start3A_137 = arith.constant 0 : i32
      %dma_start3A_138 = tpu.memref_slice %arg2[%dma_start3A_136, %dma_start3A_137] : memref<10000x128xf32, #tpu.memory_space<hbm>> -> memref<10000x128xf32, #tpu.memory_space<hbm>>
      tpu.enqueue_indirect_dma source(%dma_start3A_138 : memref<10000x128xf32, #tpu.memory_space<hbm>>) target(%arg10 : memref<128x128xf32, #tpu.memory_space<vmem>>) offsets(%dma_start3A_135 : memref<128xi32, #tpu.memory_space<vmem>>) semaphore(%arg12 : memref<!tpu.dma_semaphore, #tpu.memory_space<semaphore_mem>>)
      %dma_wait3A_139 = arith.constant 7 : i32
      %dma_wait3A_140 = arith.constant 0 : i32
      %dma_wait3A_141 = tpu.memref_slice %arg8[%dma_wait3A_139, %dma_wait3A_140] : memref<10x128xi32, #tpu.memory_space<vmem>> -> memref<1x128xi32, #tpu.memory_space<vmem>>
      %dma_wait3A_142 = tpu.memref_squeeze %dma_wait3A_141 : memref<1x128xi32, #tpu.memory_space<vmem>> -> memref<128xi32, #tpu.memory_space<vmem>>
      %dma_wait3A_143 = arith.constant 0 : i32
      %dma_wait3A_144 = arith.constant 0 : i32
      %dma_wait3A_145 = tpu.memref_slice %arg2[%dma_wait3A_143, %dma_wait3A_144] : memref<10000x128xf32, #tpu.memory_space<hbm>> -> memref<10000x128xf32, #tpu.memory_space<hbm>>
      tpu.wait_indirect_dma semaphore(%arg13 : memref<!tpu.dma_semaphore, #tpu.memory_space<semaphore_mem>>) src(%dma_wait3A_145 : memref<10000x128xf32, #tpu.memory_space<hbm>>) dst(%arg11 : memref<128x128xf32, #tpu.memory_space<vmem>>)
      %run_scoped3A_146 = arith.constant 7 : i32
      "tpu.region"() ({
        %run_scoped3A_170 = tpu.sem_alloc : memref<!tpu.dma_semaphore, #tpu.memory_space<semaphore_mem>>
        %dma_start3A_171 = arith.constant 0 : i32
        %dma_start3A_172 = tpu.memref_slice %arg9[%run_scoped3A_146, %dma_start3A_171] : memref<10x128xi32, #tpu.memory_space<vmem>> -> memref<1x128xi32, #tpu.memory_space<vmem>>
        %dma_start3A_173 = tpu.memref_squeeze %dma_start3A_172 : memref<1x128xi32, #tpu.memory_space<vmem>> -> memref<128xi32, #tpu.memory_space<vmem>>
        %dma_start3A_174 = arith.constant 0 : i32
        %dma_start3A_175 = arith.constant 0 : i32
        %dma_start3A_176 = tpu.memref_slice %arg7[%dma_start3A_174, %dma_start3A_175] : memref<10112x128xf32, #tpu.memory_space<vmem_shared>> -> memref<10112x128xf32, #tpu.memory_space<vmem_shared>>
        tpu.enqueue_indirect_dma source(%arg11 : memref<128x128xf32, #tpu.memory_space<vmem>>) target(%dma_start3A_176 : memref<10112x128xf32, #tpu.memory_space<vmem_shared>>) offsets(%dma_start3A_173 : memref<128xi32, #tpu.memory_space<vmem>>) semaphore(%run_scoped3A_170 : memref<!tpu.dma_semaphore, #tpu.memory_space<semaphore_mem>>) {add = true}
        %dma_wait3A_177 = arith.constant 0 : i32
        %dma_wait3A_178 = tpu.memref_slice %arg9[%run_scoped3A_146, %dma_wait3A_177] : memref<10x128xi32, #tpu.memory_space<vmem>> -> memref<1x128xi32, #tpu.memory_space<vmem>>
        %dma_wait3A_179 = tpu.memref_squeeze %dma_wait3A_178 : memref<1x128xi32, #tpu.memory_space<vmem>> -> memref<128xi32, #tpu.memory_space<vmem>>
        %dma_wait3A_180 = arith.constant 0 : i32
        %dma_wait3A_181 = arith.constant 0 : i32
        %dma_wait3A_182 = tpu.memref_slice %arg7[%dma_wait3A_180, %dma_wait3A_181] : memref<10112x128xf32, #tpu.memory_space<vmem_shared>> -> memref<10112x128xf32, #tpu.memory_space<vmem_shared>>
        tpu.wait_indirect_dma semaphore(%run_scoped3A_170 : memref<!tpu.dma_semaphore, #tpu.memory_space<semaphore_mem>>) src(%arg11 : memref<128x128xf32, #tpu.memory_space<vmem>>) dst(%dma_wait3A_182 : memref<10112x128xf32, #tpu.memory_space<vmem_shared>>)
        tpu.yield
      }) : () -> ()
      %dma_start3A_147 = arith.constant 9 : i32
      %dma_start3A_148 = arith.constant 0 : i32
      %dma_start3A_149 = tpu.memref_slice %arg8[%dma_start3A_147, %dma_start3A_148] : memref<10x128xi32, #tpu.memory_space<vmem>> -> memref<1x128xi32, #tpu.memory_space<vmem>>
      %dma_start3A_150 = tpu.memref_squeeze %dma_start3A_149 : memref<1x128xi32, #tpu.memory_space<vmem>> -> memref<128xi32, #tpu.memory_space<vmem>>
      %dma_start3A_151 = arith.constant 0 : i32
      %dma_start3A_152 = arith.constant 0 : i32
      %dma_start3A_153 = tpu.memref_slice %arg2[%dma_start3A_151, %dma_start3A_152] : memref<10000x128xf32, #tpu.memory_space<hbm>> -> memref<10000x128xf32, #tpu.memory_space<hbm>>
      tpu.enqueue_indirect_dma source(%dma_start3A_153 : memref<10000x128xf32, #tpu.memory_space<hbm>>) target(%arg11 : memref<128x128xf32, #tpu.memory_space<vmem>>) offsets(%dma_start3A_150 : memref<128xi32, #tpu.memory_space<vmem>>) semaphore(%arg13 : memref<!tpu.dma_semaphore, #tpu.memory_space<semaphore_mem>>)
      %dma_wait3A_154 = arith.constant 8 : i32
      %dma_wait3A_155 = arith.constant 0 : i32
      %dma_wait3A_156 = tpu.memref_slice %arg8[%dma_wait3A_154, %dma_wait3A_155] : memref<10x128xi32, #tpu.memory_space<vmem>> -> memref<1x128xi32, #tpu.memory_space<vmem>>
      %dma_wait3A_157 = tpu.memref_squeeze %dma_wait3A_156 : memref<1x128xi32, #tpu.memory_space<vmem>> -> memref<128xi32, #tpu.memory_space<vmem>>
      %dma_wait3A_158 = arith.constant 0 : i32
      %dma_wait3A_159 = arith.constant 0 : i32
      %dma_wait3A_160 = tpu.memref_slice %arg2[%dma_wait3A_158, %dma_wait3A_159] : memref<10000x128xf32, #tpu.memory_space<hbm>> -> memref<10000x128xf32, #tpu.memory_space<hbm>>
      tpu.wait_indirect_dma semaphore(%arg12 : memref<!tpu.dma_semaphore, #tpu.memory_space<semaphore_mem>>) src(%dma_wait3A_160 : memref<10000x128xf32, #tpu.memory_space<hbm>>) dst(%arg10 : memref<128x128xf32, #tpu.memory_space<vmem>>)
      %run_scoped3A_161 = arith.constant 8 : i32
      "tpu.region"() ({
        %run_scoped3A_170 = tpu.sem_alloc : memref<!tpu.dma_semaphore, #tpu.memory_space<semaphore_mem>>
        %dma_start3A_171 = arith.constant 0 : i32
        %dma_start3A_172 = tpu.memref_slice %arg9[%run_scoped3A_161, %dma_start3A_171] : memref<10x128xi32, #tpu.memory_space<vmem>> -> memref<1x128xi32, #tpu.memory_space<vmem>>
        %dma_start3A_173 = tpu.memref_squeeze %dma_start3A_172 : memref<1x128xi32, #tpu.memory_space<vmem>> -> memref<128xi32, #tpu.memory_space<vmem>>
        %dma_start3A_174 = arith.constant 0 : i32
        %dma_start3A_175 = arith.constant 0 : i32
        %dma_start3A_176 = tpu.memref_slice %arg7[%dma_start3A_174, %dma_start3A_175] : memref<10112x128xf32, #tpu.memory_space<vmem_shared>> -> memref<10112x128xf32, #tpu.memory_space<vmem_shared>>
        tpu.enqueue_indirect_dma source(%arg10 : memref<128x128xf32, #tpu.memory_space<vmem>>) target(%dma_start3A_176 : memref<10112x128xf32, #tpu.memory_space<vmem_shared>>) offsets(%dma_start3A_173 : memref<128xi32, #tpu.memory_space<vmem>>) semaphore(%run_scoped3A_170 : memref<!tpu.dma_semaphore, #tpu.memory_space<semaphore_mem>>) {add = true}
        %dma_wait3A_177 = arith.constant 0 : i32
        %dma_wait3A_178 = tpu.memref_slice %arg9[%run_scoped3A_161, %dma_wait3A_177] : memref<10x128xi32, #tpu.memory_space<vmem>> -> memref<1x128xi32, #tpu.memory_space<vmem>>
        %dma_wait3A_179 = tpu.memref_squeeze %dma_wait3A_178 : memref<1x128xi32, #tpu.memory_space<vmem>> -> memref<128xi32, #tpu.memory_space<vmem>>
        %dma_wait3A_180 = arith.constant 0 : i32
        %dma_wait3A_181 = arith.constant 0 : i32
        %dma_wait3A_182 = tpu.memref_slice %arg7[%dma_wait3A_180, %dma_wait3A_181] : memref<10112x128xf32, #tpu.memory_space<vmem_shared>> -> memref<10112x128xf32, #tpu.memory_space<vmem_shared>>
        tpu.wait_indirect_dma semaphore(%run_scoped3A_170 : memref<!tpu.dma_semaphore, #tpu.memory_space<semaphore_mem>>) src(%arg10 : memref<128x128xf32, #tpu.memory_space<vmem>>) dst(%dma_wait3A_182 : memref<10112x128xf32, #tpu.memory_space<vmem_shared>>)
        tpu.yield
      }) : () -> ()
      %dma_wait3A_162 = arith.constant 9 : i32
      %dma_wait3A_163 = arith.constant 0 : i32
      %dma_wait3A_164 = tpu.memref_slice %arg8[%dma_wait3A_162, %dma_wait3A_163] : memref<10x128xi32, #tpu.memory_space<vmem>> -> memref<1x128xi32, #tpu.memory_space<vmem>>
      %dma_wait3A_165 = tpu.memref_squeeze %dma_wait3A_164 : memref<1x128xi32, #tpu.memory_space<vmem>> -> memref<128xi32, #tpu.memory_space<vmem>>
      %dma_wait3A_166 = arith.constant 0 : i32
      %dma_wait3A_167 = arith.constant 0 : i32
      %dma_wait3A_168 = tpu.memref_slice %arg2[%dma_wait3A_166, %dma_wait3A_167] : memref<10000x128xf32, #tpu.memory_space<hbm>> -> memref<10000x128xf32, #tpu.memory_space<hbm>>
      tpu.wait_indirect_dma semaphore(%arg13 : memref<!tpu.dma_semaphore, #tpu.memory_space<semaphore_mem>>) src(%dma_wait3A_168 : memref<10000x128xf32, #tpu.memory_space<hbm>>) dst(%arg11 : memref<128x128xf32, #tpu.memory_space<vmem>>)
      %run_scoped3A_169 = arith.constant 9 : i32
      "tpu.region"() ({
        %run_scoped3A_170 = tpu.sem_alloc : memref<!tpu.dma_semaphore, #tpu.memory_space<semaphore_mem>>
        %dma_start3A_171 = arith.constant 0 : i32
        %dma_start3A_172 = tpu.memref_slice %arg9[%run_scoped3A_169, %dma_start3A_171] : memref<10x128xi32, #tpu.memory_space<vmem>> -> memref<1x128xi32, #tpu.memory_space<vmem>>
        %dma_start3A_173 = tpu.memref_squeeze %dma_start3A_172 : memref<1x128xi32, #tpu.memory_space<vmem>> -> memref<128xi32, #tpu.memory_space<vmem>>
        %dma_start3A_174 = arith.constant 0 : i32
        %dma_start3A_175 = arith.constant 0 : i32
        %dma_start3A_176 = tpu.memref_slice %arg7[%dma_start3A_174, %dma_start3A_175] : memref<10112x128xf32, #tpu.memory_space<vmem_shared>> -> memref<10112x128xf32, #tpu.memory_space<vmem_shared>>
        tpu.enqueue_indirect_dma source(%arg11 : memref<128x128xf32, #tpu.memory_space<vmem>>) target(%dma_start3A_176 : memref<10112x128xf32, #tpu.memory_space<vmem_shared>>) offsets(%dma_start3A_173 : memref<128xi32, #tpu.memory_space<vmem>>) semaphore(%run_scoped3A_170 : memref<!tpu.dma_semaphore, #tpu.memory_space<semaphore_mem>>) {add = true}
        %dma_wait3A_177 = arith.constant 0 : i32
        %dma_wait3A_178 = tpu.memref_slice %arg9[%run_scoped3A_169, %dma_wait3A_177] : memref<10x128xi32, #tpu.memory_space<vmem>> -> memref<1x128xi32, #tpu.memory_space<vmem>>
        %dma_wait3A_179 = tpu.memref_squeeze %dma_wait3A_178 : memref<1x128xi32, #tpu.memory_space<vmem>> -> memref<128xi32, #tpu.memory_space<vmem>>
        %dma_wait3A_180 = arith.constant 0 : i32
        %dma_wait3A_181 = arith.constant 0 : i32
        %dma_wait3A_182 = tpu.memref_slice %arg7[%dma_wait3A_180, %dma_wait3A_181] : memref<10112x128xf32, #tpu.memory_space<vmem_shared>> -> memref<10112x128xf32, #tpu.memory_space<vmem_shared>>
        tpu.wait_indirect_dma semaphore(%run_scoped3A_170 : memref<!tpu.dma_semaphore, #tpu.memory_space<semaphore_mem>>) src(%arg11 : memref<128x128xf32, #tpu.memory_space<vmem>>) dst(%dma_wait3A_182 : memref<10112x128xf32, #tpu.memory_space<vmem_shared>>)
        tpu.yield
      }) : () -> ()
    }
    %scan3A_6 = arith.constant 8 : i32
    %barrier3A_7 = arith.constant 0 : index
    tpu.barrier barrier_id(%barrier3A_7)
    %mul3A_8 = arith.constant 632 : i32
    %mul3A_9 = arith.muli %arg1, %mul3A_8 : i32
    %mul3A_10 = arith.constant 632 : i32
    %mul3A_11 = arith.muli %arg1, %mul3A_10 : i32
    "tpu.region"() ({
      %run_scoped3A = tpu.sem_alloc : memref<!tpu.dma_semaphore, #tpu.memory_space<semaphore_mem>>
      %dma_start3A = arith.constant 0 : i32
      %dma_start3A_12 = tpu.memref_slice %arg6[%arg0, %mul3A_11, %dma_start3A] : memref<2x10112x128xf32, #tpu.memory_space<hbm>> -> memref<1x632x128xf32, #tpu.memory_space<hbm>>
      %dma_start3A_13 = tpu.memref_squeeze %dma_start3A_12 : memref<1x632x128xf32, #tpu.memory_space<hbm>> -> memref<632x128xf32, #tpu.memory_space<hbm>>
      %dma_start3A_14 = arith.constant 0 : i32
      %dma_start3A_15 = tpu.memref_slice %arg7[%mul3A_9, %dma_start3A_14] : memref<10112x128xf32, #tpu.memory_space<vmem_shared>> -> memref<632x128xf32, #tpu.memory_space<vmem_shared>>
      tpu.enqueue_dma source(%dma_start3A_15 : memref<632x128xf32, #tpu.memory_space<vmem_shared>>) target(%dma_start3A_13 : memref<632x128xf32, #tpu.memory_space<hbm>>) target_semaphore(%run_scoped3A : memref<!tpu.dma_semaphore, #tpu.memory_space<semaphore_mem>>)
      %dma_wait3A = arith.constant 0 : i32
      %dma_wait3A_16 = tpu.memref_slice %arg6[%arg0, %mul3A_11, %dma_wait3A] : memref<2x10112x128xf32, #tpu.memory_space<hbm>> -> memref<1x632x128xf32, #tpu.memory_space<hbm>>
      %dma_wait3A_17 = tpu.memref_squeeze %dma_wait3A_16 : memref<1x632x128xf32, #tpu.memory_space<hbm>> -> memref<632x128xf32, #tpu.memory_space<hbm>>
      %dma_wait3A_18 = arith.constant 0 : i32
      %dma_wait3A_19 = tpu.memref_slice %arg7[%mul3A_9, %dma_wait3A_18] : memref<10112x128xf32, #tpu.memory_space<vmem_shared>> -> memref<632x128xf32, #tpu.memory_space<vmem_shared>>
      tpu.wait_dma2 semaphore(%run_scoped3A : memref<!tpu.dma_semaphore, #tpu.memory_space<semaphore_mem>>) src(%dma_wait3A_19 : memref<632x128xf32, #tpu.memory_space<vmem_shared>>) dst(%dma_wait3A_17 : memref<632x128xf32, #tpu.memory_space<hbm>>)
      tpu.yield
    }) : () -> ()
    return
  }
}

#map = affine_map<(d0, d1) -> (0, 0, 0)>
#map1 = affine_map<(d0, d1) -> (0, 0)>
module attributes {stable_mosaic.version = 14 : i64} {
  func.func @deg_kernel(%arg0: i32, %arg1: i32, %arg2: memref<160x25x80xi32, #tpu.memory_space<hbm>>, %arg3: memref<80x16xf32, #tpu.memory_space<hbm>>, %arg4: memref<632x16xf32, #tpu.memory_space<hbm>>, %arg5: memref<2x10112x16xf32, #tpu.memory_space<hbm>>, %arg6: memref<10112x16xf32, #tpu.memory_space<vmem_shared>>, %arg7: memref<25x80xi32, #tpu.memory_space<vmem>>, %arg8: memref<80x16xf32, #tpu.memory_space<vmem>>) attributes {dimension_semantics = [#tpu.dimension_semantics<core_parallel>, #tpu.dimension_semantics<subcore_parallel>], iteration_bounds = array<i64: 2, 16>, scalar_prefetch = 0 : i64, scratch_operands = 3 : i64, tpu.core_type = #tpu.core_type<sc_vector_subcore>, window_params = [{transform_indices = #map}, {transform_indices = #map1}, {transform_indices = #map1}, {transform_indices = #map}]} {
    %mul3A = arith.constant 16 : i32
    %mul3A_0 = arith.muli %arg0, %mul3A : i32
    %add3A = arith.addi %mul3A_0, %arg1 : i32
    %mul3A_1 = arith.constant 632 : i32
    %mul3A_2 = arith.muli %arg1, %mul3A_1 : i32
    "tpu.region"() ({
      %run_scoped3A = tpu.sem_alloc : memref<!tpu.dma_semaphore, #tpu.memory_space<semaphore_mem>>
      %dma_start3A = arith.constant 0 : i32
      %dma_start3A_12 = tpu.memref_slice %arg6[%mul3A_2, %dma_start3A] : memref<10112x16xf32, #tpu.memory_space<vmem_shared>> -> memref<632x16xf32, #tpu.memory_space<vmem_shared>>
      tpu.enqueue_dma source(%arg4 : memref<632x16xf32, #tpu.memory_space<hbm>>) target(%dma_start3A_12 : memref<632x16xf32, #tpu.memory_space<vmem_shared>>) target_semaphore(%run_scoped3A : memref<!tpu.dma_semaphore, #tpu.memory_space<semaphore_mem>>)
      %dma_wait3A = arith.constant 0 : i32
      %dma_wait3A_13 = tpu.memref_slice %arg6[%mul3A_2, %dma_wait3A] : memref<10112x16xf32, #tpu.memory_space<vmem_shared>> -> memref<632x16xf32, #tpu.memory_space<vmem_shared>>
      tpu.wait_dma2 semaphore(%run_scoped3A : memref<!tpu.dma_semaphore, #tpu.memory_space<semaphore_mem>>) src(%arg4 : memref<632x16xf32, #tpu.memory_space<hbm>>) dst(%dma_wait3A_13 : memref<632x16xf32, #tpu.memory_space<vmem_shared>>)
      tpu.yield
    }) : () -> ()
    "tpu.region"() ({
      %run_scoped3A = tpu.sem_alloc : memref<!tpu.dma_semaphore, #tpu.memory_space<semaphore_mem>>
      tpu.enqueue_dma source(%arg3 : memref<80x16xf32, #tpu.memory_space<hbm>>) target(%arg8 : memref<80x16xf32, #tpu.memory_space<vmem>>) target_semaphore(%run_scoped3A : memref<!tpu.dma_semaphore, #tpu.memory_space<semaphore_mem>>)
      tpu.wait_dma2 semaphore(%run_scoped3A : memref<!tpu.dma_semaphore, #tpu.memory_space<semaphore_mem>>) src(%arg3 : memref<80x16xf32, #tpu.memory_space<hbm>>) dst(%arg8 : memref<80x16xf32, #tpu.memory_space<vmem>>)
      tpu.yield
    }) : () -> ()
    %barrier3A = arith.constant 0 : index
    tpu.barrier barrier_id(%barrier3A)
    %scan3A = arith.constant 0 : i32
    %scan3A_3 = arith.constant 5 : i32
    %scan3A_4 = arith.addi %scan3A, %scan3A_3 : i32
    %scan3A_5 = arith.constant 1 : i32
    scf.for %scan3A_12 = %scan3A to %scan3A_4 step %scan3A_5  : i32 {
      %mul3A_13 = arith.constant 1 : i32
      %mul3A_14 = arith.muli %scan3A_12, %mul3A_13 : i32
      %add3A_15 = arith.constant 0 : i32
      %add3A_16 = arith.addi %add3A_15, %mul3A_14 : i32
      %mul3A_17 = arith.constant 32 : i32
      %mul3A_18 = arith.muli %add3A_16, %mul3A_17 : i32
      %add3A_19 = arith.addi %mul3A_18, %add3A : i32
      "tpu.region"() ({
        %run_scoped3A_44 = tpu.sem_alloc : memref<!tpu.dma_semaphore, #tpu.memory_space<semaphore_mem>>
        %dma_start3A = arith.constant 0 : i32
        %dma_start3A_45 = arith.constant 0 : i32
        %dma_start3A_46 = tpu.memref_slice %arg2[%add3A_19, %dma_start3A, %dma_start3A_45] : memref<160x25x80xi32, #tpu.memory_space<hbm>> -> memref<1x25x80xi32, #tpu.memory_space<hbm>>
        %dma_start3A_47 = tpu.memref_squeeze %dma_start3A_46 : memref<1x25x80xi32, #tpu.memory_space<hbm>> -> memref<25x80xi32, #tpu.memory_space<hbm>>
        %dma_start3A_48 = arith.constant 0 : i32
        %dma_start3A_49 = arith.constant 0 : i32
        %dma_start3A_50 = tpu.memref_slice %arg2[%add3A_19, %dma_start3A_48, %dma_start3A_49] : memref<160x25x80xi32, #tpu.memory_space<hbm>> -> memref<1x25x80xi32, #tpu.memory_space<hbm>>
        %dma_start3A_51 = tpu.memref_squeeze %dma_start3A_50 : memref<1x25x80xi32, #tpu.memory_space<hbm>> -> memref<25x80xi32, #tpu.memory_space<hbm>>
        tpu.enqueue_dma source(%dma_start3A_51 : memref<25x80xi32, #tpu.memory_space<hbm>>) target(%arg7 : memref<25x80xi32, #tpu.memory_space<vmem>>) target_semaphore(%run_scoped3A_44 : memref<!tpu.dma_semaphore, #tpu.memory_space<semaphore_mem>>)
        %dma_wait3A = arith.constant 0 : i32
        %dma_wait3A_52 = arith.constant 0 : i32
        %dma_wait3A_53 = tpu.memref_slice %arg2[%add3A_19, %dma_wait3A, %dma_wait3A_52] : memref<160x25x80xi32, #tpu.memory_space<hbm>> -> memref<1x25x80xi32, #tpu.memory_space<hbm>>
        %dma_wait3A_54 = tpu.memref_squeeze %dma_wait3A_53 : memref<1x25x80xi32, #tpu.memory_space<hbm>> -> memref<25x80xi32, #tpu.memory_space<hbm>>
        %dma_wait3A_55 = arith.constant 0 : i32
        %dma_wait3A_56 = arith.constant 0 : i32
        %dma_wait3A_57 = tpu.memref_slice %arg2[%add3A_19, %dma_wait3A_55, %dma_wait3A_56] : memref<160x25x80xi32, #tpu.memory_space<hbm>> -> memref<1x25x80xi32, #tpu.memory_space<hbm>>
        %dma_wait3A_58 = tpu.memref_squeeze %dma_wait3A_57 : memref<1x25x80xi32, #tpu.memory_space<hbm>> -> memref<25x80xi32, #tpu.memory_space<hbm>>
        tpu.wait_dma2 semaphore(%run_scoped3A_44 : memref<!tpu.dma_semaphore, #tpu.memory_space<semaphore_mem>>) src(%dma_wait3A_58 : memref<25x80xi32, #tpu.memory_space<hbm>>) dst(%arg7 : memref<25x80xi32, #tpu.memory_space<vmem>>)
        tpu.yield
      }) : () -> ()
      %run_scoped3A = arith.constant 0 : i32
      "tpu.region"() ({
        %run_scoped3A_44 = tpu.sem_alloc : memref<!tpu.dma_semaphore, #tpu.memory_space<semaphore_mem>>
        %dma_start3A = arith.constant 0 : i32
        %dma_start3A_45 = tpu.memref_slice %arg7[%run_scoped3A, %dma_start3A] : memref<25x80xi32, #tpu.memory_space<vmem>> -> memref<1x80xi32, #tpu.memory_space<vmem>>
        %dma_start3A_46 = tpu.memref_squeeze %dma_start3A_45 : memref<1x80xi32, #tpu.memory_space<vmem>> -> memref<80xi32, #tpu.memory_space<vmem>>
        %dma_start3A_47 = arith.constant 0 : i32
        %dma_start3A_48 = arith.constant 0 : i32
        %dma_start3A_49 = tpu.memref_slice %arg6[%dma_start3A_47, %dma_start3A_48] : memref<10112x16xf32, #tpu.memory_space<vmem_shared>> -> memref<10112x16xf32, #tpu.memory_space<vmem_shared>>
        tpu.enqueue_indirect_dma source(%arg8 : memref<80x16xf32, #tpu.memory_space<vmem>>) target(%dma_start3A_49 : memref<10112x16xf32, #tpu.memory_space<vmem_shared>>) offsets(%dma_start3A_46 : memref<80xi32, #tpu.memory_space<vmem>>) semaphore(%run_scoped3A_44 : memref<!tpu.dma_semaphore, #tpu.memory_space<semaphore_mem>>) {add = true}
        %dma_wait3A = arith.constant 0 : i32
        %dma_wait3A_50 = tpu.memref_slice %arg7[%run_scoped3A, %dma_wait3A] : memref<25x80xi32, #tpu.memory_space<vmem>> -> memref<1x80xi32, #tpu.memory_space<vmem>>
        %dma_wait3A_51 = tpu.memref_squeeze %dma_wait3A_50 : memref<1x80xi32, #tpu.memory_space<vmem>> -> memref<80xi32, #tpu.memory_space<vmem>>
        %dma_wait3A_52 = arith.constant 0 : i32
        %dma_wait3A_53 = arith.constant 0 : i32
        %dma_wait3A_54 = tpu.memref_slice %arg6[%dma_wait3A_52, %dma_wait3A_53] : memref<10112x16xf32, #tpu.memory_space<vmem_shared>> -> memref<10112x16xf32, #tpu.memory_space<vmem_shared>>
        tpu.wait_indirect_dma semaphore(%run_scoped3A_44 : memref<!tpu.dma_semaphore, #tpu.memory_space<semaphore_mem>>) src(%arg8 : memref<80x16xf32, #tpu.memory_space<vmem>>) dst(%dma_wait3A_54 : memref<10112x16xf32, #tpu.memory_space<vmem_shared>>)
        tpu.yield
      }) : () -> ()
      %run_scoped3A_20 = arith.constant 1 : i32
      "tpu.region"() ({
        %run_scoped3A_44 = tpu.sem_alloc : memref<!tpu.dma_semaphore, #tpu.memory_space<semaphore_mem>>
        %dma_start3A = arith.constant 0 : i32
        %dma_start3A_45 = tpu.memref_slice %arg7[%run_scoped3A_20, %dma_start3A] : memref<25x80xi32, #tpu.memory_space<vmem>> -> memref<1x80xi32, #tpu.memory_space<vmem>>
        %dma_start3A_46 = tpu.memref_squeeze %dma_start3A_45 : memref<1x80xi32, #tpu.memory_space<vmem>> -> memref<80xi32, #tpu.memory_space<vmem>>
        %dma_start3A_47 = arith.constant 0 : i32
        %dma_start3A_48 = arith.constant 0 : i32
        %dma_start3A_49 = tpu.memref_slice %arg6[%dma_start3A_47, %dma_start3A_48] : memref<10112x16xf32, #tpu.memory_space<vmem_shared>> -> memref<10112x16xf32, #tpu.memory_space<vmem_shared>>
        tpu.enqueue_indirect_dma source(%arg8 : memref<80x16xf32, #tpu.memory_space<vmem>>) target(%dma_start3A_49 : memref<10112x16xf32, #tpu.memory_space<vmem_shared>>) offsets(%dma_start3A_46 : memref<80xi32, #tpu.memory_space<vmem>>) semaphore(%run_scoped3A_44 : memref<!tpu.dma_semaphore, #tpu.memory_space<semaphore_mem>>) {add = true}
        %dma_wait3A = arith.constant 0 : i32
        %dma_wait3A_50 = tpu.memref_slice %arg7[%run_scoped3A_20, %dma_wait3A] : memref<25x80xi32, #tpu.memory_space<vmem>> -> memref<1x80xi32, #tpu.memory_space<vmem>>
        %dma_wait3A_51 = tpu.memref_squeeze %dma_wait3A_50 : memref<1x80xi32, #tpu.memory_space<vmem>> -> memref<80xi32, #tpu.memory_space<vmem>>
        %dma_wait3A_52 = arith.constant 0 : i32
        %dma_wait3A_53 = arith.constant 0 : i32
        %dma_wait3A_54 = tpu.memref_slice %arg6[%dma_wait3A_52, %dma_wait3A_53] : memref<10112x16xf32, #tpu.memory_space<vmem_shared>> -> memref<10112x16xf32, #tpu.memory_space<vmem_shared>>
        tpu.wait_indirect_dma semaphore(%run_scoped3A_44 : memref<!tpu.dma_semaphore, #tpu.memory_space<semaphore_mem>>) src(%arg8 : memref<80x16xf32, #tpu.memory_space<vmem>>) dst(%dma_wait3A_54 : memref<10112x16xf32, #tpu.memory_space<vmem_shared>>)
        tpu.yield
      }) : () -> ()
      %run_scoped3A_21 = arith.constant 2 : i32
      "tpu.region"() ({
        %run_scoped3A_44 = tpu.sem_alloc : memref<!tpu.dma_semaphore, #tpu.memory_space<semaphore_mem>>
        %dma_start3A = arith.constant 0 : i32
        %dma_start3A_45 = tpu.memref_slice %arg7[%run_scoped3A_21, %dma_start3A] : memref<25x80xi32, #tpu.memory_space<vmem>> -> memref<1x80xi32, #tpu.memory_space<vmem>>
        %dma_start3A_46 = tpu.memref_squeeze %dma_start3A_45 : memref<1x80xi32, #tpu.memory_space<vmem>> -> memref<80xi32, #tpu.memory_space<vmem>>
        %dma_start3A_47 = arith.constant 0 : i32
        %dma_start3A_48 = arith.constant 0 : i32
        %dma_start3A_49 = tpu.memref_slice %arg6[%dma_start3A_47, %dma_start3A_48] : memref<10112x16xf32, #tpu.memory_space<vmem_shared>> -> memref<10112x16xf32, #tpu.memory_space<vmem_shared>>
        tpu.enqueue_indirect_dma source(%arg8 : memref<80x16xf32, #tpu.memory_space<vmem>>) target(%dma_start3A_49 : memref<10112x16xf32, #tpu.memory_space<vmem_shared>>) offsets(%dma_start3A_46 : memref<80xi32, #tpu.memory_space<vmem>>) semaphore(%run_scoped3A_44 : memref<!tpu.dma_semaphore, #tpu.memory_space<semaphore_mem>>) {add = true}
        %dma_wait3A = arith.constant 0 : i32
        %dma_wait3A_50 = tpu.memref_slice %arg7[%run_scoped3A_21, %dma_wait3A] : memref<25x80xi32, #tpu.memory_space<vmem>> -> memref<1x80xi32, #tpu.memory_space<vmem>>
        %dma_wait3A_51 = tpu.memref_squeeze %dma_wait3A_50 : memref<1x80xi32, #tpu.memory_space<vmem>> -> memref<80xi32, #tpu.memory_space<vmem>>
        %dma_wait3A_52 = arith.constant 0 : i32
        %dma_wait3A_53 = arith.constant 0 : i32
        %dma_wait3A_54 = tpu.memref_slice %arg6[%dma_wait3A_52, %dma_wait3A_53] : memref<10112x16xf32, #tpu.memory_space<vmem_shared>> -> memref<10112x16xf32, #tpu.memory_space<vmem_shared>>
        tpu.wait_indirect_dma semaphore(%run_scoped3A_44 : memref<!tpu.dma_semaphore, #tpu.memory_space<semaphore_mem>>) src(%arg8 : memref<80x16xf32, #tpu.memory_space<vmem>>) dst(%dma_wait3A_54 : memref<10112x16xf32, #tpu.memory_space<vmem_shared>>)
        tpu.yield
      }) : () -> ()
      %run_scoped3A_22 = arith.constant 3 : i32
      "tpu.region"() ({
        %run_scoped3A_44 = tpu.sem_alloc : memref<!tpu.dma_semaphore, #tpu.memory_space<semaphore_mem>>
        %dma_start3A = arith.constant 0 : i32
        %dma_start3A_45 = tpu.memref_slice %arg7[%run_scoped3A_22, %dma_start3A] : memref<25x80xi32, #tpu.memory_space<vmem>> -> memref<1x80xi32, #tpu.memory_space<vmem>>
        %dma_start3A_46 = tpu.memref_squeeze %dma_start3A_45 : memref<1x80xi32, #tpu.memory_space<vmem>> -> memref<80xi32, #tpu.memory_space<vmem>>
        %dma_start3A_47 = arith.constant 0 : i32
        %dma_start3A_48 = arith.constant 0 : i32
        %dma_start3A_49 = tpu.memref_slice %arg6[%dma_start3A_47, %dma_start3A_48] : memref<10112x16xf32, #tpu.memory_space<vmem_shared>> -> memref<10112x16xf32, #tpu.memory_space<vmem_shared>>
        tpu.enqueue_indirect_dma source(%arg8 : memref<80x16xf32, #tpu.memory_space<vmem>>) target(%dma_start3A_49 : memref<10112x16xf32, #tpu.memory_space<vmem_shared>>) offsets(%dma_start3A_46 : memref<80xi32, #tpu.memory_space<vmem>>) semaphore(%run_scoped3A_44 : memref<!tpu.dma_semaphore, #tpu.memory_space<semaphore_mem>>) {add = true}
        %dma_wait3A = arith.constant 0 : i32
        %dma_wait3A_50 = tpu.memref_slice %arg7[%run_scoped3A_22, %dma_wait3A] : memref<25x80xi32, #tpu.memory_space<vmem>> -> memref<1x80xi32, #tpu.memory_space<vmem>>
        %dma_wait3A_51 = tpu.memref_squeeze %dma_wait3A_50 : memref<1x80xi32, #tpu.memory_space<vmem>> -> memref<80xi32, #tpu.memory_space<vmem>>
        %dma_wait3A_52 = arith.constant 0 : i32
        %dma_wait3A_53 = arith.constant 0 : i32
        %dma_wait3A_54 = tpu.memref_slice %arg6[%dma_wait3A_52, %dma_wait3A_53] : memref<10112x16xf32, #tpu.memory_space<vmem_shared>> -> memref<10112x16xf32, #tpu.memory_space<vmem_shared>>
        tpu.wait_indirect_dma semaphore(%run_scoped3A_44 : memref<!tpu.dma_semaphore, #tpu.memory_space<semaphore_mem>>) src(%arg8 : memref<80x16xf32, #tpu.memory_space<vmem>>) dst(%dma_wait3A_54 : memref<10112x16xf32, #tpu.memory_space<vmem_shared>>)
        tpu.yield
      }) : () -> ()
      %run_scoped3A_23 = arith.constant 4 : i32
      "tpu.region"() ({
        %run_scoped3A_44 = tpu.sem_alloc : memref<!tpu.dma_semaphore, #tpu.memory_space<semaphore_mem>>
        %dma_start3A = arith.constant 0 : i32
        %dma_start3A_45 = tpu.memref_slice %arg7[%run_scoped3A_23, %dma_start3A] : memref<25x80xi32, #tpu.memory_space<vmem>> -> memref<1x80xi32, #tpu.memory_space<vmem>>
        %dma_start3A_46 = tpu.memref_squeeze %dma_start3A_45 : memref<1x80xi32, #tpu.memory_space<vmem>> -> memref<80xi32, #tpu.memory_space<vmem>>
        %dma_start3A_47 = arith.constant 0 : i32
        %dma_start3A_48 = arith.constant 0 : i32
        %dma_start3A_49 = tpu.memref_slice %arg6[%dma_start3A_47, %dma_start3A_48] : memref<10112x16xf32, #tpu.memory_space<vmem_shared>> -> memref<10112x16xf32, #tpu.memory_space<vmem_shared>>
        tpu.enqueue_indirect_dma source(%arg8 : memref<80x16xf32, #tpu.memory_space<vmem>>) target(%dma_start3A_49 : memref<10112x16xf32, #tpu.memory_space<vmem_shared>>) offsets(%dma_start3A_46 : memref<80xi32, #tpu.memory_space<vmem>>) semaphore(%run_scoped3A_44 : memref<!tpu.dma_semaphore, #tpu.memory_space<semaphore_mem>>) {add = true}
        %dma_wait3A = arith.constant 0 : i32
        %dma_wait3A_50 = tpu.memref_slice %arg7[%run_scoped3A_23, %dma_wait3A] : memref<25x80xi32, #tpu.memory_space<vmem>> -> memref<1x80xi32, #tpu.memory_space<vmem>>
        %dma_wait3A_51 = tpu.memref_squeeze %dma_wait3A_50 : memref<1x80xi32, #tpu.memory_space<vmem>> -> memref<80xi32, #tpu.memory_space<vmem>>
        %dma_wait3A_52 = arith.constant 0 : i32
        %dma_wait3A_53 = arith.constant 0 : i32
        %dma_wait3A_54 = tpu.memref_slice %arg6[%dma_wait3A_52, %dma_wait3A_53] : memref<10112x16xf32, #tpu.memory_space<vmem_shared>> -> memref<10112x16xf32, #tpu.memory_space<vmem_shared>>
        tpu.wait_indirect_dma semaphore(%run_scoped3A_44 : memref<!tpu.dma_semaphore, #tpu.memory_space<semaphore_mem>>) src(%arg8 : memref<80x16xf32, #tpu.memory_space<vmem>>) dst(%dma_wait3A_54 : memref<10112x16xf32, #tpu.memory_space<vmem_shared>>)
        tpu.yield
      }) : () -> ()
      %run_scoped3A_24 = arith.constant 5 : i32
      "tpu.region"() ({
        %run_scoped3A_44 = tpu.sem_alloc : memref<!tpu.dma_semaphore, #tpu.memory_space<semaphore_mem>>
        %dma_start3A = arith.constant 0 : i32
        %dma_start3A_45 = tpu.memref_slice %arg7[%run_scoped3A_24, %dma_start3A] : memref<25x80xi32, #tpu.memory_space<vmem>> -> memref<1x80xi32, #tpu.memory_space<vmem>>
        %dma_start3A_46 = tpu.memref_squeeze %dma_start3A_45 : memref<1x80xi32, #tpu.memory_space<vmem>> -> memref<80xi32, #tpu.memory_space<vmem>>
        %dma_start3A_47 = arith.constant 0 : i32
        %dma_start3A_48 = arith.constant 0 : i32
        %dma_start3A_49 = tpu.memref_slice %arg6[%dma_start3A_47, %dma_start3A_48] : memref<10112x16xf32, #tpu.memory_space<vmem_shared>> -> memref<10112x16xf32, #tpu.memory_space<vmem_shared>>
        tpu.enqueue_indirect_dma source(%arg8 : memref<80x16xf32, #tpu.memory_space<vmem>>) target(%dma_start3A_49 : memref<10112x16xf32, #tpu.memory_space<vmem_shared>>) offsets(%dma_start3A_46 : memref<80xi32, #tpu.memory_space<vmem>>) semaphore(%run_scoped3A_44 : memref<!tpu.dma_semaphore, #tpu.memory_space<semaphore_mem>>) {add = true}
        %dma_wait3A = arith.constant 0 : i32
        %dma_wait3A_50 = tpu.memref_slice %arg7[%run_scoped3A_24, %dma_wait3A] : memref<25x80xi32, #tpu.memory_space<vmem>> -> memref<1x80xi32, #tpu.memory_space<vmem>>
        %dma_wait3A_51 = tpu.memref_squeeze %dma_wait3A_50 : memref<1x80xi32, #tpu.memory_space<vmem>> -> memref<80xi32, #tpu.memory_space<vmem>>
        %dma_wait3A_52 = arith.constant 0 : i32
        %dma_wait3A_53 = arith.constant 0 : i32
        %dma_wait3A_54 = tpu.memref_slice %arg6[%dma_wait3A_52, %dma_wait3A_53] : memref<10112x16xf32, #tpu.memory_space<vmem_shared>> -> memref<10112x16xf32, #tpu.memory_space<vmem_shared>>
        tpu.wait_indirect_dma semaphore(%run_scoped3A_44 : memref<!tpu.dma_semaphore, #tpu.memory_space<semaphore_mem>>) src(%arg8 : memref<80x16xf32, #tpu.memory_space<vmem>>) dst(%dma_wait3A_54 : memref<10112x16xf32, #tpu.memory_space<vmem_shared>>)
        tpu.yield
      }) : () -> ()
      %run_scoped3A_25 = arith.constant 6 : i32
      "tpu.region"() ({
        %run_scoped3A_44 = tpu.sem_alloc : memref<!tpu.dma_semaphore, #tpu.memory_space<semaphore_mem>>
        %dma_start3A = arith.constant 0 : i32
        %dma_start3A_45 = tpu.memref_slice %arg7[%run_scoped3A_25, %dma_start3A] : memref<25x80xi32, #tpu.memory_space<vmem>> -> memref<1x80xi32, #tpu.memory_space<vmem>>
        %dma_start3A_46 = tpu.memref_squeeze %dma_start3A_45 : memref<1x80xi32, #tpu.memory_space<vmem>> -> memref<80xi32, #tpu.memory_space<vmem>>
        %dma_start3A_47 = arith.constant 0 : i32
        %dma_start3A_48 = arith.constant 0 : i32
        %dma_start3A_49 = tpu.memref_slice %arg6[%dma_start3A_47, %dma_start3A_48] : memref<10112x16xf32, #tpu.memory_space<vmem_shared>> -> memref<10112x16xf32, #tpu.memory_space<vmem_shared>>
        tpu.enqueue_indirect_dma source(%arg8 : memref<80x16xf32, #tpu.memory_space<vmem>>) target(%dma_start3A_49 : memref<10112x16xf32, #tpu.memory_space<vmem_shared>>) offsets(%dma_start3A_46 : memref<80xi32, #tpu.memory_space<vmem>>) semaphore(%run_scoped3A_44 : memref<!tpu.dma_semaphore, #tpu.memory_space<semaphore_mem>>) {add = true}
        %dma_wait3A = arith.constant 0 : i32
        %dma_wait3A_50 = tpu.memref_slice %arg7[%run_scoped3A_25, %dma_wait3A] : memref<25x80xi32, #tpu.memory_space<vmem>> -> memref<1x80xi32, #tpu.memory_space<vmem>>
        %dma_wait3A_51 = tpu.memref_squeeze %dma_wait3A_50 : memref<1x80xi32, #tpu.memory_space<vmem>> -> memref<80xi32, #tpu.memory_space<vmem>>
        %dma_wait3A_52 = arith.constant 0 : i32
        %dma_wait3A_53 = arith.constant 0 : i32
        %dma_wait3A_54 = tpu.memref_slice %arg6[%dma_wait3A_52, %dma_wait3A_53] : memref<10112x16xf32, #tpu.memory_space<vmem_shared>> -> memref<10112x16xf32, #tpu.memory_space<vmem_shared>>
        tpu.wait_indirect_dma semaphore(%run_scoped3A_44 : memref<!tpu.dma_semaphore, #tpu.memory_space<semaphore_mem>>) src(%arg8 : memref<80x16xf32, #tpu.memory_space<vmem>>) dst(%dma_wait3A_54 : memref<10112x16xf32, #tpu.memory_space<vmem_shared>>)
        tpu.yield
      }) : () -> ()
      %run_scoped3A_26 = arith.constant 7 : i32
      "tpu.region"() ({
        %run_scoped3A_44 = tpu.sem_alloc : memref<!tpu.dma_semaphore, #tpu.memory_space<semaphore_mem>>
        %dma_start3A = arith.constant 0 : i32
        %dma_start3A_45 = tpu.memref_slice %arg7[%run_scoped3A_26, %dma_start3A] : memref<25x80xi32, #tpu.memory_space<vmem>> -> memref<1x80xi32, #tpu.memory_space<vmem>>
        %dma_start3A_46 = tpu.memref_squeeze %dma_start3A_45 : memref<1x80xi32, #tpu.memory_space<vmem>> -> memref<80xi32, #tpu.memory_space<vmem>>
        %dma_start3A_47 = arith.constant 0 : i32
        %dma_start3A_48 = arith.constant 0 : i32
        %dma_start3A_49 = tpu.memref_slice %arg6[%dma_start3A_47, %dma_start3A_48] : memref<10112x16xf32, #tpu.memory_space<vmem_shared>> -> memref<10112x16xf32, #tpu.memory_space<vmem_shared>>
        tpu.enqueue_indirect_dma source(%arg8 : memref<80x16xf32, #tpu.memory_space<vmem>>) target(%dma_start3A_49 : memref<10112x16xf32, #tpu.memory_space<vmem_shared>>) offsets(%dma_start3A_46 : memref<80xi32, #tpu.memory_space<vmem>>) semaphore(%run_scoped3A_44 : memref<!tpu.dma_semaphore, #tpu.memory_space<semaphore_mem>>) {add = true}
        %dma_wait3A = arith.constant 0 : i32
        %dma_wait3A_50 = tpu.memref_slice %arg7[%run_scoped3A_26, %dma_wait3A] : memref<25x80xi32, #tpu.memory_space<vmem>> -> memref<1x80xi32, #tpu.memory_space<vmem>>
        %dma_wait3A_51 = tpu.memref_squeeze %dma_wait3A_50 : memref<1x80xi32, #tpu.memory_space<vmem>> -> memref<80xi32, #tpu.memory_space<vmem>>
        %dma_wait3A_52 = arith.constant 0 : i32
        %dma_wait3A_53 = arith.constant 0 : i32
        %dma_wait3A_54 = tpu.memref_slice %arg6[%dma_wait3A_52, %dma_wait3A_53] : memref<10112x16xf32, #tpu.memory_space<vmem_shared>> -> memref<10112x16xf32, #tpu.memory_space<vmem_shared>>
        tpu.wait_indirect_dma semaphore(%run_scoped3A_44 : memref<!tpu.dma_semaphore, #tpu.memory_space<semaphore_mem>>) src(%arg8 : memref<80x16xf32, #tpu.memory_space<vmem>>) dst(%dma_wait3A_54 : memref<10112x16xf32, #tpu.memory_space<vmem_shared>>)
        tpu.yield
      }) : () -> ()
      %run_scoped3A_27 = arith.constant 8 : i32
      "tpu.region"() ({
        %run_scoped3A_44 = tpu.sem_alloc : memref<!tpu.dma_semaphore, #tpu.memory_space<semaphore_mem>>
        %dma_start3A = arith.constant 0 : i32
        %dma_start3A_45 = tpu.memref_slice %arg7[%run_scoped3A_27, %dma_start3A] : memref<25x80xi32, #tpu.memory_space<vmem>> -> memref<1x80xi32, #tpu.memory_space<vmem>>
        %dma_start3A_46 = tpu.memref_squeeze %dma_start3A_45 : memref<1x80xi32, #tpu.memory_space<vmem>> -> memref<80xi32, #tpu.memory_space<vmem>>
        %dma_start3A_47 = arith.constant 0 : i32
        %dma_start3A_48 = arith.constant 0 : i32
        %dma_start3A_49 = tpu.memref_slice %arg6[%dma_start3A_47, %dma_start3A_48] : memref<10112x16xf32, #tpu.memory_space<vmem_shared>> -> memref<10112x16xf32, #tpu.memory_space<vmem_shared>>
        tpu.enqueue_indirect_dma source(%arg8 : memref<80x16xf32, #tpu.memory_space<vmem>>) target(%dma_start3A_49 : memref<10112x16xf32, #tpu.memory_space<vmem_shared>>) offsets(%dma_start3A_46 : memref<80xi32, #tpu.memory_space<vmem>>) semaphore(%run_scoped3A_44 : memref<!tpu.dma_semaphore, #tpu.memory_space<semaphore_mem>>) {add = true}
        %dma_wait3A = arith.constant 0 : i32
        %dma_wait3A_50 = tpu.memref_slice %arg7[%run_scoped3A_27, %dma_wait3A] : memref<25x80xi32, #tpu.memory_space<vmem>> -> memref<1x80xi32, #tpu.memory_space<vmem>>
        %dma_wait3A_51 = tpu.memref_squeeze %dma_wait3A_50 : memref<1x80xi32, #tpu.memory_space<vmem>> -> memref<80xi32, #tpu.memory_space<vmem>>
        %dma_wait3A_52 = arith.constant 0 : i32
        %dma_wait3A_53 = arith.constant 0 : i32
        %dma_wait3A_54 = tpu.memref_slice %arg6[%dma_wait3A_52, %dma_wait3A_53] : memref<10112x16xf32, #tpu.memory_space<vmem_shared>> -> memref<10112x16xf32, #tpu.memory_space<vmem_shared>>
        tpu.wait_indirect_dma semaphore(%run_scoped3A_44 : memref<!tpu.dma_semaphore, #tpu.memory_space<semaphore_mem>>) src(%arg8 : memref<80x16xf32, #tpu.memory_space<vmem>>) dst(%dma_wait3A_54 : memref<10112x16xf32, #tpu.memory_space<vmem_shared>>)
        tpu.yield
      }) : () -> ()
      %run_scoped3A_28 = arith.constant 9 : i32
      "tpu.region"() ({
        %run_scoped3A_44 = tpu.sem_alloc : memref<!tpu.dma_semaphore, #tpu.memory_space<semaphore_mem>>
        %dma_start3A = arith.constant 0 : i32
        %dma_start3A_45 = tpu.memref_slice %arg7[%run_scoped3A_28, %dma_start3A] : memref<25x80xi32, #tpu.memory_space<vmem>> -> memref<1x80xi32, #tpu.memory_space<vmem>>
        %dma_start3A_46 = tpu.memref_squeeze %dma_start3A_45 : memref<1x80xi32, #tpu.memory_space<vmem>> -> memref<80xi32, #tpu.memory_space<vmem>>
        %dma_start3A_47 = arith.constant 0 : i32
        %dma_start3A_48 = arith.constant 0 : i32
        %dma_start3A_49 = tpu.memref_slice %arg6[%dma_start3A_47, %dma_start3A_48] : memref<10112x16xf32, #tpu.memory_space<vmem_shared>> -> memref<10112x16xf32, #tpu.memory_space<vmem_shared>>
        tpu.enqueue_indirect_dma source(%arg8 : memref<80x16xf32, #tpu.memory_space<vmem>>) target(%dma_start3A_49 : memref<10112x16xf32, #tpu.memory_space<vmem_shared>>) offsets(%dma_start3A_46 : memref<80xi32, #tpu.memory_space<vmem>>) semaphore(%run_scoped3A_44 : memref<!tpu.dma_semaphore, #tpu.memory_space<semaphore_mem>>) {add = true}
        %dma_wait3A = arith.constant 0 : i32
        %dma_wait3A_50 = tpu.memref_slice %arg7[%run_scoped3A_28, %dma_wait3A] : memref<25x80xi32, #tpu.memory_space<vmem>> -> memref<1x80xi32, #tpu.memory_space<vmem>>
        %dma_wait3A_51 = tpu.memref_squeeze %dma_wait3A_50 : memref<1x80xi32, #tpu.memory_space<vmem>> -> memref<80xi32, #tpu.memory_space<vmem>>
        %dma_wait3A_52 = arith.constant 0 : i32
        %dma_wait3A_53 = arith.constant 0 : i32
        %dma_wait3A_54 = tpu.memref_slice %arg6[%dma_wait3A_52, %dma_wait3A_53] : memref<10112x16xf32, #tpu.memory_space<vmem_shared>> -> memref<10112x16xf32, #tpu.memory_space<vmem_shared>>
        tpu.wait_indirect_dma semaphore(%run_scoped3A_44 : memref<!tpu.dma_semaphore, #tpu.memory_space<semaphore_mem>>) src(%arg8 : memref<80x16xf32, #tpu.memory_space<vmem>>) dst(%dma_wait3A_54 : memref<10112x16xf32, #tpu.memory_space<vmem_shared>>)
        tpu.yield
      }) : () -> ()
      %run_scoped3A_29 = arith.constant 10 : i32
      "tpu.region"() ({
        %run_scoped3A_44 = tpu.sem_alloc : memref<!tpu.dma_semaphore, #tpu.memory_space<semaphore_mem>>
        %dma_start3A = arith.constant 0 : i32
        %dma_start3A_45 = tpu.memref_slice %arg7[%run_scoped3A_29, %dma_start3A] : memref<25x80xi32, #tpu.memory_space<vmem>> -> memref<1x80xi32, #tpu.memory_space<vmem>>
        %dma_start3A_46 = tpu.memref_squeeze %dma_start3A_45 : memref<1x80xi32, #tpu.memory_space<vmem>> -> memref<80xi32, #tpu.memory_space<vmem>>
        %dma_start3A_47 = arith.constant 0 : i32
        %dma_start3A_48 = arith.constant 0 : i32
        %dma_start3A_49 = tpu.memref_slice %arg6[%dma_start3A_47, %dma_start3A_48] : memref<10112x16xf32, #tpu.memory_space<vmem_shared>> -> memref<10112x16xf32, #tpu.memory_space<vmem_shared>>
        tpu.enqueue_indirect_dma source(%arg8 : memref<80x16xf32, #tpu.memory_space<vmem>>) target(%dma_start3A_49 : memref<10112x16xf32, #tpu.memory_space<vmem_shared>>) offsets(%dma_start3A_46 : memref<80xi32, #tpu.memory_space<vmem>>) semaphore(%run_scoped3A_44 : memref<!tpu.dma_semaphore, #tpu.memory_space<semaphore_mem>>) {add = true}
        %dma_wait3A = arith.constant 0 : i32
        %dma_wait3A_50 = tpu.memref_slice %arg7[%run_scoped3A_29, %dma_wait3A] : memref<25x80xi32, #tpu.memory_space<vmem>> -> memref<1x80xi32, #tpu.memory_space<vmem>>
        %dma_wait3A_51 = tpu.memref_squeeze %dma_wait3A_50 : memref<1x80xi32, #tpu.memory_space<vmem>> -> memref<80xi32, #tpu.memory_space<vmem>>
        %dma_wait3A_52 = arith.constant 0 : i32
        %dma_wait3A_53 = arith.constant 0 : i32
        %dma_wait3A_54 = tpu.memref_slice %arg6[%dma_wait3A_52, %dma_wait3A_53] : memref<10112x16xf32, #tpu.memory_space<vmem_shared>> -> memref<10112x16xf32, #tpu.memory_space<vmem_shared>>
        tpu.wait_indirect_dma semaphore(%run_scoped3A_44 : memref<!tpu.dma_semaphore, #tpu.memory_space<semaphore_mem>>) src(%arg8 : memref<80x16xf32, #tpu.memory_space<vmem>>) dst(%dma_wait3A_54 : memref<10112x16xf32, #tpu.memory_space<vmem_shared>>)
        tpu.yield
      }) : () -> ()
      %run_scoped3A_30 = arith.constant 11 : i32
      "tpu.region"() ({
        %run_scoped3A_44 = tpu.sem_alloc : memref<!tpu.dma_semaphore, #tpu.memory_space<semaphore_mem>>
        %dma_start3A = arith.constant 0 : i32
        %dma_start3A_45 = tpu.memref_slice %arg7[%run_scoped3A_30, %dma_start3A] : memref<25x80xi32, #tpu.memory_space<vmem>> -> memref<1x80xi32, #tpu.memory_space<vmem>>
        %dma_start3A_46 = tpu.memref_squeeze %dma_start3A_45 : memref<1x80xi32, #tpu.memory_space<vmem>> -> memref<80xi32, #tpu.memory_space<vmem>>
        %dma_start3A_47 = arith.constant 0 : i32
        %dma_start3A_48 = arith.constant 0 : i32
        %dma_start3A_49 = tpu.memref_slice %arg6[%dma_start3A_47, %dma_start3A_48] : memref<10112x16xf32, #tpu.memory_space<vmem_shared>> -> memref<10112x16xf32, #tpu.memory_space<vmem_shared>>
        tpu.enqueue_indirect_dma source(%arg8 : memref<80x16xf32, #tpu.memory_space<vmem>>) target(%dma_start3A_49 : memref<10112x16xf32, #tpu.memory_space<vmem_shared>>) offsets(%dma_start3A_46 : memref<80xi32, #tpu.memory_space<vmem>>) semaphore(%run_scoped3A_44 : memref<!tpu.dma_semaphore, #tpu.memory_space<semaphore_mem>>) {add = true}
        %dma_wait3A = arith.constant 0 : i32
        %dma_wait3A_50 = tpu.memref_slice %arg7[%run_scoped3A_30, %dma_wait3A] : memref<25x80xi32, #tpu.memory_space<vmem>> -> memref<1x80xi32, #tpu.memory_space<vmem>>
        %dma_wait3A_51 = tpu.memref_squeeze %dma_wait3A_50 : memref<1x80xi32, #tpu.memory_space<vmem>> -> memref<80xi32, #tpu.memory_space<vmem>>
        %dma_wait3A_52 = arith.constant 0 : i32
        %dma_wait3A_53 = arith.constant 0 : i32
        %dma_wait3A_54 = tpu.memref_slice %arg6[%dma_wait3A_52, %dma_wait3A_53] : memref<10112x16xf32, #tpu.memory_space<vmem_shared>> -> memref<10112x16xf32, #tpu.memory_space<vmem_shared>>
        tpu.wait_indirect_dma semaphore(%run_scoped3A_44 : memref<!tpu.dma_semaphore, #tpu.memory_space<semaphore_mem>>) src(%arg8 : memref<80x16xf32, #tpu.memory_space<vmem>>) dst(%dma_wait3A_54 : memref<10112x16xf32, #tpu.memory_space<vmem_shared>>)
        tpu.yield
      }) : () -> ()
      %run_scoped3A_31 = arith.constant 12 : i32
      "tpu.region"() ({
        %run_scoped3A_44 = tpu.sem_alloc : memref<!tpu.dma_semaphore, #tpu.memory_space<semaphore_mem>>
        %dma_start3A = arith.constant 0 : i32
        %dma_start3A_45 = tpu.memref_slice %arg7[%run_scoped3A_31, %dma_start3A] : memref<25x80xi32, #tpu.memory_space<vmem>> -> memref<1x80xi32, #tpu.memory_space<vmem>>
        %dma_start3A_46 = tpu.memref_squeeze %dma_start3A_45 : memref<1x80xi32, #tpu.memory_space<vmem>> -> memref<80xi32, #tpu.memory_space<vmem>>
        %dma_start3A_47 = arith.constant 0 : i32
        %dma_start3A_48 = arith.constant 0 : i32
        %dma_start3A_49 = tpu.memref_slice %arg6[%dma_start3A_47, %dma_start3A_48] : memref<10112x16xf32, #tpu.memory_space<vmem_shared>> -> memref<10112x16xf32, #tpu.memory_space<vmem_shared>>
        tpu.enqueue_indirect_dma source(%arg8 : memref<80x16xf32, #tpu.memory_space<vmem>>) target(%dma_start3A_49 : memref<10112x16xf32, #tpu.memory_space<vmem_shared>>) offsets(%dma_start3A_46 : memref<80xi32, #tpu.memory_space<vmem>>) semaphore(%run_scoped3A_44 : memref<!tpu.dma_semaphore, #tpu.memory_space<semaphore_mem>>) {add = true}
        %dma_wait3A = arith.constant 0 : i32
        %dma_wait3A_50 = tpu.memref_slice %arg7[%run_scoped3A_31, %dma_wait3A] : memref<25x80xi32, #tpu.memory_space<vmem>> -> memref<1x80xi32, #tpu.memory_space<vmem>>
        %dma_wait3A_51 = tpu.memref_squeeze %dma_wait3A_50 : memref<1x80xi32, #tpu.memory_space<vmem>> -> memref<80xi32, #tpu.memory_space<vmem>>
        %dma_wait3A_52 = arith.constant 0 : i32
        %dma_wait3A_53 = arith.constant 0 : i32
        %dma_wait3A_54 = tpu.memref_slice %arg6[%dma_wait3A_52, %dma_wait3A_53] : memref<10112x16xf32, #tpu.memory_space<vmem_shared>> -> memref<10112x16xf32, #tpu.memory_space<vmem_shared>>
        tpu.wait_indirect_dma semaphore(%run_scoped3A_44 : memref<!tpu.dma_semaphore, #tpu.memory_space<semaphore_mem>>) src(%arg8 : memref<80x16xf32, #tpu.memory_space<vmem>>) dst(%dma_wait3A_54 : memref<10112x16xf32, #tpu.memory_space<vmem_shared>>)
        tpu.yield
      }) : () -> ()
      %run_scoped3A_32 = arith.constant 13 : i32
      "tpu.region"() ({
        %run_scoped3A_44 = tpu.sem_alloc : memref<!tpu.dma_semaphore, #tpu.memory_space<semaphore_mem>>
        %dma_start3A = arith.constant 0 : i32
        %dma_start3A_45 = tpu.memref_slice %arg7[%run_scoped3A_32, %dma_start3A] : memref<25x80xi32, #tpu.memory_space<vmem>> -> memref<1x80xi32, #tpu.memory_space<vmem>>
        %dma_start3A_46 = tpu.memref_squeeze %dma_start3A_45 : memref<1x80xi32, #tpu.memory_space<vmem>> -> memref<80xi32, #tpu.memory_space<vmem>>
        %dma_start3A_47 = arith.constant 0 : i32
        %dma_start3A_48 = arith.constant 0 : i32
        %dma_start3A_49 = tpu.memref_slice %arg6[%dma_start3A_47, %dma_start3A_48] : memref<10112x16xf32, #tpu.memory_space<vmem_shared>> -> memref<10112x16xf32, #tpu.memory_space<vmem_shared>>
        tpu.enqueue_indirect_dma source(%arg8 : memref<80x16xf32, #tpu.memory_space<vmem>>) target(%dma_start3A_49 : memref<10112x16xf32, #tpu.memory_space<vmem_shared>>) offsets(%dma_start3A_46 : memref<80xi32, #tpu.memory_space<vmem>>) semaphore(%run_scoped3A_44 : memref<!tpu.dma_semaphore, #tpu.memory_space<semaphore_mem>>) {add = true}
        %dma_wait3A = arith.constant 0 : i32
        %dma_wait3A_50 = tpu.memref_slice %arg7[%run_scoped3A_32, %dma_wait3A] : memref<25x80xi32, #tpu.memory_space<vmem>> -> memref<1x80xi32, #tpu.memory_space<vmem>>
        %dma_wait3A_51 = tpu.memref_squeeze %dma_wait3A_50 : memref<1x80xi32, #tpu.memory_space<vmem>> -> memref<80xi32, #tpu.memory_space<vmem>>
        %dma_wait3A_52 = arith.constant 0 : i32
        %dma_wait3A_53 = arith.constant 0 : i32
        %dma_wait3A_54 = tpu.memref_slice %arg6[%dma_wait3A_52, %dma_wait3A_53] : memref<10112x16xf32, #tpu.memory_space<vmem_shared>> -> memref<10112x16xf32, #tpu.memory_space<vmem_shared>>
        tpu.wait_indirect_dma semaphore(%run_scoped3A_44 : memref<!tpu.dma_semaphore, #tpu.memory_space<semaphore_mem>>) src(%arg8 : memref<80x16xf32, #tpu.memory_space<vmem>>) dst(%dma_wait3A_54 : memref<10112x16xf32, #tpu.memory_space<vmem_shared>>)
        tpu.yield
      }) : () -> ()
      %run_scoped3A_33 = arith.constant 14 : i32
      "tpu.region"() ({
        %run_scoped3A_44 = tpu.sem_alloc : memref<!tpu.dma_semaphore, #tpu.memory_space<semaphore_mem>>
        %dma_start3A = arith.constant 0 : i32
        %dma_start3A_45 = tpu.memref_slice %arg7[%run_scoped3A_33, %dma_start3A] : memref<25x80xi32, #tpu.memory_space<vmem>> -> memref<1x80xi32, #tpu.memory_space<vmem>>
        %dma_start3A_46 = tpu.memref_squeeze %dma_start3A_45 : memref<1x80xi32, #tpu.memory_space<vmem>> -> memref<80xi32, #tpu.memory_space<vmem>>
        %dma_start3A_47 = arith.constant 0 : i32
        %dma_start3A_48 = arith.constant 0 : i32
        %dma_start3A_49 = tpu.memref_slice %arg6[%dma_start3A_47, %dma_start3A_48] : memref<10112x16xf32, #tpu.memory_space<vmem_shared>> -> memref<10112x16xf32, #tpu.memory_space<vmem_shared>>
        tpu.enqueue_indirect_dma source(%arg8 : memref<80x16xf32, #tpu.memory_space<vmem>>) target(%dma_start3A_49 : memref<10112x16xf32, #tpu.memory_space<vmem_shared>>) offsets(%dma_start3A_46 : memref<80xi32, #tpu.memory_space<vmem>>) semaphore(%run_scoped3A_44 : memref<!tpu.dma_semaphore, #tpu.memory_space<semaphore_mem>>) {add = true}
        %dma_wait3A = arith.constant 0 : i32
        %dma_wait3A_50 = tpu.memref_slice %arg7[%run_scoped3A_33, %dma_wait3A] : memref<25x80xi32, #tpu.memory_space<vmem>> -> memref<1x80xi32, #tpu.memory_space<vmem>>
        %dma_wait3A_51 = tpu.memref_squeeze %dma_wait3A_50 : memref<1x80xi32, #tpu.memory_space<vmem>> -> memref<80xi32, #tpu.memory_space<vmem>>
        %dma_wait3A_52 = arith.constant 0 : i32
        %dma_wait3A_53 = arith.constant 0 : i32
        %dma_wait3A_54 = tpu.memref_slice %arg6[%dma_wait3A_52, %dma_wait3A_53] : memref<10112x16xf32, #tpu.memory_space<vmem_shared>> -> memref<10112x16xf32, #tpu.memory_space<vmem_shared>>
        tpu.wait_indirect_dma semaphore(%run_scoped3A_44 : memref<!tpu.dma_semaphore, #tpu.memory_space<semaphore_mem>>) src(%arg8 : memref<80x16xf32, #tpu.memory_space<vmem>>) dst(%dma_wait3A_54 : memref<10112x16xf32, #tpu.memory_space<vmem_shared>>)
        tpu.yield
      }) : () -> ()
      %run_scoped3A_34 = arith.constant 15 : i32
      "tpu.region"() ({
        %run_scoped3A_44 = tpu.sem_alloc : memref<!tpu.dma_semaphore, #tpu.memory_space<semaphore_mem>>
        %dma_start3A = arith.constant 0 : i32
        %dma_start3A_45 = tpu.memref_slice %arg7[%run_scoped3A_34, %dma_start3A] : memref<25x80xi32, #tpu.memory_space<vmem>> -> memref<1x80xi32, #tpu.memory_space<vmem>>
        %dma_start3A_46 = tpu.memref_squeeze %dma_start3A_45 : memref<1x80xi32, #tpu.memory_space<vmem>> -> memref<80xi32, #tpu.memory_space<vmem>>
        %dma_start3A_47 = arith.constant 0 : i32
        %dma_start3A_48 = arith.constant 0 : i32
        %dma_start3A_49 = tpu.memref_slice %arg6[%dma_start3A_47, %dma_start3A_48] : memref<10112x16xf32, #tpu.memory_space<vmem_shared>> -> memref<10112x16xf32, #tpu.memory_space<vmem_shared>>
        tpu.enqueue_indirect_dma source(%arg8 : memref<80x16xf32, #tpu.memory_space<vmem>>) target(%dma_start3A_49 : memref<10112x16xf32, #tpu.memory_space<vmem_shared>>) offsets(%dma_start3A_46 : memref<80xi32, #tpu.memory_space<vmem>>) semaphore(%run_scoped3A_44 : memref<!tpu.dma_semaphore, #tpu.memory_space<semaphore_mem>>) {add = true}
        %dma_wait3A = arith.constant 0 : i32
        %dma_wait3A_50 = tpu.memref_slice %arg7[%run_scoped3A_34, %dma_wait3A] : memref<25x80xi32, #tpu.memory_space<vmem>> -> memref<1x80xi32, #tpu.memory_space<vmem>>
        %dma_wait3A_51 = tpu.memref_squeeze %dma_wait3A_50 : memref<1x80xi32, #tpu.memory_space<vmem>> -> memref<80xi32, #tpu.memory_space<vmem>>
        %dma_wait3A_52 = arith.constant 0 : i32
        %dma_wait3A_53 = arith.constant 0 : i32
        %dma_wait3A_54 = tpu.memref_slice %arg6[%dma_wait3A_52, %dma_wait3A_53] : memref<10112x16xf32, #tpu.memory_space<vmem_shared>> -> memref<10112x16xf32, #tpu.memory_space<vmem_shared>>
        tpu.wait_indirect_dma semaphore(%run_scoped3A_44 : memref<!tpu.dma_semaphore, #tpu.memory_space<semaphore_mem>>) src(%arg8 : memref<80x16xf32, #tpu.memory_space<vmem>>) dst(%dma_wait3A_54 : memref<10112x16xf32, #tpu.memory_space<vmem_shared>>)
        tpu.yield
      }) : () -> ()
      %run_scoped3A_35 = arith.constant 16 : i32
      "tpu.region"() ({
        %run_scoped3A_44 = tpu.sem_alloc : memref<!tpu.dma_semaphore, #tpu.memory_space<semaphore_mem>>
        %dma_start3A = arith.constant 0 : i32
        %dma_start3A_45 = tpu.memref_slice %arg7[%run_scoped3A_35, %dma_start3A] : memref<25x80xi32, #tpu.memory_space<vmem>> -> memref<1x80xi32, #tpu.memory_space<vmem>>
        %dma_start3A_46 = tpu.memref_squeeze %dma_start3A_45 : memref<1x80xi32, #tpu.memory_space<vmem>> -> memref<80xi32, #tpu.memory_space<vmem>>
        %dma_start3A_47 = arith.constant 0 : i32
        %dma_start3A_48 = arith.constant 0 : i32
        %dma_start3A_49 = tpu.memref_slice %arg6[%dma_start3A_47, %dma_start3A_48] : memref<10112x16xf32, #tpu.memory_space<vmem_shared>> -> memref<10112x16xf32, #tpu.memory_space<vmem_shared>>
        tpu.enqueue_indirect_dma source(%arg8 : memref<80x16xf32, #tpu.memory_space<vmem>>) target(%dma_start3A_49 : memref<10112x16xf32, #tpu.memory_space<vmem_shared>>) offsets(%dma_start3A_46 : memref<80xi32, #tpu.memory_space<vmem>>) semaphore(%run_scoped3A_44 : memref<!tpu.dma_semaphore, #tpu.memory_space<semaphore_mem>>) {add = true}
        %dma_wait3A = arith.constant 0 : i32
        %dma_wait3A_50 = tpu.memref_slice %arg7[%run_scoped3A_35, %dma_wait3A] : memref<25x80xi32, #tpu.memory_space<vmem>> -> memref<1x80xi32, #tpu.memory_space<vmem>>
        %dma_wait3A_51 = tpu.memref_squeeze %dma_wait3A_50 : memref<1x80xi32, #tpu.memory_space<vmem>> -> memref<80xi32, #tpu.memory_space<vmem>>
        %dma_wait3A_52 = arith.constant 0 : i32
        %dma_wait3A_53 = arith.constant 0 : i32
        %dma_wait3A_54 = tpu.memref_slice %arg6[%dma_wait3A_52, %dma_wait3A_53] : memref<10112x16xf32, #tpu.memory_space<vmem_shared>> -> memref<10112x16xf32, #tpu.memory_space<vmem_shared>>
        tpu.wait_indirect_dma semaphore(%run_scoped3A_44 : memref<!tpu.dma_semaphore, #tpu.memory_space<semaphore_mem>>) src(%arg8 : memref<80x16xf32, #tpu.memory_space<vmem>>) dst(%dma_wait3A_54 : memref<10112x16xf32, #tpu.memory_space<vmem_shared>>)
        tpu.yield
      }) : () -> ()
      %run_scoped3A_36 = arith.constant 17 : i32
      "tpu.region"() ({
        %run_scoped3A_44 = tpu.sem_alloc : memref<!tpu.dma_semaphore, #tpu.memory_space<semaphore_mem>>
        %dma_start3A = arith.constant 0 : i32
        %dma_start3A_45 = tpu.memref_slice %arg7[%run_scoped3A_36, %dma_start3A] : memref<25x80xi32, #tpu.memory_space<vmem>> -> memref<1x80xi32, #tpu.memory_space<vmem>>
        %dma_start3A_46 = tpu.memref_squeeze %dma_start3A_45 : memref<1x80xi32, #tpu.memory_space<vmem>> -> memref<80xi32, #tpu.memory_space<vmem>>
        %dma_start3A_47 = arith.constant 0 : i32
        %dma_start3A_48 = arith.constant 0 : i32
        %dma_start3A_49 = tpu.memref_slice %arg6[%dma_start3A_47, %dma_start3A_48] : memref<10112x16xf32, #tpu.memory_space<vmem_shared>> -> memref<10112x16xf32, #tpu.memory_space<vmem_shared>>
        tpu.enqueue_indirect_dma source(%arg8 : memref<80x16xf32, #tpu.memory_space<vmem>>) target(%dma_start3A_49 : memref<10112x16xf32, #tpu.memory_space<vmem_shared>>) offsets(%dma_start3A_46 : memref<80xi32, #tpu.memory_space<vmem>>) semaphore(%run_scoped3A_44 : memref<!tpu.dma_semaphore, #tpu.memory_space<semaphore_mem>>) {add = true}
        %dma_wait3A = arith.constant 0 : i32
        %dma_wait3A_50 = tpu.memref_slice %arg7[%run_scoped3A_36, %dma_wait3A] : memref<25x80xi32, #tpu.memory_space<vmem>> -> memref<1x80xi32, #tpu.memory_space<vmem>>
        %dma_wait3A_51 = tpu.memref_squeeze %dma_wait3A_50 : memref<1x80xi32, #tpu.memory_space<vmem>> -> memref<80xi32, #tpu.memory_space<vmem>>
        %dma_wait3A_52 = arith.constant 0 : i32
        %dma_wait3A_53 = arith.constant 0 : i32
        %dma_wait3A_54 = tpu.memref_slice %arg6[%dma_wait3A_52, %dma_wait3A_53] : memref<10112x16xf32, #tpu.memory_space<vmem_shared>> -> memref<10112x16xf32, #tpu.memory_space<vmem_shared>>
        tpu.wait_indirect_dma semaphore(%run_scoped3A_44 : memref<!tpu.dma_semaphore, #tpu.memory_space<semaphore_mem>>) src(%arg8 : memref<80x16xf32, #tpu.memory_space<vmem>>) dst(%dma_wait3A_54 : memref<10112x16xf32, #tpu.memory_space<vmem_shared>>)
        tpu.yield
      }) : () -> ()
      %run_scoped3A_37 = arith.constant 18 : i32
      "tpu.region"() ({
        %run_scoped3A_44 = tpu.sem_alloc : memref<!tpu.dma_semaphore, #tpu.memory_space<semaphore_mem>>
        %dma_start3A = arith.constant 0 : i32
        %dma_start3A_45 = tpu.memref_slice %arg7[%run_scoped3A_37, %dma_start3A] : memref<25x80xi32, #tpu.memory_space<vmem>> -> memref<1x80xi32, #tpu.memory_space<vmem>>
        %dma_start3A_46 = tpu.memref_squeeze %dma_start3A_45 : memref<1x80xi32, #tpu.memory_space<vmem>> -> memref<80xi32, #tpu.memory_space<vmem>>
        %dma_start3A_47 = arith.constant 0 : i32
        %dma_start3A_48 = arith.constant 0 : i32
        %dma_start3A_49 = tpu.memref_slice %arg6[%dma_start3A_47, %dma_start3A_48] : memref<10112x16xf32, #tpu.memory_space<vmem_shared>> -> memref<10112x16xf32, #tpu.memory_space<vmem_shared>>
        tpu.enqueue_indirect_dma source(%arg8 : memref<80x16xf32, #tpu.memory_space<vmem>>) target(%dma_start3A_49 : memref<10112x16xf32, #tpu.memory_space<vmem_shared>>) offsets(%dma_start3A_46 : memref<80xi32, #tpu.memory_space<vmem>>) semaphore(%run_scoped3A_44 : memref<!tpu.dma_semaphore, #tpu.memory_space<semaphore_mem>>) {add = true}
        %dma_wait3A = arith.constant 0 : i32
        %dma_wait3A_50 = tpu.memref_slice %arg7[%run_scoped3A_37, %dma_wait3A] : memref<25x80xi32, #tpu.memory_space<vmem>> -> memref<1x80xi32, #tpu.memory_space<vmem>>
        %dma_wait3A_51 = tpu.memref_squeeze %dma_wait3A_50 : memref<1x80xi32, #tpu.memory_space<vmem>> -> memref<80xi32, #tpu.memory_space<vmem>>
        %dma_wait3A_52 = arith.constant 0 : i32
        %dma_wait3A_53 = arith.constant 0 : i32
        %dma_wait3A_54 = tpu.memref_slice %arg6[%dma_wait3A_52, %dma_wait3A_53] : memref<10112x16xf32, #tpu.memory_space<vmem_shared>> -> memref<10112x16xf32, #tpu.memory_space<vmem_shared>>
        tpu.wait_indirect_dma semaphore(%run_scoped3A_44 : memref<!tpu.dma_semaphore, #tpu.memory_space<semaphore_mem>>) src(%arg8 : memref<80x16xf32, #tpu.memory_space<vmem>>) dst(%dma_wait3A_54 : memref<10112x16xf32, #tpu.memory_space<vmem_shared>>)
        tpu.yield
      }) : () -> ()
      %run_scoped3A_38 = arith.constant 19 : i32
      "tpu.region"() ({
        %run_scoped3A_44 = tpu.sem_alloc : memref<!tpu.dma_semaphore, #tpu.memory_space<semaphore_mem>>
        %dma_start3A = arith.constant 0 : i32
        %dma_start3A_45 = tpu.memref_slice %arg7[%run_scoped3A_38, %dma_start3A] : memref<25x80xi32, #tpu.memory_space<vmem>> -> memref<1x80xi32, #tpu.memory_space<vmem>>
        %dma_start3A_46 = tpu.memref_squeeze %dma_start3A_45 : memref<1x80xi32, #tpu.memory_space<vmem>> -> memref<80xi32, #tpu.memory_space<vmem>>
        %dma_start3A_47 = arith.constant 0 : i32
        %dma_start3A_48 = arith.constant 0 : i32
        %dma_start3A_49 = tpu.memref_slice %arg6[%dma_start3A_47, %dma_start3A_48] : memref<10112x16xf32, #tpu.memory_space<vmem_shared>> -> memref<10112x16xf32, #tpu.memory_space<vmem_shared>>
        tpu.enqueue_indirect_dma source(%arg8 : memref<80x16xf32, #tpu.memory_space<vmem>>) target(%dma_start3A_49 : memref<10112x16xf32, #tpu.memory_space<vmem_shared>>) offsets(%dma_start3A_46 : memref<80xi32, #tpu.memory_space<vmem>>) semaphore(%run_scoped3A_44 : memref<!tpu.dma_semaphore, #tpu.memory_space<semaphore_mem>>) {add = true}
        %dma_wait3A = arith.constant 0 : i32
        %dma_wait3A_50 = tpu.memref_slice %arg7[%run_scoped3A_38, %dma_wait3A] : memref<25x80xi32, #tpu.memory_space<vmem>> -> memref<1x80xi32, #tpu.memory_space<vmem>>
        %dma_wait3A_51 = tpu.memref_squeeze %dma_wait3A_50 : memref<1x80xi32, #tpu.memory_space<vmem>> -> memref<80xi32, #tpu.memory_space<vmem>>
        %dma_wait3A_52 = arith.constant 0 : i32
        %dma_wait3A_53 = arith.constant 0 : i32
        %dma_wait3A_54 = tpu.memref_slice %arg6[%dma_wait3A_52, %dma_wait3A_53] : memref<10112x16xf32, #tpu.memory_space<vmem_shared>> -> memref<10112x16xf32, #tpu.memory_space<vmem_shared>>
        tpu.wait_indirect_dma semaphore(%run_scoped3A_44 : memref<!tpu.dma_semaphore, #tpu.memory_space<semaphore_mem>>) src(%arg8 : memref<80x16xf32, #tpu.memory_space<vmem>>) dst(%dma_wait3A_54 : memref<10112x16xf32, #tpu.memory_space<vmem_shared>>)
        tpu.yield
      }) : () -> ()
      %run_scoped3A_39 = arith.constant 20 : i32
      "tpu.region"() ({
        %run_scoped3A_44 = tpu.sem_alloc : memref<!tpu.dma_semaphore, #tpu.memory_space<semaphore_mem>>
        %dma_start3A = arith.constant 0 : i32
        %dma_start3A_45 = tpu.memref_slice %arg7[%run_scoped3A_39, %dma_start3A] : memref<25x80xi32, #tpu.memory_space<vmem>> -> memref<1x80xi32, #tpu.memory_space<vmem>>
        %dma_start3A_46 = tpu.memref_squeeze %dma_start3A_45 : memref<1x80xi32, #tpu.memory_space<vmem>> -> memref<80xi32, #tpu.memory_space<vmem>>
        %dma_start3A_47 = arith.constant 0 : i32
        %dma_start3A_48 = arith.constant 0 : i32
        %dma_start3A_49 = tpu.memref_slice %arg6[%dma_start3A_47, %dma_start3A_48] : memref<10112x16xf32, #tpu.memory_space<vmem_shared>> -> memref<10112x16xf32, #tpu.memory_space<vmem_shared>>
        tpu.enqueue_indirect_dma source(%arg8 : memref<80x16xf32, #tpu.memory_space<vmem>>) target(%dma_start3A_49 : memref<10112x16xf32, #tpu.memory_space<vmem_shared>>) offsets(%dma_start3A_46 : memref<80xi32, #tpu.memory_space<vmem>>) semaphore(%run_scoped3A_44 : memref<!tpu.dma_semaphore, #tpu.memory_space<semaphore_mem>>) {add = true}
        %dma_wait3A = arith.constant 0 : i32
        %dma_wait3A_50 = tpu.memref_slice %arg7[%run_scoped3A_39, %dma_wait3A] : memref<25x80xi32, #tpu.memory_space<vmem>> -> memref<1x80xi32, #tpu.memory_space<vmem>>
        %dma_wait3A_51 = tpu.memref_squeeze %dma_wait3A_50 : memref<1x80xi32, #tpu.memory_space<vmem>> -> memref<80xi32, #tpu.memory_space<vmem>>
        %dma_wait3A_52 = arith.constant 0 : i32
        %dma_wait3A_53 = arith.constant 0 : i32
        %dma_wait3A_54 = tpu.memref_slice %arg6[%dma_wait3A_52, %dma_wait3A_53] : memref<10112x16xf32, #tpu.memory_space<vmem_shared>> -> memref<10112x16xf32, #tpu.memory_space<vmem_shared>>
        tpu.wait_indirect_dma semaphore(%run_scoped3A_44 : memref<!tpu.dma_semaphore, #tpu.memory_space<semaphore_mem>>) src(%arg8 : memref<80x16xf32, #tpu.memory_space<vmem>>) dst(%dma_wait3A_54 : memref<10112x16xf32, #tpu.memory_space<vmem_shared>>)
        tpu.yield
      }) : () -> ()
      %run_scoped3A_40 = arith.constant 21 : i32
      "tpu.region"() ({
        %run_scoped3A_44 = tpu.sem_alloc : memref<!tpu.dma_semaphore, #tpu.memory_space<semaphore_mem>>
        %dma_start3A = arith.constant 0 : i32
        %dma_start3A_45 = tpu.memref_slice %arg7[%run_scoped3A_40, %dma_start3A] : memref<25x80xi32, #tpu.memory_space<vmem>> -> memref<1x80xi32, #tpu.memory_space<vmem>>
        %dma_start3A_46 = tpu.memref_squeeze %dma_start3A_45 : memref<1x80xi32, #tpu.memory_space<vmem>> -> memref<80xi32, #tpu.memory_space<vmem>>
        %dma_start3A_47 = arith.constant 0 : i32
        %dma_start3A_48 = arith.constant 0 : i32
        %dma_start3A_49 = tpu.memref_slice %arg6[%dma_start3A_47, %dma_start3A_48] : memref<10112x16xf32, #tpu.memory_space<vmem_shared>> -> memref<10112x16xf32, #tpu.memory_space<vmem_shared>>
        tpu.enqueue_indirect_dma source(%arg8 : memref<80x16xf32, #tpu.memory_space<vmem>>) target(%dma_start3A_49 : memref<10112x16xf32, #tpu.memory_space<vmem_shared>>) offsets(%dma_start3A_46 : memref<80xi32, #tpu.memory_space<vmem>>) semaphore(%run_scoped3A_44 : memref<!tpu.dma_semaphore, #tpu.memory_space<semaphore_mem>>) {add = true}
        %dma_wait3A = arith.constant 0 : i32
        %dma_wait3A_50 = tpu.memref_slice %arg7[%run_scoped3A_40, %dma_wait3A] : memref<25x80xi32, #tpu.memory_space<vmem>> -> memref<1x80xi32, #tpu.memory_space<vmem>>
        %dma_wait3A_51 = tpu.memref_squeeze %dma_wait3A_50 : memref<1x80xi32, #tpu.memory_space<vmem>> -> memref<80xi32, #tpu.memory_space<vmem>>
        %dma_wait3A_52 = arith.constant 0 : i32
        %dma_wait3A_53 = arith.constant 0 : i32
        %dma_wait3A_54 = tpu.memref_slice %arg6[%dma_wait3A_52, %dma_wait3A_53] : memref<10112x16xf32, #tpu.memory_space<vmem_shared>> -> memref<10112x16xf32, #tpu.memory_space<vmem_shared>>
        tpu.wait_indirect_dma semaphore(%run_scoped3A_44 : memref<!tpu.dma_semaphore, #tpu.memory_space<semaphore_mem>>) src(%arg8 : memref<80x16xf32, #tpu.memory_space<vmem>>) dst(%dma_wait3A_54 : memref<10112x16xf32, #tpu.memory_space<vmem_shared>>)
        tpu.yield
      }) : () -> ()
      %run_scoped3A_41 = arith.constant 22 : i32
      "tpu.region"() ({
        %run_scoped3A_44 = tpu.sem_alloc : memref<!tpu.dma_semaphore, #tpu.memory_space<semaphore_mem>>
        %dma_start3A = arith.constant 0 : i32
        %dma_start3A_45 = tpu.memref_slice %arg7[%run_scoped3A_41, %dma_start3A] : memref<25x80xi32, #tpu.memory_space<vmem>> -> memref<1x80xi32, #tpu.memory_space<vmem>>
        %dma_start3A_46 = tpu.memref_squeeze %dma_start3A_45 : memref<1x80xi32, #tpu.memory_space<vmem>> -> memref<80xi32, #tpu.memory_space<vmem>>
        %dma_start3A_47 = arith.constant 0 : i32
        %dma_start3A_48 = arith.constant 0 : i32
        %dma_start3A_49 = tpu.memref_slice %arg6[%dma_start3A_47, %dma_start3A_48] : memref<10112x16xf32, #tpu.memory_space<vmem_shared>> -> memref<10112x16xf32, #tpu.memory_space<vmem_shared>>
        tpu.enqueue_indirect_dma source(%arg8 : memref<80x16xf32, #tpu.memory_space<vmem>>) target(%dma_start3A_49 : memref<10112x16xf32, #tpu.memory_space<vmem_shared>>) offsets(%dma_start3A_46 : memref<80xi32, #tpu.memory_space<vmem>>) semaphore(%run_scoped3A_44 : memref<!tpu.dma_semaphore, #tpu.memory_space<semaphore_mem>>) {add = true}
        %dma_wait3A = arith.constant 0 : i32
        %dma_wait3A_50 = tpu.memref_slice %arg7[%run_scoped3A_41, %dma_wait3A] : memref<25x80xi32, #tpu.memory_space<vmem>> -> memref<1x80xi32, #tpu.memory_space<vmem>>
        %dma_wait3A_51 = tpu.memref_squeeze %dma_wait3A_50 : memref<1x80xi32, #tpu.memory_space<vmem>> -> memref<80xi32, #tpu.memory_space<vmem>>
        %dma_wait3A_52 = arith.constant 0 : i32
        %dma_wait3A_53 = arith.constant 0 : i32
        %dma_wait3A_54 = tpu.memref_slice %arg6[%dma_wait3A_52, %dma_wait3A_53] : memref<10112x16xf32, #tpu.memory_space<vmem_shared>> -> memref<10112x16xf32, #tpu.memory_space<vmem_shared>>
        tpu.wait_indirect_dma semaphore(%run_scoped3A_44 : memref<!tpu.dma_semaphore, #tpu.memory_space<semaphore_mem>>) src(%arg8 : memref<80x16xf32, #tpu.memory_space<vmem>>) dst(%dma_wait3A_54 : memref<10112x16xf32, #tpu.memory_space<vmem_shared>>)
        tpu.yield
      }) : () -> ()
      %run_scoped3A_42 = arith.constant 23 : i32
      "tpu.region"() ({
        %run_scoped3A_44 = tpu.sem_alloc : memref<!tpu.dma_semaphore, #tpu.memory_space<semaphore_mem>>
        %dma_start3A = arith.constant 0 : i32
        %dma_start3A_45 = tpu.memref_slice %arg7[%run_scoped3A_42, %dma_start3A] : memref<25x80xi32, #tpu.memory_space<vmem>> -> memref<1x80xi32, #tpu.memory_space<vmem>>
        %dma_start3A_46 = tpu.memref_squeeze %dma_start3A_45 : memref<1x80xi32, #tpu.memory_space<vmem>> -> memref<80xi32, #tpu.memory_space<vmem>>
        %dma_start3A_47 = arith.constant 0 : i32
        %dma_start3A_48 = arith.constant 0 : i32
        %dma_start3A_49 = tpu.memref_slice %arg6[%dma_start3A_47, %dma_start3A_48] : memref<10112x16xf32, #tpu.memory_space<vmem_shared>> -> memref<10112x16xf32, #tpu.memory_space<vmem_shared>>
        tpu.enqueue_indirect_dma source(%arg8 : memref<80x16xf32, #tpu.memory_space<vmem>>) target(%dma_start3A_49 : memref<10112x16xf32, #tpu.memory_space<vmem_shared>>) offsets(%dma_start3A_46 : memref<80xi32, #tpu.memory_space<vmem>>) semaphore(%run_scoped3A_44 : memref<!tpu.dma_semaphore, #tpu.memory_space<semaphore_mem>>) {add = true}
        %dma_wait3A = arith.constant 0 : i32
        %dma_wait3A_50 = tpu.memref_slice %arg7[%run_scoped3A_42, %dma_wait3A] : memref<25x80xi32, #tpu.memory_space<vmem>> -> memref<1x80xi32, #tpu.memory_space<vmem>>
        %dma_wait3A_51 = tpu.memref_squeeze %dma_wait3A_50 : memref<1x80xi32, #tpu.memory_space<vmem>> -> memref<80xi32, #tpu.memory_space<vmem>>
        %dma_wait3A_52 = arith.constant 0 : i32
        %dma_wait3A_53 = arith.constant 0 : i32
        %dma_wait3A_54 = tpu.memref_slice %arg6[%dma_wait3A_52, %dma_wait3A_53] : memref<10112x16xf32, #tpu.memory_space<vmem_shared>> -> memref<10112x16xf32, #tpu.memory_space<vmem_shared>>
        tpu.wait_indirect_dma semaphore(%run_scoped3A_44 : memref<!tpu.dma_semaphore, #tpu.memory_space<semaphore_mem>>) src(%arg8 : memref<80x16xf32, #tpu.memory_space<vmem>>) dst(%dma_wait3A_54 : memref<10112x16xf32, #tpu.memory_space<vmem_shared>>)
        tpu.yield
      }) : () -> ()
      %run_scoped3A_43 = arith.constant 24 : i32
      "tpu.region"() ({
        %run_scoped3A_44 = tpu.sem_alloc : memref<!tpu.dma_semaphore, #tpu.memory_space<semaphore_mem>>
        %dma_start3A = arith.constant 0 : i32
        %dma_start3A_45 = tpu.memref_slice %arg7[%run_scoped3A_43, %dma_start3A] : memref<25x80xi32, #tpu.memory_space<vmem>> -> memref<1x80xi32, #tpu.memory_space<vmem>>
        %dma_start3A_46 = tpu.memref_squeeze %dma_start3A_45 : memref<1x80xi32, #tpu.memory_space<vmem>> -> memref<80xi32, #tpu.memory_space<vmem>>
        %dma_start3A_47 = arith.constant 0 : i32
        %dma_start3A_48 = arith.constant 0 : i32
        %dma_start3A_49 = tpu.memref_slice %arg6[%dma_start3A_47, %dma_start3A_48] : memref<10112x16xf32, #tpu.memory_space<vmem_shared>> -> memref<10112x16xf32, #tpu.memory_space<vmem_shared>>
        tpu.enqueue_indirect_dma source(%arg8 : memref<80x16xf32, #tpu.memory_space<vmem>>) target(%dma_start3A_49 : memref<10112x16xf32, #tpu.memory_space<vmem_shared>>) offsets(%dma_start3A_46 : memref<80xi32, #tpu.memory_space<vmem>>) semaphore(%run_scoped3A_44 : memref<!tpu.dma_semaphore, #tpu.memory_space<semaphore_mem>>) {add = true}
        %dma_wait3A = arith.constant 0 : i32
        %dma_wait3A_50 = tpu.memref_slice %arg7[%run_scoped3A_43, %dma_wait3A] : memref<25x80xi32, #tpu.memory_space<vmem>> -> memref<1x80xi32, #tpu.memory_space<vmem>>
        %dma_wait3A_51 = tpu.memref_squeeze %dma_wait3A_50 : memref<1x80xi32, #tpu.memory_space<vmem>> -> memref<80xi32, #tpu.memory_space<vmem>>
        %dma_wait3A_52 = arith.constant 0 : i32
        %dma_wait3A_53 = arith.constant 0 : i32
        %dma_wait3A_54 = tpu.memref_slice %arg6[%dma_wait3A_52, %dma_wait3A_53] : memref<10112x16xf32, #tpu.memory_space<vmem_shared>> -> memref<10112x16xf32, #tpu.memory_space<vmem_shared>>
        tpu.wait_indirect_dma semaphore(%run_scoped3A_44 : memref<!tpu.dma_semaphore, #tpu.memory_space<semaphore_mem>>) src(%arg8 : memref<80x16xf32, #tpu.memory_space<vmem>>) dst(%dma_wait3A_54 : memref<10112x16xf32, #tpu.memory_space<vmem_shared>>)
        tpu.yield
      }) : () -> ()
    }
    %scan3A_6 = arith.constant 5 : i32
    %barrier3A_7 = arith.constant 0 : index
    tpu.barrier barrier_id(%barrier3A_7)
    %mul3A_8 = arith.constant 632 : i32
    %mul3A_9 = arith.muli %arg1, %mul3A_8 : i32
    %mul3A_10 = arith.constant 632 : i32
    %mul3A_11 = arith.muli %arg1, %mul3A_10 : i32
    "tpu.region"() ({
      %run_scoped3A = tpu.sem_alloc : memref<!tpu.dma_semaphore, #tpu.memory_space<semaphore_mem>>
      %dma_start3A = arith.constant 0 : i32
      %dma_start3A_12 = tpu.memref_slice %arg5[%arg0, %mul3A_11, %dma_start3A] : memref<2x10112x16xf32, #tpu.memory_space<hbm>> -> memref<1x632x16xf32, #tpu.memory_space<hbm>>
      %dma_start3A_13 = tpu.memref_squeeze %dma_start3A_12 : memref<1x632x16xf32, #tpu.memory_space<hbm>> -> memref<632x16xf32, #tpu.memory_space<hbm>>
      %dma_start3A_14 = arith.constant 0 : i32
      %dma_start3A_15 = tpu.memref_slice %arg6[%mul3A_9, %dma_start3A_14] : memref<10112x16xf32, #tpu.memory_space<vmem_shared>> -> memref<632x16xf32, #tpu.memory_space<vmem_shared>>
      tpu.enqueue_dma source(%dma_start3A_15 : memref<632x16xf32, #tpu.memory_space<vmem_shared>>) target(%dma_start3A_13 : memref<632x16xf32, #tpu.memory_space<hbm>>) target_semaphore(%run_scoped3A : memref<!tpu.dma_semaphore, #tpu.memory_space<semaphore_mem>>)
      %dma_wait3A = arith.constant 0 : i32
      %dma_wait3A_16 = tpu.memref_slice %arg5[%arg0, %mul3A_11, %dma_wait3A] : memref<2x10112x16xf32, #tpu.memory_space<hbm>> -> memref<1x632x16xf32, #tpu.memory_space<hbm>>
      %dma_wait3A_17 = tpu.memref_squeeze %dma_wait3A_16 : memref<1x632x16xf32, #tpu.memory_space<hbm>> -> memref<632x16xf32, #tpu.memory_space<hbm>>
      %dma_wait3A_18 = arith.constant 0 : i32
      %dma_wait3A_19 = tpu.memref_slice %arg6[%mul3A_9, %dma_wait3A_18] : memref<10112x16xf32, #tpu.memory_space<vmem_shared>> -> memref<632x16xf32, #tpu.memory_space<vmem_shared>>
      tpu.wait_dma2 semaphore(%run_scoped3A : memref<!tpu.dma_semaphore, #tpu.memory_space<semaphore_mem>>) src(%dma_wait3A_19 : memref<632x16xf32, #tpu.memory_space<vmem_shared>>) dst(%dma_wait3A_17 : memref<632x16xf32, #tpu.memory_space<hbm>>)
      tpu.yield
    }) : () -> ()
    return
  }
}

#map = affine_map<(d0, d1) -> (0, 0)>
#map1 = affine_map<(d0, d1) -> (0, 0, 0)>
module attributes {stable_mosaic.version = 14 : i64} {
  func.func @hop_kernel(%arg0: i32, %arg1: i32, %arg2: memref<10000x128xf32, #tpu.memory_space<hbm>>, %arg3: memref<256x10x128xi32, #tpu.memory_space<hbm>>, %arg4: memref<256x10x128xi32, #tpu.memory_space<hbm>>, %arg5: memref<632x128xf32, #tpu.memory_space<hbm>>, %arg6: memref<2x10112x128xf32, #tpu.memory_space<hbm>>, %arg7: memref<10112x128xf32, #tpu.memory_space<vmem_shared>>, %arg8: memref<10x128xi32, #tpu.memory_space<vmem>>, %arg9: memref<10x128xi32, #tpu.memory_space<vmem>>, %arg10: memref<128x128xf32, #tpu.memory_space<vmem>>, %arg11: memref<128x128xf32, #tpu.memory_space<vmem>>, %arg12: memref<!tpu.dma_semaphore, #tpu.memory_space<semaphore_mem>>, %arg13: memref<!tpu.dma_semaphore, #tpu.memory_space<semaphore_mem>>) attributes {dimension_semantics = [#tpu.dimension_semantics<core_parallel>, #tpu.dimension_semantics<subcore_parallel>], iteration_bounds = array<i64: 2, 16>, scalar_prefetch = 0 : i64, scratch_operands = 7 : i64, tpu.core_type = #tpu.core_type<sc_vector_subcore>, window_params = [{transform_indices = #map}, {transform_indices = #map1}, {transform_indices = #map1}, {transform_indices = #map}, {transform_indices = #map1}]} {
    %mul3A = arith.constant 16 : i32
    %mul3A_0 = arith.muli %arg0, %mul3A : i32
    %add3A = arith.addi %mul3A_0, %arg1 : i32
    %mul3A_1 = arith.constant 632 : i32
    %mul3A_2 = arith.muli %arg1, %mul3A_1 : i32
    "tpu.region"() ({
      %run_scoped3A = tpu.sem_alloc : memref<!tpu.dma_semaphore, #tpu.memory_space<semaphore_mem>>
      %dma_start3A = arith.constant 0 : i32
      %dma_start3A_12 = tpu.memref_slice %arg7[%mul3A_2, %dma_start3A] : memref<10112x128xf32, #tpu.memory_space<vmem_shared>> -> memref<632x128xf32, #tpu.memory_space<vmem_shared>>
      tpu.enqueue_dma source(%arg5 : memref<632x128xf32, #tpu.memory_space<hbm>>) target(%dma_start3A_12 : memref<632x128xf32, #tpu.memory_space<vmem_shared>>) target_semaphore(%run_scoped3A : memref<!tpu.dma_semaphore, #tpu.memory_space<semaphore_mem>>)
      %dma_wait3A = arith.constant 0 : i32
      %dma_wait3A_13 = tpu.memref_slice %arg7[%mul3A_2, %dma_wait3A] : memref<10112x128xf32, #tpu.memory_space<vmem_shared>> -> memref<632x128xf32, #tpu.memory_space<vmem_shared>>
      tpu.wait_dma2 semaphore(%run_scoped3A : memref<!tpu.dma_semaphore, #tpu.memory_space<semaphore_mem>>) src(%arg5 : memref<632x128xf32, #tpu.memory_space<hbm>>) dst(%dma_wait3A_13 : memref<632x128xf32, #tpu.memory_space<vmem_shared>>)
      tpu.yield
    }) : () -> ()
    %barrier3A = arith.constant 0 : index
    tpu.barrier barrier_id(%barrier3A)
    %scan3A = arith.constant 0 : i32
    %scan3A_3 = arith.constant 8 : i32
    %scan3A_4 = arith.addi %scan3A, %scan3A_3 : i32
    %scan3A_5 = arith.constant 1 : i32
    scf.for %scan3A_12 = %scan3A to %scan3A_4 step %scan3A_5  : i32 {
      %mul3A_13 = arith.constant 1 : i32
      %mul3A_14 = arith.muli %scan3A_12, %mul3A_13 : i32
      %add3A_15 = arith.constant 0 : i32
      %add3A_16 = arith.addi %add3A_15, %mul3A_14 : i32
      %mul3A_17 = arith.constant 32 : i32
      %mul3A_18 = arith.muli %add3A_16, %mul3A_17 : i32
      %add3A_19 = arith.addi %mul3A_18, %add3A : i32
      "tpu.region"() ({
        %run_scoped3A_170 = tpu.sem_alloc : memref<!tpu.dma_semaphore, #tpu.memory_space<semaphore_mem>>
        %dma_start3A_171 = arith.constant 0 : i32
        %dma_start3A_172 = arith.constant 0 : i32
        %dma_start3A_173 = tpu.memref_slice %arg3[%add3A_19, %dma_start3A_171, %dma_start3A_172] : memref<256x10x128xi32, #tpu.memory_space<hbm>> -> memref<1x10x128xi32, #tpu.memory_space<hbm>>
        %dma_start3A_174 = tpu.memref_squeeze %dma_start3A_173 : memref<1x10x128xi32, #tpu.memory_space<hbm>> -> memref<10x128xi32, #tpu.memory_space<hbm>>
        %dma_start3A_175 = arith.constant 0 : i32
        %dma_start3A_176 = arith.constant 0 : i32
        %dma_start3A_177 = tpu.memref_slice %arg3[%add3A_19, %dma_start3A_175, %dma_start3A_176] : memref<256x10x128xi32, #tpu.memory_space<hbm>> -> memref<1x10x128xi32, #tpu.memory_space<hbm>>
        %dma_start3A_178 = tpu.memref_squeeze %dma_start3A_177 : memref<1x10x128xi32, #tpu.memory_space<hbm>> -> memref<10x128xi32, #tpu.memory_space<hbm>>
        tpu.enqueue_dma source(%dma_start3A_178 : memref<10x128xi32, #tpu.memory_space<hbm>>) target(%arg8 : memref<10x128xi32, #tpu.memory_space<vmem>>) target_semaphore(%run_scoped3A_170 : memref<!tpu.dma_semaphore, #tpu.memory_space<semaphore_mem>>)
        %dma_wait3A_179 = arith.constant 0 : i32
        %dma_wait3A_180 = arith.constant 0 : i32
        %dma_wait3A_181 = tpu.memref_slice %arg3[%add3A_19, %dma_wait3A_179, %dma_wait3A_180] : memref<256x10x128xi32, #tpu.memory_space<hbm>> -> memref<1x10x128xi32, #tpu.memory_space<hbm>>
        %dma_wait3A_182 = tpu.memref_squeeze %dma_wait3A_181 : memref<1x10x128xi32, #tpu.memory_space<hbm>> -> memref<10x128xi32, #tpu.memory_space<hbm>>
        %dma_wait3A_183 = arith.constant 0 : i32
        %dma_wait3A_184 = arith.constant 0 : i32
        %dma_wait3A_185 = tpu.memref_slice %arg3[%add3A_19, %dma_wait3A_183, %dma_wait3A_184] : memref<256x10x128xi32, #tpu.memory_space<hbm>> -> memref<1x10x128xi32, #tpu.memory_space<hbm>>
        %dma_wait3A_186 = tpu.memref_squeeze %dma_wait3A_185 : memref<1x10x128xi32, #tpu.memory_space<hbm>> -> memref<10x128xi32, #tpu.memory_space<hbm>>
        tpu.wait_dma2 semaphore(%run_scoped3A_170 : memref<!tpu.dma_semaphore, #tpu.memory_space<semaphore_mem>>) src(%dma_wait3A_186 : memref<10x128xi32, #tpu.memory_space<hbm>>) dst(%arg8 : memref<10x128xi32, #tpu.memory_space<vmem>>)
        tpu.yield
      }) : () -> ()
      %mul3A_20 = arith.constant 32 : i32
      %mul3A_21 = arith.muli %add3A_16, %mul3A_20 : i32
      %add3A_22 = arith.addi %mul3A_21, %add3A : i32
      "tpu.region"() ({
        %run_scoped3A_170 = tpu.sem_alloc : memref<!tpu.dma_semaphore, #tpu.memory_space<semaphore_mem>>
        %dma_start3A_171 = arith.constant 0 : i32
        %dma_start3A_172 = arith.constant 0 : i32
        %dma_start3A_173 = tpu.memref_slice %arg4[%add3A_22, %dma_start3A_171, %dma_start3A_172] : memref<256x10x128xi32, #tpu.memory_space<hbm>> -> memref<1x10x128xi32, #tpu.memory_space<hbm>>
        %dma_start3A_174 = tpu.memref_squeeze %dma_start3A_173 : memref<1x10x128xi32, #tpu.memory_space<hbm>> -> memref<10x128xi32, #tpu.memory_space<hbm>>
        %dma_start3A_175 = arith.constant 0 : i32
        %dma_start3A_176 = arith.constant 0 : i32
        %dma_start3A_177 = tpu.memref_slice %arg4[%add3A_22, %dma_start3A_175, %dma_start3A_176] : memref<256x10x128xi32, #tpu.memory_space<hbm>> -> memref<1x10x128xi32, #tpu.memory_space<hbm>>
        %dma_start3A_178 = tpu.memref_squeeze %dma_start3A_177 : memref<1x10x128xi32, #tpu.memory_space<hbm>> -> memref<10x128xi32, #tpu.memory_space<hbm>>
        tpu.enqueue_dma source(%dma_start3A_178 : memref<10x128xi32, #tpu.memory_space<hbm>>) target(%arg9 : memref<10x128xi32, #tpu.memory_space<vmem>>) target_semaphore(%run_scoped3A_170 : memref<!tpu.dma_semaphore, #tpu.memory_space<semaphore_mem>>)
        %dma_wait3A_179 = arith.constant 0 : i32
        %dma_wait3A_180 = arith.constant 0 : i32
        %dma_wait3A_181 = tpu.memref_slice %arg4[%add3A_22, %dma_wait3A_179, %dma_wait3A_180] : memref<256x10x128xi32, #tpu.memory_space<hbm>> -> memref<1x10x128xi32, #tpu.memory_space<hbm>>
        %dma_wait3A_182 = tpu.memref_squeeze %dma_wait3A_181 : memref<1x10x128xi32, #tpu.memory_space<hbm>> -> memref<10x128xi32, #tpu.memory_space<hbm>>
        %dma_wait3A_183 = arith.constant 0 : i32
        %dma_wait3A_184 = arith.constant 0 : i32
        %dma_wait3A_185 = tpu.memref_slice %arg4[%add3A_22, %dma_wait3A_183, %dma_wait3A_184] : memref<256x10x128xi32, #tpu.memory_space<hbm>> -> memref<1x10x128xi32, #tpu.memory_space<hbm>>
        %dma_wait3A_186 = tpu.memref_squeeze %dma_wait3A_185 : memref<1x10x128xi32, #tpu.memory_space<hbm>> -> memref<10x128xi32, #tpu.memory_space<hbm>>
        tpu.wait_dma2 semaphore(%run_scoped3A_170 : memref<!tpu.dma_semaphore, #tpu.memory_space<semaphore_mem>>) src(%dma_wait3A_186 : memref<10x128xi32, #tpu.memory_space<hbm>>) dst(%arg9 : memref<10x128xi32, #tpu.memory_space<vmem>>)
        tpu.yield
      }) : () -> ()
      %dma_start3A = arith.constant 0 : i32
      %dma_start3A_23 = arith.constant 0 : i32
      %dma_start3A_24 = tpu.memref_slice %arg8[%dma_start3A, %dma_start3A_23] : memref<10x128xi32, #tpu.memory_space<vmem>> -> memref<1x128xi32, #tpu.memory_space<vmem>>
      %dma_start3A_25 = tpu.memref_squeeze %dma_start3A_24 : memref<1x128xi32, #tpu.memory_space<vmem>> -> memref<128xi32, #tpu.memory_space<vmem>>
      %dma_start3A_26 = arith.constant 0 : i32
      %dma_start3A_27 = arith.constant 0 : i32
      %dma_start3A_28 = tpu.memref_slice %arg2[%dma_start3A_26, %dma_start3A_27] : memref<10000x128xf32, #tpu.memory_space<hbm>> -> memref<10000x128xf32, #tpu.memory_space<hbm>>
      tpu.enqueue_indirect_dma source(%dma_start3A_28 : memref<10000x128xf32, #tpu.memory_space<hbm>>) target(%arg10 : memref<128x128xf32, #tpu.memory_space<vmem>>) offsets(%dma_start3A_25 : memref<128xi32, #tpu.memory_space<vmem>>) semaphore(%arg12 : memref<!tpu.dma_semaphore, #tpu.memory_space<semaphore_mem>>)
      %dma_start3A_29 = arith.constant 1 : i32
      %dma_start3A_30 = arith.constant 0 : i32
      %dma_start3A_31 = tpu.memref_slice %arg8[%dma_start3A_29, %dma_start3A_30] : memref<10x128xi32, #tpu.memory_space<vmem>> -> memref<1x128xi32, #tpu.memory_space<vmem>>
      %dma_start3A_32 = tpu.memref_squeeze %dma_start3A_31 : memref<1x128xi32, #tpu.memory_space<vmem>> -> memref<128xi32, #tpu.memory_space<vmem>>
      %dma_start3A_33 = arith.constant 0 : i32
      %dma_start3A_34 = arith.constant 0 : i32
      %dma_start3A_35 = tpu.memref_slice %arg2[%dma_start3A_33, %dma_start3A_34] : memref<10000x128xf32, #tpu.memory_space<hbm>> -> memref<10000x128xf32, #tpu.memory_space<hbm>>
      tpu.enqueue_indirect_dma source(%dma_start3A_35 : memref<10000x128xf32, #tpu.memory_space<hbm>>) target(%arg11 : memref<128x128xf32, #tpu.memory_space<vmem>>) offsets(%dma_start3A_32 : memref<128xi32, #tpu.memory_space<vmem>>) semaphore(%arg13 : memref<!tpu.dma_semaphore, #tpu.memory_space<semaphore_mem>>)
      %dma_wait3A = arith.constant 0 : i32
      %dma_wait3A_36 = arith.constant 0 : i32
      %dma_wait3A_37 = tpu.memref_slice %arg8[%dma_wait3A, %dma_wait3A_36] : memref<10x128xi32, #tpu.memory_space<vmem>> -> memref<1x128xi32, #tpu.memory_space<vmem>>
      %dma_wait3A_38 = tpu.memref_squeeze %dma_wait3A_37 : memref<1x128xi32, #tpu.memory_space<vmem>> -> memref<128xi32, #tpu.memory_space<vmem>>
      %dma_wait3A_39 = arith.constant 0 : i32
      %dma_wait3A_40 = arith.constant 0 : i32
      %dma_wait3A_41 = tpu.memref_slice %arg2[%dma_wait3A_39, %dma_wait3A_40] : memref<10000x128xf32, #tpu.memory_space<hbm>> -> memref<10000x128xf32, #tpu.memory_space<hbm>>
      tpu.wait_indirect_dma semaphore(%arg12 : memref<!tpu.dma_semaphore, #tpu.memory_space<semaphore_mem>>) src(%dma_wait3A_41 : memref<10000x128xf32, #tpu.memory_space<hbm>>) dst(%arg10 : memref<128x128xf32, #tpu.memory_space<vmem>>)
      %run_scoped3A = arith.constant 0 : i32
      "tpu.region"() ({
        %run_scoped3A_170 = tpu.sem_alloc : memref<!tpu.dma_semaphore, #tpu.memory_space<semaphore_mem>>
        %dma_start3A_171 = arith.constant 0 : i32
        %dma_start3A_172 = tpu.memref_slice %arg9[%run_scoped3A, %dma_start3A_171] : memref<10x128xi32, #tpu.memory_space<vmem>> -> memref<1x128xi32, #tpu.memory_space<vmem>>
        %dma_start3A_173 = tpu.memref_squeeze %dma_start3A_172 : memref<1x128xi32, #tpu.memory_space<vmem>> -> memref<128xi32, #tpu.memory_space<vmem>>
        %dma_start3A_174 = arith.constant 0 : i32
        %dma_start3A_175 = arith.constant 0 : i32
        %dma_start3A_176 = tpu.memref_slice %arg7[%dma_start3A_174, %dma_start3A_175] : memref<10112x128xf32, #tpu.memory_space<vmem_shared>> -> memref<10112x128xf32, #tpu.memory_space<vmem_shared>>
        tpu.enqueue_indirect_dma source(%arg10 : memref<128x128xf32, #tpu.memory_space<vmem>>) target(%dma_start3A_176 : memref<10112x128xf32, #tpu.memory_space<vmem_shared>>) offsets(%dma_start3A_173 : memref<128xi32, #tpu.memory_space<vmem>>) semaphore(%run_scoped3A_170 : memref<!tpu.dma_semaphore, #tpu.memory_space<semaphore_mem>>) {add = true}
        %dma_wait3A_177 = arith.constant 0 : i32
        %dma_wait3A_178 = tpu.memref_slice %arg9[%run_scoped3A, %dma_wait3A_177] : memref<10x128xi32, #tpu.memory_space<vmem>> -> memref<1x128xi32, #tpu.memory_space<vmem>>
        %dma_wait3A_179 = tpu.memref_squeeze %dma_wait3A_178 : memref<1x128xi32, #tpu.memory_space<vmem>> -> memref<128xi32, #tpu.memory_space<vmem>>
        %dma_wait3A_180 = arith.constant 0 : i32
        %dma_wait3A_181 = arith.constant 0 : i32
        %dma_wait3A_182 = tpu.memref_slice %arg7[%dma_wait3A_180, %dma_wait3A_181] : memref<10112x128xf32, #tpu.memory_space<vmem_shared>> -> memref<10112x128xf32, #tpu.memory_space<vmem_shared>>
        tpu.wait_indirect_dma semaphore(%run_scoped3A_170 : memref<!tpu.dma_semaphore, #tpu.memory_space<semaphore_mem>>) src(%arg10 : memref<128x128xf32, #tpu.memory_space<vmem>>) dst(%dma_wait3A_182 : memref<10112x128xf32, #tpu.memory_space<vmem_shared>>)
        tpu.yield
      }) : () -> ()
      %dma_start3A_42 = arith.constant 2 : i32
      %dma_start3A_43 = arith.constant 0 : i32
      %dma_start3A_44 = tpu.memref_slice %arg8[%dma_start3A_42, %dma_start3A_43] : memref<10x128xi32, #tpu.memory_space<vmem>> -> memref<1x128xi32, #tpu.memory_space<vmem>>
      %dma_start3A_45 = tpu.memref_squeeze %dma_start3A_44 : memref<1x128xi32, #tpu.memory_space<vmem>> -> memref<128xi32, #tpu.memory_space<vmem>>
      %dma_start3A_46 = arith.constant 0 : i32
      %dma_start3A_47 = arith.constant 0 : i32
      %dma_start3A_48 = tpu.memref_slice %arg2[%dma_start3A_46, %dma_start3A_47] : memref<10000x128xf32, #tpu.memory_space<hbm>> -> memref<10000x128xf32, #tpu.memory_space<hbm>>
      tpu.enqueue_indirect_dma source(%dma_start3A_48 : memref<10000x128xf32, #tpu.memory_space<hbm>>) target(%arg10 : memref<128x128xf32, #tpu.memory_space<vmem>>) offsets(%dma_start3A_45 : memref<128xi32, #tpu.memory_space<vmem>>) semaphore(%arg12 : memref<!tpu.dma_semaphore, #tpu.memory_space<semaphore_mem>>)
      %dma_wait3A_49 = arith.constant 1 : i32
      %dma_wait3A_50 = arith.constant 0 : i32
      %dma_wait3A_51 = tpu.memref_slice %arg8[%dma_wait3A_49, %dma_wait3A_50] : memref<10x128xi32, #tpu.memory_space<vmem>> -> memref<1x128xi32, #tpu.memory_space<vmem>>
      %dma_wait3A_52 = tpu.memref_squeeze %dma_wait3A_51 : memref<1x128xi32, #tpu.memory_space<vmem>> -> memref<128xi32, #tpu.memory_space<vmem>>
      %dma_wait3A_53 = arith.constant 0 : i32
      %dma_wait3A_54 = arith.constant 0 : i32
      %dma_wait3A_55 = tpu.memref_slice %arg2[%dma_wait3A_53, %dma_wait3A_54] : memref<10000x128xf32, #tpu.memory_space<hbm>> -> memref<10000x128xf32, #tpu.memory_space<hbm>>
      tpu.wait_indirect_dma semaphore(%arg13 : memref<!tpu.dma_semaphore, #tpu.memory_space<semaphore_mem>>) src(%dma_wait3A_55 : memref<10000x128xf32, #tpu.memory_space<hbm>>) dst(%arg11 : memref<128x128xf32, #tpu.memory_space<vmem>>)
      %run_scoped3A_56 = arith.constant 1 : i32
      "tpu.region"() ({
        %run_scoped3A_170 = tpu.sem_alloc : memref<!tpu.dma_semaphore, #tpu.memory_space<semaphore_mem>>
        %dma_start3A_171 = arith.constant 0 : i32
        %dma_start3A_172 = tpu.memref_slice %arg9[%run_scoped3A_56, %dma_start3A_171] : memref<10x128xi32, #tpu.memory_space<vmem>> -> memref<1x128xi32, #tpu.memory_space<vmem>>
        %dma_start3A_173 = tpu.memref_squeeze %dma_start3A_172 : memref<1x128xi32, #tpu.memory_space<vmem>> -> memref<128xi32, #tpu.memory_space<vmem>>
        %dma_start3A_174 = arith.constant 0 : i32
        %dma_start3A_175 = arith.constant 0 : i32
        %dma_start3A_176 = tpu.memref_slice %arg7[%dma_start3A_174, %dma_start3A_175] : memref<10112x128xf32, #tpu.memory_space<vmem_shared>> -> memref<10112x128xf32, #tpu.memory_space<vmem_shared>>
        tpu.enqueue_indirect_dma source(%arg11 : memref<128x128xf32, #tpu.memory_space<vmem>>) target(%dma_start3A_176 : memref<10112x128xf32, #tpu.memory_space<vmem_shared>>) offsets(%dma_start3A_173 : memref<128xi32, #tpu.memory_space<vmem>>) semaphore(%run_scoped3A_170 : memref<!tpu.dma_semaphore, #tpu.memory_space<semaphore_mem>>) {add = true}
        %dma_wait3A_177 = arith.constant 0 : i32
        %dma_wait3A_178 = tpu.memref_slice %arg9[%run_scoped3A_56, %dma_wait3A_177] : memref<10x128xi32, #tpu.memory_space<vmem>> -> memref<1x128xi32, #tpu.memory_space<vmem>>
        %dma_wait3A_179 = tpu.memref_squeeze %dma_wait3A_178 : memref<1x128xi32, #tpu.memory_space<vmem>> -> memref<128xi32, #tpu.memory_space<vmem>>
        %dma_wait3A_180 = arith.constant 0 : i32
        %dma_wait3A_181 = arith.constant 0 : i32
        %dma_wait3A_182 = tpu.memref_slice %arg7[%dma_wait3A_180, %dma_wait3A_181] : memref<10112x128xf32, #tpu.memory_space<vmem_shared>> -> memref<10112x128xf32, #tpu.memory_space<vmem_shared>>
        tpu.wait_indirect_dma semaphore(%run_scoped3A_170 : memref<!tpu.dma_semaphore, #tpu.memory_space<semaphore_mem>>) src(%arg11 : memref<128x128xf32, #tpu.memory_space<vmem>>) dst(%dma_wait3A_182 : memref<10112x128xf32, #tpu.memory_space<vmem_shared>>)
        tpu.yield
      }) : () -> ()
      %dma_start3A_57 = arith.constant 3 : i32
      %dma_start3A_58 = arith.constant 0 : i32
      %dma_start3A_59 = tpu.memref_slice %arg8[%dma_start3A_57, %dma_start3A_58] : memref<10x128xi32, #tpu.memory_space<vmem>> -> memref<1x128xi32, #tpu.memory_space<vmem>>
      %dma_start3A_60 = tpu.memref_squeeze %dma_start3A_59 : memref<1x128xi32, #tpu.memory_space<vmem>> -> memref<128xi32, #tpu.memory_space<vmem>>
      %dma_start3A_61 = arith.constant 0 : i32
      %dma_start3A_62 = arith.constant 0 : i32
      %dma_start3A_63 = tpu.memref_slice %arg2[%dma_start3A_61, %dma_start3A_62] : memref<10000x128xf32, #tpu.memory_space<hbm>> -> memref<10000x128xf32, #tpu.memory_space<hbm>>
      tpu.enqueue_indirect_dma source(%dma_start3A_63 : memref<10000x128xf32, #tpu.memory_space<hbm>>) target(%arg11 : memref<128x128xf32, #tpu.memory_space<vmem>>) offsets(%dma_start3A_60 : memref<128xi32, #tpu.memory_space<vmem>>) semaphore(%arg13 : memref<!tpu.dma_semaphore, #tpu.memory_space<semaphore_mem>>)
      %dma_wait3A_64 = arith.constant 2 : i32
      %dma_wait3A_65 = arith.constant 0 : i32
      %dma_wait3A_66 = tpu.memref_slice %arg8[%dma_wait3A_64, %dma_wait3A_65] : memref<10x128xi32, #tpu.memory_space<vmem>> -> memref<1x128xi32, #tpu.memory_space<vmem>>
      %dma_wait3A_67 = tpu.memref_squeeze %dma_wait3A_66 : memref<1x128xi32, #tpu.memory_space<vmem>> -> memref<128xi32, #tpu.memory_space<vmem>>
      %dma_wait3A_68 = arith.constant 0 : i32
      %dma_wait3A_69 = arith.constant 0 : i32
      %dma_wait3A_70 = tpu.memref_slice %arg2[%dma_wait3A_68, %dma_wait3A_69] : memref<10000x128xf32, #tpu.memory_space<hbm>> -> memref<10000x128xf32, #tpu.memory_space<hbm>>
      tpu.wait_indirect_dma semaphore(%arg12 : memref<!tpu.dma_semaphore, #tpu.memory_space<semaphore_mem>>) src(%dma_wait3A_70 : memref<10000x128xf32, #tpu.memory_space<hbm>>) dst(%arg10 : memref<128x128xf32, #tpu.memory_space<vmem>>)
      %run_scoped3A_71 = arith.constant 2 : i32
      "tpu.region"() ({
        %run_scoped3A_170 = tpu.sem_alloc : memref<!tpu.dma_semaphore, #tpu.memory_space<semaphore_mem>>
        %dma_start3A_171 = arith.constant 0 : i32
        %dma_start3A_172 = tpu.memref_slice %arg9[%run_scoped3A_71, %dma_start3A_171] : memref<10x128xi32, #tpu.memory_space<vmem>> -> memref<1x128xi32, #tpu.memory_space<vmem>>
        %dma_start3A_173 = tpu.memref_squeeze %dma_start3A_172 : memref<1x128xi32, #tpu.memory_space<vmem>> -> memref<128xi32, #tpu.memory_space<vmem>>
        %dma_start3A_174 = arith.constant 0 : i32
        %dma_start3A_175 = arith.constant 0 : i32
        %dma_start3A_176 = tpu.memref_slice %arg7[%dma_start3A_174, %dma_start3A_175] : memref<10112x128xf32, #tpu.memory_space<vmem_shared>> -> memref<10112x128xf32, #tpu.memory_space<vmem_shared>>
        tpu.enqueue_indirect_dma source(%arg10 : memref<128x128xf32, #tpu.memory_space<vmem>>) target(%dma_start3A_176 : memref<10112x128xf32, #tpu.memory_space<vmem_shared>>) offsets(%dma_start3A_173 : memref<128xi32, #tpu.memory_space<vmem>>) semaphore(%run_scoped3A_170 : memref<!tpu.dma_semaphore, #tpu.memory_space<semaphore_mem>>) {add = true}
        %dma_wait3A_177 = arith.constant 0 : i32
        %dma_wait3A_178 = tpu.memref_slice %arg9[%run_scoped3A_71, %dma_wait3A_177] : memref<10x128xi32, #tpu.memory_space<vmem>> -> memref<1x128xi32, #tpu.memory_space<vmem>>
        %dma_wait3A_179 = tpu.memref_squeeze %dma_wait3A_178 : memref<1x128xi32, #tpu.memory_space<vmem>> -> memref<128xi32, #tpu.memory_space<vmem>>
        %dma_wait3A_180 = arith.constant 0 : i32
        %dma_wait3A_181 = arith.constant 0 : i32
        %dma_wait3A_182 = tpu.memref_slice %arg7[%dma_wait3A_180, %dma_wait3A_181] : memref<10112x128xf32, #tpu.memory_space<vmem_shared>> -> memref<10112x128xf32, #tpu.memory_space<vmem_shared>>
        tpu.wait_indirect_dma semaphore(%run_scoped3A_170 : memref<!tpu.dma_semaphore, #tpu.memory_space<semaphore_mem>>) src(%arg10 : memref<128x128xf32, #tpu.memory_space<vmem>>) dst(%dma_wait3A_182 : memref<10112x128xf32, #tpu.memory_space<vmem_shared>>)
        tpu.yield
      }) : () -> ()
      %dma_start3A_72 = arith.constant 4 : i32
      %dma_start3A_73 = arith.constant 0 : i32
      %dma_start3A_74 = tpu.memref_slice %arg8[%dma_start3A_72, %dma_start3A_73] : memref<10x128xi32, #tpu.memory_space<vmem>> -> memref<1x128xi32, #tpu.memory_space<vmem>>
      %dma_start3A_75 = tpu.memref_squeeze %dma_start3A_74 : memref<1x128xi32, #tpu.memory_space<vmem>> -> memref<128xi32, #tpu.memory_space<vmem>>
      %dma_start3A_76 = arith.constant 0 : i32
      %dma_start3A_77 = arith.constant 0 : i32
      %dma_start3A_78 = tpu.memref_slice %arg2[%dma_start3A_76, %dma_start3A_77] : memref<10000x128xf32, #tpu.memory_space<hbm>> -> memref<10000x128xf32, #tpu.memory_space<hbm>>
      tpu.enqueue_indirect_dma source(%dma_start3A_78 : memref<10000x128xf32, #tpu.memory_space<hbm>>) target(%arg10 : memref<128x128xf32, #tpu.memory_space<vmem>>) offsets(%dma_start3A_75 : memref<128xi32, #tpu.memory_space<vmem>>) semaphore(%arg12 : memref<!tpu.dma_semaphore, #tpu.memory_space<semaphore_mem>>)
      %dma_wait3A_79 = arith.constant 3 : i32
      %dma_wait3A_80 = arith.constant 0 : i32
      %dma_wait3A_81 = tpu.memref_slice %arg8[%dma_wait3A_79, %dma_wait3A_80] : memref<10x128xi32, #tpu.memory_space<vmem>> -> memref<1x128xi32, #tpu.memory_space<vmem>>
      %dma_wait3A_82 = tpu.memref_squeeze %dma_wait3A_81 : memref<1x128xi32, #tpu.memory_space<vmem>> -> memref<128xi32, #tpu.memory_space<vmem>>
      %dma_wait3A_83 = arith.constant 0 : i32
      %dma_wait3A_84 = arith.constant 0 : i32
      %dma_wait3A_85 = tpu.memref_slice %arg2[%dma_wait3A_83, %dma_wait3A_84] : memref<10000x128xf32, #tpu.memory_space<hbm>> -> memref<10000x128xf32, #tpu.memory_space<hbm>>
      tpu.wait_indirect_dma semaphore(%arg13 : memref<!tpu.dma_semaphore, #tpu.memory_space<semaphore_mem>>) src(%dma_wait3A_85 : memref<10000x128xf32, #tpu.memory_space<hbm>>) dst(%arg11 : memref<128x128xf32, #tpu.memory_space<vmem>>)
      %run_scoped3A_86 = arith.constant 3 : i32
      "tpu.region"() ({
        %run_scoped3A_170 = tpu.sem_alloc : memref<!tpu.dma_semaphore, #tpu.memory_space<semaphore_mem>>
        %dma_start3A_171 = arith.constant 0 : i32
        %dma_start3A_172 = tpu.memref_slice %arg9[%run_scoped3A_86, %dma_start3A_171] : memref<10x128xi32, #tpu.memory_space<vmem>> -> memref<1x128xi32, #tpu.memory_space<vmem>>
        %dma_start3A_173 = tpu.memref_squeeze %dma_start3A_172 : memref<1x128xi32, #tpu.memory_space<vmem>> -> memref<128xi32, #tpu.memory_space<vmem>>
        %dma_start3A_174 = arith.constant 0 : i32
        %dma_start3A_175 = arith.constant 0 : i32
        %dma_start3A_176 = tpu.memref_slice %arg7[%dma_start3A_174, %dma_start3A_175] : memref<10112x128xf32, #tpu.memory_space<vmem_shared>> -> memref<10112x128xf32, #tpu.memory_space<vmem_shared>>
        tpu.enqueue_indirect_dma source(%arg11 : memref<128x128xf32, #tpu.memory_space<vmem>>) target(%dma_start3A_176 : memref<10112x128xf32, #tpu.memory_space<vmem_shared>>) offsets(%dma_start3A_173 : memref<128xi32, #tpu.memory_space<vmem>>) semaphore(%run_scoped3A_170 : memref<!tpu.dma_semaphore, #tpu.memory_space<semaphore_mem>>) {add = true}
        %dma_wait3A_177 = arith.constant 0 : i32
        %dma_wait3A_178 = tpu.memref_slice %arg9[%run_scoped3A_86, %dma_wait3A_177] : memref<10x128xi32, #tpu.memory_space<vmem>> -> memref<1x128xi32, #tpu.memory_space<vmem>>
        %dma_wait3A_179 = tpu.memref_squeeze %dma_wait3A_178 : memref<1x128xi32, #tpu.memory_space<vmem>> -> memref<128xi32, #tpu.memory_space<vmem>>
        %dma_wait3A_180 = arith.constant 0 : i32
        %dma_wait3A_181 = arith.constant 0 : i32
        %dma_wait3A_182 = tpu.memref_slice %arg7[%dma_wait3A_180, %dma_wait3A_181] : memref<10112x128xf32, #tpu.memory_space<vmem_shared>> -> memref<10112x128xf32, #tpu.memory_space<vmem_shared>>
        tpu.wait_indirect_dma semaphore(%run_scoped3A_170 : memref<!tpu.dma_semaphore, #tpu.memory_space<semaphore_mem>>) src(%arg11 : memref<128x128xf32, #tpu.memory_space<vmem>>) dst(%dma_wait3A_182 : memref<10112x128xf32, #tpu.memory_space<vmem_shared>>)
        tpu.yield
      }) : () -> ()
      %dma_start3A_87 = arith.constant 5 : i32
      %dma_start3A_88 = arith.constant 0 : i32
      %dma_start3A_89 = tpu.memref_slice %arg8[%dma_start3A_87, %dma_start3A_88] : memref<10x128xi32, #tpu.memory_space<vmem>> -> memref<1x128xi32, #tpu.memory_space<vmem>>
      %dma_start3A_90 = tpu.memref_squeeze %dma_start3A_89 : memref<1x128xi32, #tpu.memory_space<vmem>> -> memref<128xi32, #tpu.memory_space<vmem>>
      %dma_start3A_91 = arith.constant 0 : i32
      %dma_start3A_92 = arith.constant 0 : i32
      %dma_start3A_93 = tpu.memref_slice %arg2[%dma_start3A_91, %dma_start3A_92] : memref<10000x128xf32, #tpu.memory_space<hbm>> -> memref<10000x128xf32, #tpu.memory_space<hbm>>
      tpu.enqueue_indirect_dma source(%dma_start3A_93 : memref<10000x128xf32, #tpu.memory_space<hbm>>) target(%arg11 : memref<128x128xf32, #tpu.memory_space<vmem>>) offsets(%dma_start3A_90 : memref<128xi32, #tpu.memory_space<vmem>>) semaphore(%arg13 : memref<!tpu.dma_semaphore, #tpu.memory_space<semaphore_mem>>)
      %dma_wait3A_94 = arith.constant 4 : i32
      %dma_wait3A_95 = arith.constant 0 : i32
      %dma_wait3A_96 = tpu.memref_slice %arg8[%dma_wait3A_94, %dma_wait3A_95] : memref<10x128xi32, #tpu.memory_space<vmem>> -> memref<1x128xi32, #tpu.memory_space<vmem>>
      %dma_wait3A_97 = tpu.memref_squeeze %dma_wait3A_96 : memref<1x128xi32, #tpu.memory_space<vmem>> -> memref<128xi32, #tpu.memory_space<vmem>>
      %dma_wait3A_98 = arith.constant 0 : i32
      %dma_wait3A_99 = arith.constant 0 : i32
      %dma_wait3A_100 = tpu.memref_slice %arg2[%dma_wait3A_98, %dma_wait3A_99] : memref<10000x128xf32, #tpu.memory_space<hbm>> -> memref<10000x128xf32, #tpu.memory_space<hbm>>
      tpu.wait_indirect_dma semaphore(%arg12 : memref<!tpu.dma_semaphore, #tpu.memory_space<semaphore_mem>>) src(%dma_wait3A_100 : memref<10000x128xf32, #tpu.memory_space<hbm>>) dst(%arg10 : memref<128x128xf32, #tpu.memory_space<vmem>>)
      %run_scoped3A_101 = arith.constant 4 : i32
      "tpu.region"() ({
        %run_scoped3A_170 = tpu.sem_alloc : memref<!tpu.dma_semaphore, #tpu.memory_space<semaphore_mem>>
        %dma_start3A_171 = arith.constant 0 : i32
        %dma_start3A_172 = tpu.memref_slice %arg9[%run_scoped3A_101, %dma_start3A_171] : memref<10x128xi32, #tpu.memory_space<vmem>> -> memref<1x128xi32, #tpu.memory_space<vmem>>
        %dma_start3A_173 = tpu.memref_squeeze %dma_start3A_172 : memref<1x128xi32, #tpu.memory_space<vmem>> -> memref<128xi32, #tpu.memory_space<vmem>>
        %dma_start3A_174 = arith.constant 0 : i32
        %dma_start3A_175 = arith.constant 0 : i32
        %dma_start3A_176 = tpu.memref_slice %arg7[%dma_start3A_174, %dma_start3A_175] : memref<10112x128xf32, #tpu.memory_space<vmem_shared>> -> memref<10112x128xf32, #tpu.memory_space<vmem_shared>>
        tpu.enqueue_indirect_dma source(%arg10 : memref<128x128xf32, #tpu.memory_space<vmem>>) target(%dma_start3A_176 : memref<10112x128xf32, #tpu.memory_space<vmem_shared>>) offsets(%dma_start3A_173 : memref<128xi32, #tpu.memory_space<vmem>>) semaphore(%run_scoped3A_170 : memref<!tpu.dma_semaphore, #tpu.memory_space<semaphore_mem>>) {add = true}
        %dma_wait3A_177 = arith.constant 0 : i32
        %dma_wait3A_178 = tpu.memref_slice %arg9[%run_scoped3A_101, %dma_wait3A_177] : memref<10x128xi32, #tpu.memory_space<vmem>> -> memref<1x128xi32, #tpu.memory_space<vmem>>
        %dma_wait3A_179 = tpu.memref_squeeze %dma_wait3A_178 : memref<1x128xi32, #tpu.memory_space<vmem>> -> memref<128xi32, #tpu.memory_space<vmem>>
        %dma_wait3A_180 = arith.constant 0 : i32
        %dma_wait3A_181 = arith.constant 0 : i32
        %dma_wait3A_182 = tpu.memref_slice %arg7[%dma_wait3A_180, %dma_wait3A_181] : memref<10112x128xf32, #tpu.memory_space<vmem_shared>> -> memref<10112x128xf32, #tpu.memory_space<vmem_shared>>
        tpu.wait_indirect_dma semaphore(%run_scoped3A_170 : memref<!tpu.dma_semaphore, #tpu.memory_space<semaphore_mem>>) src(%arg10 : memref<128x128xf32, #tpu.memory_space<vmem>>) dst(%dma_wait3A_182 : memref<10112x128xf32, #tpu.memory_space<vmem_shared>>)
        tpu.yield
      }) : () -> ()
      %dma_start3A_102 = arith.constant 6 : i32
      %dma_start3A_103 = arith.constant 0 : i32
      %dma_start3A_104 = tpu.memref_slice %arg8[%dma_start3A_102, %dma_start3A_103] : memref<10x128xi32, #tpu.memory_space<vmem>> -> memref<1x128xi32, #tpu.memory_space<vmem>>
      %dma_start3A_105 = tpu.memref_squeeze %dma_start3A_104 : memref<1x128xi32, #tpu.memory_space<vmem>> -> memref<128xi32, #tpu.memory_space<vmem>>
      %dma_start3A_106 = arith.constant 0 : i32
      %dma_start3A_107 = arith.constant 0 : i32
      %dma_start3A_108 = tpu.memref_slice %arg2[%dma_start3A_106, %dma_start3A_107] : memref<10000x128xf32, #tpu.memory_space<hbm>> -> memref<10000x128xf32, #tpu.memory_space<hbm>>
      tpu.enqueue_indirect_dma source(%dma_start3A_108 : memref<10000x128xf32, #tpu.memory_space<hbm>>) target(%arg10 : memref<128x128xf32, #tpu.memory_space<vmem>>) offsets(%dma_start3A_105 : memref<128xi32, #tpu.memory_space<vmem>>) semaphore(%arg12 : memref<!tpu.dma_semaphore, #tpu.memory_space<semaphore_mem>>)
      %dma_wait3A_109 = arith.constant 5 : i32
      %dma_wait3A_110 = arith.constant 0 : i32
      %dma_wait3A_111 = tpu.memref_slice %arg8[%dma_wait3A_109, %dma_wait3A_110] : memref<10x128xi32, #tpu.memory_space<vmem>> -> memref<1x128xi32, #tpu.memory_space<vmem>>
      %dma_wait3A_112 = tpu.memref_squeeze %dma_wait3A_111 : memref<1x128xi32, #tpu.memory_space<vmem>> -> memref<128xi32, #tpu.memory_space<vmem>>
      %dma_wait3A_113 = arith.constant 0 : i32
      %dma_wait3A_114 = arith.constant 0 : i32
      %dma_wait3A_115 = tpu.memref_slice %arg2[%dma_wait3A_113, %dma_wait3A_114] : memref<10000x128xf32, #tpu.memory_space<hbm>> -> memref<10000x128xf32, #tpu.memory_space<hbm>>
      tpu.wait_indirect_dma semaphore(%arg13 : memref<!tpu.dma_semaphore, #tpu.memory_space<semaphore_mem>>) src(%dma_wait3A_115 : memref<10000x128xf32, #tpu.memory_space<hbm>>) dst(%arg11 : memref<128x128xf32, #tpu.memory_space<vmem>>)
      %run_scoped3A_116 = arith.constant 5 : i32
      "tpu.region"() ({
        %run_scoped3A_170 = tpu.sem_alloc : memref<!tpu.dma_semaphore, #tpu.memory_space<semaphore_mem>>
        %dma_start3A_171 = arith.constant 0 : i32
        %dma_start3A_172 = tpu.memref_slice %arg9[%run_scoped3A_116, %dma_start3A_171] : memref<10x128xi32, #tpu.memory_space<vmem>> -> memref<1x128xi32, #tpu.memory_space<vmem>>
        %dma_start3A_173 = tpu.memref_squeeze %dma_start3A_172 : memref<1x128xi32, #tpu.memory_space<vmem>> -> memref<128xi32, #tpu.memory_space<vmem>>
        %dma_start3A_174 = arith.constant 0 : i32
        %dma_start3A_175 = arith.constant 0 : i32
        %dma_start3A_176 = tpu.memref_slice %arg7[%dma_start3A_174, %dma_start3A_175] : memref<10112x128xf32, #tpu.memory_space<vmem_shared>> -> memref<10112x128xf32, #tpu.memory_space<vmem_shared>>
        tpu.enqueue_indirect_dma source(%arg11 : memref<128x128xf32, #tpu.memory_space<vmem>>) target(%dma_start3A_176 : memref<10112x128xf32, #tpu.memory_space<vmem_shared>>) offsets(%dma_start3A_173 : memref<128xi32, #tpu.memory_space<vmem>>) semaphore(%run_scoped3A_170 : memref<!tpu.dma_semaphore, #tpu.memory_space<semaphore_mem>>) {add = true}
        %dma_wait3A_177 = arith.constant 0 : i32
        %dma_wait3A_178 = tpu.memref_slice %arg9[%run_scoped3A_116, %dma_wait3A_177] : memref<10x128xi32, #tpu.memory_space<vmem>> -> memref<1x128xi32, #tpu.memory_space<vmem>>
        %dma_wait3A_179 = tpu.memref_squeeze %dma_wait3A_178 : memref<1x128xi32, #tpu.memory_space<vmem>> -> memref<128xi32, #tpu.memory_space<vmem>>
        %dma_wait3A_180 = arith.constant 0 : i32
        %dma_wait3A_181 = arith.constant 0 : i32
        %dma_wait3A_182 = tpu.memref_slice %arg7[%dma_wait3A_180, %dma_wait3A_181] : memref<10112x128xf32, #tpu.memory_space<vmem_shared>> -> memref<10112x128xf32, #tpu.memory_space<vmem_shared>>
        tpu.wait_indirect_dma semaphore(%run_scoped3A_170 : memref<!tpu.dma_semaphore, #tpu.memory_space<semaphore_mem>>) src(%arg11 : memref<128x128xf32, #tpu.memory_space<vmem>>) dst(%dma_wait3A_182 : memref<10112x128xf32, #tpu.memory_space<vmem_shared>>)
        tpu.yield
      }) : () -> ()
      %dma_start3A_117 = arith.constant 7 : i32
      %dma_start3A_118 = arith.constant 0 : i32
      %dma_start3A_119 = tpu.memref_slice %arg8[%dma_start3A_117, %dma_start3A_118] : memref<10x128xi32, #tpu.memory_space<vmem>> -> memref<1x128xi32, #tpu.memory_space<vmem>>
      %dma_start3A_120 = tpu.memref_squeeze %dma_start3A_119 : memref<1x128xi32, #tpu.memory_space<vmem>> -> memref<128xi32, #tpu.memory_space<vmem>>
      %dma_start3A_121 = arith.constant 0 : i32
      %dma_start3A_122 = arith.constant 0 : i32
      %dma_start3A_123 = tpu.memref_slice %arg2[%dma_start3A_121, %dma_start3A_122] : memref<10000x128xf32, #tpu.memory_space<hbm>> -> memref<10000x128xf32, #tpu.memory_space<hbm>>
      tpu.enqueue_indirect_dma source(%dma_start3A_123 : memref<10000x128xf32, #tpu.memory_space<hbm>>) target(%arg11 : memref<128x128xf32, #tpu.memory_space<vmem>>) offsets(%dma_start3A_120 : memref<128xi32, #tpu.memory_space<vmem>>) semaphore(%arg13 : memref<!tpu.dma_semaphore, #tpu.memory_space<semaphore_mem>>)
      %dma_wait3A_124 = arith.constant 6 : i32
      %dma_wait3A_125 = arith.constant 0 : i32
      %dma_wait3A_126 = tpu.memref_slice %arg8[%dma_wait3A_124, %dma_wait3A_125] : memref<10x128xi32, #tpu.memory_space<vmem>> -> memref<1x128xi32, #tpu.memory_space<vmem>>
      %dma_wait3A_127 = tpu.memref_squeeze %dma_wait3A_126 : memref<1x128xi32, #tpu.memory_space<vmem>> -> memref<128xi32, #tpu.memory_space<vmem>>
      %dma_wait3A_128 = arith.constant 0 : i32
      %dma_wait3A_129 = arith.constant 0 : i32
      %dma_wait3A_130 = tpu.memref_slice %arg2[%dma_wait3A_128, %dma_wait3A_129] : memref<10000x128xf32, #tpu.memory_space<hbm>> -> memref<10000x128xf32, #tpu.memory_space<hbm>>
      tpu.wait_indirect_dma semaphore(%arg12 : memref<!tpu.dma_semaphore, #tpu.memory_space<semaphore_mem>>) src(%dma_wait3A_130 : memref<10000x128xf32, #tpu.memory_space<hbm>>) dst(%arg10 : memref<128x128xf32, #tpu.memory_space<vmem>>)
      %run_scoped3A_131 = arith.constant 6 : i32
      "tpu.region"() ({
        %run_scoped3A_170 = tpu.sem_alloc : memref<!tpu.dma_semaphore, #tpu.memory_space<semaphore_mem>>
        %dma_start3A_171 = arith.constant 0 : i32
        %dma_start3A_172 = tpu.memref_slice %arg9[%run_scoped3A_131, %dma_start3A_171] : memref<10x128xi32, #tpu.memory_space<vmem>> -> memref<1x128xi32, #tpu.memory_space<vmem>>
        %dma_start3A_173 = tpu.memref_squeeze %dma_start3A_172 : memref<1x128xi32, #tpu.memory_space<vmem>> -> memref<128xi32, #tpu.memory_space<vmem>>
        %dma_start3A_174 = arith.constant 0 : i32
        %dma_start3A_175 = arith.constant 0 : i32
        %dma_start3A_176 = tpu.memref_slice %arg7[%dma_start3A_174, %dma_start3A_175] : memref<10112x128xf32, #tpu.memory_space<vmem_shared>> -> memref<10112x128xf32, #tpu.memory_space<vmem_shared>>
        tpu.enqueue_indirect_dma source(%arg10 : memref<128x128xf32, #tpu.memory_space<vmem>>) target(%dma_start3A_176 : memref<10112x128xf32, #tpu.memory_space<vmem_shared>>) offsets(%dma_start3A_173 : memref<128xi32, #tpu.memory_space<vmem>>) semaphore(%run_scoped3A_170 : memref<!tpu.dma_semaphore, #tpu.memory_space<semaphore_mem>>) {add = true}
        %dma_wait3A_177 = arith.constant 0 : i32
        %dma_wait3A_178 = tpu.memref_slice %arg9[%run_scoped3A_131, %dma_wait3A_177] : memref<10x128xi32, #tpu.memory_space<vmem>> -> memref<1x128xi32, #tpu.memory_space<vmem>>
        %dma_wait3A_179 = tpu.memref_squeeze %dma_wait3A_178 : memref<1x128xi32, #tpu.memory_space<vmem>> -> memref<128xi32, #tpu.memory_space<vmem>>
        %dma_wait3A_180 = arith.constant 0 : i32
        %dma_wait3A_181 = arith.constant 0 : i32
        %dma_wait3A_182 = tpu.memref_slice %arg7[%dma_wait3A_180, %dma_wait3A_181] : memref<10112x128xf32, #tpu.memory_space<vmem_shared>> -> memref<10112x128xf32, #tpu.memory_space<vmem_shared>>
        tpu.wait_indirect_dma semaphore(%run_scoped3A_170 : memref<!tpu.dma_semaphore, #tpu.memory_space<semaphore_mem>>) src(%arg10 : memref<128x128xf32, #tpu.memory_space<vmem>>) dst(%dma_wait3A_182 : memref<10112x128xf32, #tpu.memory_space<vmem_shared>>)
        tpu.yield
      }) : () -> ()
      %dma_start3A_132 = arith.constant 8 : i32
      %dma_start3A_133 = arith.constant 0 : i32
      %dma_start3A_134 = tpu.memref_slice %arg8[%dma_start3A_132, %dma_start3A_133] : memref<10x128xi32, #tpu.memory_space<vmem>> -> memref<1x128xi32, #tpu.memory_space<vmem>>
      %dma_start3A_135 = tpu.memref_squeeze %dma_start3A_134 : memref<1x128xi32, #tpu.memory_space<vmem>> -> memref<128xi32, #tpu.memory_space<vmem>>
      %dma_start3A_136 = arith.constant 0 : i32
      %dma_start3A_137 = arith.constant 0 : i32
      %dma_start3A_138 = tpu.memref_slice %arg2[%dma_start3A_136, %dma_start3A_137] : memref<10000x128xf32, #tpu.memory_space<hbm>> -> memref<10000x128xf32, #tpu.memory_space<hbm>>
      tpu.enqueue_indirect_dma source(%dma_start3A_138 : memref<10000x128xf32, #tpu.memory_space<hbm>>) target(%arg10 : memref<128x128xf32, #tpu.memory_space<vmem>>) offsets(%dma_start3A_135 : memref<128xi32, #tpu.memory_space<vmem>>) semaphore(%arg12 : memref<!tpu.dma_semaphore, #tpu.memory_space<semaphore_mem>>)
      %dma_wait3A_139 = arith.constant 7 : i32
      %dma_wait3A_140 = arith.constant 0 : i32
      %dma_wait3A_141 = tpu.memref_slice %arg8[%dma_wait3A_139, %dma_wait3A_140] : memref<10x128xi32, #tpu.memory_space<vmem>> -> memref<1x128xi32, #tpu.memory_space<vmem>>
      %dma_wait3A_142 = tpu.memref_squeeze %dma_wait3A_141 : memref<1x128xi32, #tpu.memory_space<vmem>> -> memref<128xi32, #tpu.memory_space<vmem>>
      %dma_wait3A_143 = arith.constant 0 : i32
      %dma_wait3A_144 = arith.constant 0 : i32
      %dma_wait3A_145 = tpu.memref_slice %arg2[%dma_wait3A_143, %dma_wait3A_144] : memref<10000x128xf32, #tpu.memory_space<hbm>> -> memref<10000x128xf32, #tpu.memory_space<hbm>>
      tpu.wait_indirect_dma semaphore(%arg13 : memref<!tpu.dma_semaphore, #tpu.memory_space<semaphore_mem>>) src(%dma_wait3A_145 : memref<10000x128xf32, #tpu.memory_space<hbm>>) dst(%arg11 : memref<128x128xf32, #tpu.memory_space<vmem>>)
      %run_scoped3A_146 = arith.constant 7 : i32
      "tpu.region"() ({
        %run_scoped3A_170 = tpu.sem_alloc : memref<!tpu.dma_semaphore, #tpu.memory_space<semaphore_mem>>
        %dma_start3A_171 = arith.constant 0 : i32
        %dma_start3A_172 = tpu.memref_slice %arg9[%run_scoped3A_146, %dma_start3A_171] : memref<10x128xi32, #tpu.memory_space<vmem>> -> memref<1x128xi32, #tpu.memory_space<vmem>>
        %dma_start3A_173 = tpu.memref_squeeze %dma_start3A_172 : memref<1x128xi32, #tpu.memory_space<vmem>> -> memref<128xi32, #tpu.memory_space<vmem>>
        %dma_start3A_174 = arith.constant 0 : i32
        %dma_start3A_175 = arith.constant 0 : i32
        %dma_start3A_176 = tpu.memref_slice %arg7[%dma_start3A_174, %dma_start3A_175] : memref<10112x128xf32, #tpu.memory_space<vmem_shared>> -> memref<10112x128xf32, #tpu.memory_space<vmem_shared>>
        tpu.enqueue_indirect_dma source(%arg11 : memref<128x128xf32, #tpu.memory_space<vmem>>) target(%dma_start3A_176 : memref<10112x128xf32, #tpu.memory_space<vmem_shared>>) offsets(%dma_start3A_173 : memref<128xi32, #tpu.memory_space<vmem>>) semaphore(%run_scoped3A_170 : memref<!tpu.dma_semaphore, #tpu.memory_space<semaphore_mem>>) {add = true}
        %dma_wait3A_177 = arith.constant 0 : i32
        %dma_wait3A_178 = tpu.memref_slice %arg9[%run_scoped3A_146, %dma_wait3A_177] : memref<10x128xi32, #tpu.memory_space<vmem>> -> memref<1x128xi32, #tpu.memory_space<vmem>>
        %dma_wait3A_179 = tpu.memref_squeeze %dma_wait3A_178 : memref<1x128xi32, #tpu.memory_space<vmem>> -> memref<128xi32, #tpu.memory_space<vmem>>
        %dma_wait3A_180 = arith.constant 0 : i32
        %dma_wait3A_181 = arith.constant 0 : i32
        %dma_wait3A_182 = tpu.memref_slice %arg7[%dma_wait3A_180, %dma_wait3A_181] : memref<10112x128xf32, #tpu.memory_space<vmem_shared>> -> memref<10112x128xf32, #tpu.memory_space<vmem_shared>>
        tpu.wait_indirect_dma semaphore(%run_scoped3A_170 : memref<!tpu.dma_semaphore, #tpu.memory_space<semaphore_mem>>) src(%arg11 : memref<128x128xf32, #tpu.memory_space<vmem>>) dst(%dma_wait3A_182 : memref<10112x128xf32, #tpu.memory_space<vmem_shared>>)
        tpu.yield
      }) : () -> ()
      %dma_start3A_147 = arith.constant 9 : i32
      %dma_start3A_148 = arith.constant 0 : i32
      %dma_start3A_149 = tpu.memref_slice %arg8[%dma_start3A_147, %dma_start3A_148] : memref<10x128xi32, #tpu.memory_space<vmem>> -> memref<1x128xi32, #tpu.memory_space<vmem>>
      %dma_start3A_150 = tpu.memref_squeeze %dma_start3A_149 : memref<1x128xi32, #tpu.memory_space<vmem>> -> memref<128xi32, #tpu.memory_space<vmem>>
      %dma_start3A_151 = arith.constant 0 : i32
      %dma_start3A_152 = arith.constant 0 : i32
      %dma_start3A_153 = tpu.memref_slice %arg2[%dma_start3A_151, %dma_start3A_152] : memref<10000x128xf32, #tpu.memory_space<hbm>> -> memref<10000x128xf32, #tpu.memory_space<hbm>>
      tpu.enqueue_indirect_dma source(%dma_start3A_153 : memref<10000x128xf32, #tpu.memory_space<hbm>>) target(%arg11 : memref<128x128xf32, #tpu.memory_space<vmem>>) offsets(%dma_start3A_150 : memref<128xi32, #tpu.memory_space<vmem>>) semaphore(%arg13 : memref<!tpu.dma_semaphore, #tpu.memory_space<semaphore_mem>>)
      %dma_wait3A_154 = arith.constant 8 : i32
      %dma_wait3A_155 = arith.constant 0 : i32
      %dma_wait3A_156 = tpu.memref_slice %arg8[%dma_wait3A_154, %dma_wait3A_155] : memref<10x128xi32, #tpu.memory_space<vmem>> -> memref<1x128xi32, #tpu.memory_space<vmem>>
      %dma_wait3A_157 = tpu.memref_squeeze %dma_wait3A_156 : memref<1x128xi32, #tpu.memory_space<vmem>> -> memref<128xi32, #tpu.memory_space<vmem>>
      %dma_wait3A_158 = arith.constant 0 : i32
      %dma_wait3A_159 = arith.constant 0 : i32
      %dma_wait3A_160 = tpu.memref_slice %arg2[%dma_wait3A_158, %dma_wait3A_159] : memref<10000x128xf32, #tpu.memory_space<hbm>> -> memref<10000x128xf32, #tpu.memory_space<hbm>>
      tpu.wait_indirect_dma semaphore(%arg12 : memref<!tpu.dma_semaphore, #tpu.memory_space<semaphore_mem>>) src(%dma_wait3A_160 : memref<10000x128xf32, #tpu.memory_space<hbm>>) dst(%arg10 : memref<128x128xf32, #tpu.memory_space<vmem>>)
      %run_scoped3A_161 = arith.constant 8 : i32
      "tpu.region"() ({
        %run_scoped3A_170 = tpu.sem_alloc : memref<!tpu.dma_semaphore, #tpu.memory_space<semaphore_mem>>
        %dma_start3A_171 = arith.constant 0 : i32
        %dma_start3A_172 = tpu.memref_slice %arg9[%run_scoped3A_161, %dma_start3A_171] : memref<10x128xi32, #tpu.memory_space<vmem>> -> memref<1x128xi32, #tpu.memory_space<vmem>>
        %dma_start3A_173 = tpu.memref_squeeze %dma_start3A_172 : memref<1x128xi32, #tpu.memory_space<vmem>> -> memref<128xi32, #tpu.memory_space<vmem>>
        %dma_start3A_174 = arith.constant 0 : i32
        %dma_start3A_175 = arith.constant 0 : i32
        %dma_start3A_176 = tpu.memref_slice %arg7[%dma_start3A_174, %dma_start3A_175] : memref<10112x128xf32, #tpu.memory_space<vmem_shared>> -> memref<10112x128xf32, #tpu.memory_space<vmem_shared>>
        tpu.enqueue_indirect_dma source(%arg10 : memref<128x128xf32, #tpu.memory_space<vmem>>) target(%dma_start3A_176 : memref<10112x128xf32, #tpu.memory_space<vmem_shared>>) offsets(%dma_start3A_173 : memref<128xi32, #tpu.memory_space<vmem>>) semaphore(%run_scoped3A_170 : memref<!tpu.dma_semaphore, #tpu.memory_space<semaphore_mem>>) {add = true}
        %dma_wait3A_177 = arith.constant 0 : i32
        %dma_wait3A_178 = tpu.memref_slice %arg9[%run_scoped3A_161, %dma_wait3A_177] : memref<10x128xi32, #tpu.memory_space<vmem>> -> memref<1x128xi32, #tpu.memory_space<vmem>>
        %dma_wait3A_179 = tpu.memref_squeeze %dma_wait3A_178 : memref<1x128xi32, #tpu.memory_space<vmem>> -> memref<128xi32, #tpu.memory_space<vmem>>
        %dma_wait3A_180 = arith.constant 0 : i32
        %dma_wait3A_181 = arith.constant 0 : i32
        %dma_wait3A_182 = tpu.memref_slice %arg7[%dma_wait3A_180, %dma_wait3A_181] : memref<10112x128xf32, #tpu.memory_space<vmem_shared>> -> memref<10112x128xf32, #tpu.memory_space<vmem_shared>>
        tpu.wait_indirect_dma semaphore(%run_scoped3A_170 : memref<!tpu.dma_semaphore, #tpu.memory_space<semaphore_mem>>) src(%arg10 : memref<128x128xf32, #tpu.memory_space<vmem>>) dst(%dma_wait3A_182 : memref<10112x128xf32, #tpu.memory_space<vmem_shared>>)
        tpu.yield
      }) : () -> ()
      %dma_wait3A_162 = arith.constant 9 : i32
      %dma_wait3A_163 = arith.constant 0 : i32
      %dma_wait3A_164 = tpu.memref_slice %arg8[%dma_wait3A_162, %dma_wait3A_163] : memref<10x128xi32, #tpu.memory_space<vmem>> -> memref<1x128xi32, #tpu.memory_space<vmem>>
      %dma_wait3A_165 = tpu.memref_squeeze %dma_wait3A_164 : memref<1x128xi32, #tpu.memory_space<vmem>> -> memref<128xi32, #tpu.memory_space<vmem>>
      %dma_wait3A_166 = arith.constant 0 : i32
      %dma_wait3A_167 = arith.constant 0 : i32
      %dma_wait3A_168 = tpu.memref_slice %arg2[%dma_wait3A_166, %dma_wait3A_167] : memref<10000x128xf32, #tpu.memory_space<hbm>> -> memref<10000x128xf32, #tpu.memory_space<hbm>>
      tpu.wait_indirect_dma semaphore(%arg13 : memref<!tpu.dma_semaphore, #tpu.memory_space<semaphore_mem>>) src(%dma_wait3A_168 : memref<10000x128xf32, #tpu.memory_space<hbm>>) dst(%arg11 : memref<128x128xf32, #tpu.memory_space<vmem>>)
      %run_scoped3A_169 = arith.constant 9 : i32
      "tpu.region"() ({
        %run_scoped3A_170 = tpu.sem_alloc : memref<!tpu.dma_semaphore, #tpu.memory_space<semaphore_mem>>
        %dma_start3A_171 = arith.constant 0 : i32
        %dma_start3A_172 = tpu.memref_slice %arg9[%run_scoped3A_169, %dma_start3A_171] : memref<10x128xi32, #tpu.memory_space<vmem>> -> memref<1x128xi32, #tpu.memory_space<vmem>>
        %dma_start3A_173 = tpu.memref_squeeze %dma_start3A_172 : memref<1x128xi32, #tpu.memory_space<vmem>> -> memref<128xi32, #tpu.memory_space<vmem>>
        %dma_start3A_174 = arith.constant 0 : i32
        %dma_start3A_175 = arith.constant 0 : i32
        %dma_start3A_176 = tpu.memref_slice %arg7[%dma_start3A_174, %dma_start3A_175] : memref<10112x128xf32, #tpu.memory_space<vmem_shared>> -> memref<10112x128xf32, #tpu.memory_space<vmem_shared>>
        tpu.enqueue_indirect_dma source(%arg11 : memref<128x128xf32, #tpu.memory_space<vmem>>) target(%dma_start3A_176 : memref<10112x128xf32, #tpu.memory_space<vmem_shared>>) offsets(%dma_start3A_173 : memref<128xi32, #tpu.memory_space<vmem>>) semaphore(%run_scoped3A_170 : memref<!tpu.dma_semaphore, #tpu.memory_space<semaphore_mem>>) {add = true}
        %dma_wait3A_177 = arith.constant 0 : i32
        %dma_wait3A_178 = tpu.memref_slice %arg9[%run_scoped3A_169, %dma_wait3A_177] : memref<10x128xi32, #tpu.memory_space<vmem>> -> memref<1x128xi32, #tpu.memory_space<vmem>>
        %dma_wait3A_179 = tpu.memref_squeeze %dma_wait3A_178 : memref<1x128xi32, #tpu.memory_space<vmem>> -> memref<128xi32, #tpu.memory_space<vmem>>
        %dma_wait3A_180 = arith.constant 0 : i32
        %dma_wait3A_181 = arith.constant 0 : i32
        %dma_wait3A_182 = tpu.memref_slice %arg7[%dma_wait3A_180, %dma_wait3A_181] : memref<10112x128xf32, #tpu.memory_space<vmem_shared>> -> memref<10112x128xf32, #tpu.memory_space<vmem_shared>>
        tpu.wait_indirect_dma semaphore(%run_scoped3A_170 : memref<!tpu.dma_semaphore, #tpu.memory_space<semaphore_mem>>) src(%arg11 : memref<128x128xf32, #tpu.memory_space<vmem>>) dst(%dma_wait3A_182 : memref<10112x128xf32, #tpu.memory_space<vmem_shared>>)
        tpu.yield
      }) : () -> ()
    }
    %scan3A_6 = arith.constant 8 : i32
    %barrier3A_7 = arith.constant 0 : index
    tpu.barrier barrier_id(%barrier3A_7)
    %mul3A_8 = arith.constant 632 : i32
    %mul3A_9 = arith.muli %arg1, %mul3A_8 : i32
    %mul3A_10 = arith.constant 632 : i32
    %mul3A_11 = arith.muli %arg1, %mul3A_10 : i32
    "tpu.region"() ({
      %run_scoped3A = tpu.sem_alloc : memref<!tpu.dma_semaphore, #tpu.memory_space<semaphore_mem>>
      %dma_start3A = arith.constant 0 : i32
      %dma_start3A_12 = tpu.memref_slice %arg6[%arg0, %mul3A_11, %dma_start3A] : memref<2x10112x128xf32, #tpu.memory_space<hbm>> -> memref<1x632x128xf32, #tpu.memory_space<hbm>>
      %dma_start3A_13 = tpu.memref_squeeze %dma_start3A_12 : memref<1x632x128xf32, #tpu.memory_space<hbm>> -> memref<632x128xf32, #tpu.memory_space<hbm>>
      %dma_start3A_14 = arith.constant 0 : i32
      %dma_start3A_15 = tpu.memref_slice %arg7[%mul3A_9, %dma_start3A_14] : memref<10112x128xf32, #tpu.memory_space<vmem_shared>> -> memref<632x128xf32, #tpu.memory_space<vmem_shared>>
      tpu.enqueue_dma source(%dma_start3A_15 : memref<632x128xf32, #tpu.memory_space<vmem_shared>>) target(%dma_start3A_13 : memref<632x128xf32, #tpu.memory_space<hbm>>) target_semaphore(%run_scoped3A : memref<!tpu.dma_semaphore, #tpu.memory_space<semaphore_mem>>)
      %dma_wait3A = arith.constant 0 : i32
      %dma_wait3A_16 = tpu.memref_slice %arg6[%arg0, %mul3A_11, %dma_wait3A] : memref<2x10112x128xf32, #tpu.memory_space<hbm>> -> memref<1x632x128xf32, #tpu.memory_space<hbm>>
      %dma_wait3A_17 = tpu.memref_squeeze %dma_wait3A_16 : memref<1x632x128xf32, #tpu.memory_space<hbm>> -> memref<632x128xf32, #tpu.memory_space<hbm>>
      %dma_wait3A_18 = arith.constant 0 : i32
      %dma_wait3A_19 = tpu.memref_slice %arg7[%mul3A_9, %dma_wait3A_18] : memref<10112x128xf32, #tpu.memory_space<vmem_shared>> -> memref<632x128xf32, #tpu.memory_space<vmem_shared>>
      tpu.wait_dma2 semaphore(%run_scoped3A : memref<!tpu.dma_semaphore, #tpu.memory_space<semaphore_mem>>) src(%dma_wait3A_19 : memref<632x128xf32, #tpu.memory_space<vmem_shared>>) dst(%dma_wait3A_17 : memref<632x128xf32, #tpu.memory_space<hbm>>)
      tpu.yield
    }) : () -> ()
    return
  }
}

module attributes {stable_mosaic.version = 14 : i64} {
  func.func @body(%arg0: i32, %arg1: memref<1000x128xf32, #tpu.memory_space<vmem>>, %arg2: memref<128x128xf32, #tpu.memory_space<vmem>>, %arg3: memref<1x128xf32, #tpu.memory_space<vmem>>, %arg4: memref<1000x128xf32, #tpu.memory_space<vmem>>) attributes {dimension_semantics = [#tpu.dimension_semantics<arbitrary>], iteration_bounds = array<i64: 10>, scalar_prefetch = 0 : i64, scratch_operands = 0 : i64, tpu.core_type = #tpu.core_type<tc>, window_params = [{transform_indices = @transform_0, window_bounds = array<i64: 1000, 128>}, {pipeline_mode = #tpu.pipeline_mode<synchronous>, transform_indices = @transform_1, window_bounds = array<i64: 128, 128>}, {pipeline_mode = #tpu.pipeline_mode<synchronous>, transform_indices = @transform_2, window_bounds = array<i64: 1, 128>}, {transform_indices = @transform_3, window_bounds = array<i64: 1000, 128>}]} {
    %get3A = arith.constant 0 : index
    %get3A_0 = arith.constant 0 : index
    %get3A_1 = vector.load %arg1[%get3A, %get3A_0] : memref<1000x128xf32, #tpu.memory_space<vmem>>, vector<1000x128xf32>
    %get3A_2 = arith.constant 0 : index
    %get3A_3 = arith.constant 0 : index
    %get3A_4 = vector.load %arg2[%get3A_2, %get3A_3] : memref<128x128xf32, #tpu.memory_space<vmem>>, vector<128x128xf32>
    %dot_general3A = arith.constant dense<0.000000e+00> : vector<1000x128xf32>
    %dot_general3A_5 = tpu.matmul %get3A_1, %get3A_4, %dot_general3A {dimension_numbers = #tpu.dot_dimension_numbers<[1], [0], [0], [1], [0, 0, 1, 1], [], []>, transpose_lhs_hint = false} : vector<1000x128xf32>, vector<128x128xf32>, vector<1000x128xf32> -> vector<1000x128xf32>
    %get3A_6 = arith.constant 0 : index
    %get3A_7 = arith.constant 0 : index
    %get3A_8 = vector.load %arg3[%get3A_6, %get3A_7] : memref<1x128xf32, #tpu.memory_space<vmem>>, vector<1x128xf32>
    %add3A = vector.broadcast %get3A_8 : vector<1x128xf32> to vector<1000x128xf32>
    %add3A_9 = arith.addf %dot_general3A_5, %add3A : vector<1000x128xf32>
    %max3A = arith.constant 0.000000e+00 : f32
    %max3A_10 = vector.broadcast %max3A : f32 to vector<1000x128xf32>
    %max3A_11 = arith.maximumf %add3A_9, %max3A_10 : vector<1000x128xf32>
    %swap3A = arith.constant 0 : index
    %swap3A_12 = arith.constant 0 : index
    %swap3A_13 = vector.load %arg4[%swap3A, %swap3A_12] : memref<1000x128xf32, #tpu.memory_space<vmem>>, vector<1000x128xf32>
    tpu.vector_store %arg4[%swap3A, %swap3A_12], %max3A_11 {strides = array<i32>} : memref<1000x128xf32, #tpu.memory_space<vmem>>, vector<1000x128xf32>,
    return
  }
  func.func @transform_0(%arg0: i32) -> (i32, i32) {
    %c0_i32 = arith.constant 0 : i32
    %c0_i32_0 = arith.constant 0 : i32
    return %arg0, %c0_i32 : i32, i32
  }
  func.func @transform_1(%arg0: i32) -> (i32, i32) {
    %c0_i32 = arith.constant 0 : i32
    %c0_i32_0 = arith.constant 0 : i32
    %c0_i32_1 = arith.constant 0 : i32
    return %c0_i32, %c0_i32_0 : i32, i32
  }
  func.func @transform_2(%arg0: i32) -> (i32, i32) {
    %c0_i32 = arith.constant 0 : i32
    %c0_i32_0 = arith.constant 0 : i32
    %c0_i32_1 = arith.constant 0 : i32
    return %c0_i32, %c0_i32_0 : i32, i32
  }
  func.func @transform_3(%arg0: i32) -> (i32, i32) {
    %c0_i32 = arith.constant 0 : i32
    %c0_i32_0 = arith.constant 0 : i32
    return %arg0, %c0_i32 : i32, i32
  }
}

module attributes {stable_mosaic.version = 14 : i64} {
  func.func @body(%arg0: i32, %arg1: memref<1000x128xf32, #tpu.memory_space<vmem>>, %arg2: memref<2x1000x16xf32, #tpu.memory_space<vmem>>, %arg3: memref<1000x128xf32, #tpu.memory_space<vmem>>, %arg4: memref<1000x16xf32, #tpu.memory_space<vmem>>) attributes {dimension_semantics = [#tpu.dimension_semantics<arbitrary>], iteration_bounds = array<i64: 10>, scalar_prefetch = 0 : i64, scratch_operands = 0 : i64, tpu.core_type = #tpu.core_type<tc>, window_params = [{transform_indices = @transform_0, window_bounds = array<i64: 1000, 128>}, {transform_indices = @transform_1, window_bounds = array<i64: 2, 1000, 16>}, {transform_indices = @transform_2, window_bounds = array<i64: 1000, 128>}, {transform_indices = @transform_3, window_bounds = array<i64: 1000, 16>}]} {
    %get3A = arith.constant 0 : index
    %get3A_0 = arith.constant 0 : index
    %get3A_1 = arith.constant 0 : index
    %get3A_2 = vector.load %arg2[%get3A, %get3A_0, %get3A_1] : memref<2x1000x16xf32, #tpu.memory_space<vmem>>, vector<1x1000x1xf32>
    %get3A_3 = vector.shape_cast %get3A_2 : vector<1x1000x1xf32> to vector<1000x1xf32>
    %add3A = arith.constant 1.000000e+00 : f32
    %add3A_4 = vector.broadcast %add3A : f32 to vector<1000x1xf32>
    %add3A_5 = arith.addf %add3A_4, %get3A_3 : vector<1000x1xf32>
    %get3A_6 = arith.constant 1 : index
    %get3A_7 = arith.constant 0 : index
    %get3A_8 = arith.constant 0 : index
    %get3A_9 = vector.load %arg2[%get3A_6, %get3A_7, %get3A_8] : memref<2x1000x16xf32, #tpu.memory_space<vmem>>, vector<1x1000x1xf32>
    %get3A_10 = vector.shape_cast %get3A_9 : vector<1x1000x1xf32> to vector<1000x1xf32>
    %add3A_11 = arith.addf %add3A_5, %get3A_10 : vector<1000x1xf32>
    %rsqrt3A = math.rsqrt %add3A_11 : vector<1000x1xf32>
    %get3A_12 = arith.constant 0 : index
    %get3A_13 = arith.constant 0 : index
    %get3A_14 = vector.load %arg1[%get3A_12, %get3A_13] : memref<1000x128xf32, #tpu.memory_space<vmem>>, vector<1000x128xf32>
    %mul3A = vector.broadcast %rsqrt3A : vector<1000x1xf32> to vector<1000x128xf32>
    %mul3A_15 = arith.mulf %get3A_14, %mul3A : vector<1000x128xf32>
    %swap3A = arith.constant 0 : index
    %swap3A_16 = arith.constant 0 : index
    %swap3A_17 = vector.load %arg3[%swap3A, %swap3A_16] : memref<1000x128xf32, #tpu.memory_space<vmem>>, vector<1000x128xf32>
    tpu.vector_store %arg3[%swap3A, %swap3A_16], %mul3A_15 {strides = array<i32>} : memref<1000x128xf32, #tpu.memory_space<vmem>>, vector<1000x128xf32>,
    %broadcast_in_dim3A = vector.shape_cast %rsqrt3A : vector<1000x1xf32> to vector<1000x1xf32>
    %broadcast_in_dim3A_18 = vector.broadcast %broadcast_in_dim3A : vector<1000x1xf32> to vector<1000x16xf32>
    %swap3A_19 = arith.constant 0 : index
    %swap3A_20 = arith.constant 0 : index
    %swap3A_21 = vector.load %arg4[%swap3A_19, %swap3A_20] : memref<1000x16xf32, #tpu.memory_space<vmem>>, vector<1000x16xf32>
    tpu.vector_store %arg4[%swap3A_19, %swap3A_20], %broadcast_in_dim3A_18 {strides = array<i32>} : memref<1000x16xf32, #tpu.memory_space<vmem>>, vector<1000x16xf32>,
    return
  }
  func.func @transform_0(%arg0: i32) -> (i32, i32) {
    %c0_i32 = arith.constant 0 : i32
    %c0_i32_0 = arith.constant 0 : i32
    return %arg0, %c0_i32 : i32, i32
  }
  func.func @transform_1(%arg0: i32) -> (i32, i32, i32) {
    %c0_i32 = arith.constant 0 : i32
    %c0_i32_0 = arith.constant 0 : i32
    %c0_i32_1 = arith.constant 0 : i32
    return %c0_i32, %arg0, %c0_i32_0 : i32, i32, i32
  }
  func.func @transform_2(%arg0: i32) -> (i32, i32) {
    %c0_i32 = arith.constant 0 : i32
    %c0_i32_0 = arith.constant 0 : i32
    return %arg0, %c0_i32 : i32, i32
  }
  func.func @transform_3(%arg0: i32) -> (i32, i32) {
    %c0_i32 = arith.constant 0 : i32
    %c0_i32_0 = arith.constant 0 : i32
    return %arg0, %c0_i32 : i32, i32
  }
}

module attributes {stable_mosaic.version = 14 : i64} {
  func.func @body(%arg0: i32, %arg1: memref<2x1000x128xf32, #tpu.memory_space<vmem>>, %arg2: memref<1000x128xf32, #tpu.memory_space<vmem>>, %arg3: memref<1000x16xf32, #tpu.memory_space<vmem>>, %arg4: memref<1000x128xf32, #tpu.memory_space<vmem>>) attributes {dimension_semantics = [#tpu.dimension_semantics<arbitrary>], iteration_bounds = array<i64: 10>, scalar_prefetch = 0 : i64, scratch_operands = 0 : i64, tpu.core_type = #tpu.core_type<tc>, window_params = [{transform_indices = @transform_0, window_bounds = array<i64: 2, 1000, 128>}, {transform_indices = @transform_1, window_bounds = array<i64: 1000, 128>}, {transform_indices = @transform_2, window_bounds = array<i64: 1000, 16>}, {transform_indices = @transform_3, window_bounds = array<i64: 1000, 128>}]} {
    %get3A = arith.constant 0 : index
    %get3A_0 = arith.constant 0 : index
    %get3A_1 = vector.load %arg3[%get3A, %get3A_0] : memref<1000x16xf32, #tpu.memory_space<vmem>>, vector<1000x1xf32>
    %get3A_2 = arith.constant 0 : index
    %get3A_3 = arith.constant 0 : index
    %get3A_4 = arith.constant 0 : index
    %get3A_5 = vector.load %arg1[%get3A_2, %get3A_3, %get3A_4] : memref<2x1000x128xf32, #tpu.memory_space<vmem>>, vector<1x1000x128xf32>
    %get3A_6 = vector.shape_cast %get3A_5 : vector<1x1000x128xf32> to vector<1000x128xf32>
    %get3A_7 = arith.constant 1 : index
    %get3A_8 = arith.constant 0 : index
    %get3A_9 = arith.constant 0 : index
    %get3A_10 = vector.load %arg1[%get3A_7, %get3A_8, %get3A_9] : memref<2x1000x128xf32, #tpu.memory_space<vmem>>, vector<1x1000x128xf32>
    %get3A_11 = vector.shape_cast %get3A_10 : vector<1x1000x128xf32> to vector<1000x128xf32>
    %add3A = arith.addf %get3A_6, %get3A_11 : vector<1000x128xf32>
    %get3A_12 = arith.constant 0 : index
    %get3A_13 = arith.constant 0 : index
    %get3A_14 = vector.load %arg2[%get3A_12, %get3A_13] : memref<1000x128xf32, #tpu.memory_space<vmem>>, vector<1000x128xf32>
    %add3A_15 = arith.addf %add3A, %get3A_14 : vector<1000x128xf32>
    %mul3A = arith.mulf %get3A_1, %get3A_1 : vector<1000x1xf32>
    %mul3A_16 = vector.broadcast %mul3A : vector<1000x1xf32> to vector<1000x128xf32>
    %mul3A_17 = arith.mulf %add3A_15, %mul3A_16 : vector<1000x128xf32>
    %swap3A = arith.constant 0 : index
    %swap3A_18 = arith.constant 0 : index
    %swap3A_19 = vector.load %arg4[%swap3A, %swap3A_18] : memref<1000x128xf32, #tpu.memory_space<vmem>>, vector<1000x128xf32>
    tpu.vector_store %arg4[%swap3A, %swap3A_18], %mul3A_17 {strides = array<i32>} : memref<1000x128xf32, #tpu.memory_space<vmem>>, vector<1000x128xf32>,
    return
  }
  func.func @transform_0(%arg0: i32) -> (i32, i32, i32) {
    %c0_i32 = arith.constant 0 : i32
    %c0_i32_0 = arith.constant 0 : i32
    %c0_i32_1 = arith.constant 0 : i32
    return %c0_i32, %arg0, %c0_i32_0 : i32, i32, i32
  }
  func.func @transform_1(%arg0: i32) -> (i32, i32) {
    %c0_i32 = arith.constant 0 : i32
    %c0_i32_0 = arith.constant 0 : i32
    return %arg0, %c0_i32 : i32, i32
  }
  func.func @transform_2(%arg0: i32) -> (i32, i32) {
    %c0_i32 = arith.constant 0 : i32
    %c0_i32_0 = arith.constant 0 : i32
    return %arg0, %c0_i32 : i32, i32
  }
  func.func @transform_3(%arg0: i32) -> (i32, i32) {
    %c0_i32 = arith.constant 0 : i32
    %c0_i32_0 = arith.constant 0 : i32
    return %arg0, %c0_i32 : i32, i32
  }
}

module attributes {stable_mosaic.version = 14 : i64} {
  func.func @body(%arg0: i32, %arg1: memref<2x1000x128xf32, #tpu.memory_space<vmem>>, %arg2: memref<1000x128xf32, #tpu.memory_space<vmem>>, %arg3: memref<1000x16xf32, #tpu.memory_space<vmem>>, %arg4: memref<128x40xf32, #tpu.memory_space<vmem>>, %arg5: memref<1x40xf32, #tpu.memory_space<vmem>>, %arg6: memref<1000x40xf32, #tpu.memory_space<vmem>>) attributes {dimension_semantics = [#tpu.dimension_semantics<arbitrary>], iteration_bounds = array<i64: 10>, scalar_prefetch = 0 : i64, scratch_operands = 0 : i64, tpu.core_type = #tpu.core_type<tc>, window_params = [{transform_indices = @transform_0, window_bounds = array<i64: 2, 1000, 128>}, {transform_indices = @transform_1, window_bounds = array<i64: 1000, 128>}, {transform_indices = @transform_2, window_bounds = array<i64: 1000, 16>}, {pipeline_mode = #tpu.pipeline_mode<synchronous>, transform_indices = @transform_3, window_bounds = array<i64: 128, 40>}, {pipeline_mode = #tpu.pipeline_mode<synchronous>, transform_indices = @transform_4, window_bounds = array<i64: 1, 40>}, {transform_indices = @transform_5, window_bounds = array<i64: 1000, 40>}]} {
    %get3A = arith.constant 0 : index
    %get3A_0 = arith.constant 0 : index
    %get3A_1 = vector.load %arg3[%get3A, %get3A_0] : memref<1000x16xf32, #tpu.memory_space<vmem>>, vector<1000x1xf32>
    %get3A_2 = arith.constant 0 : index
    %get3A_3 = arith.constant 0 : index
    %get3A_4 = arith.constant 0 : index
    %get3A_5 = vector.load %arg1[%get3A_2, %get3A_3, %get3A_4] : memref<2x1000x128xf32, #tpu.memory_space<vmem>>, vector<1x1000x128xf32>
    %get3A_6 = vector.shape_cast %get3A_5 : vector<1x1000x128xf32> to vector<1000x128xf32>
    %get3A_7 = arith.constant 1 : index
    %get3A_8 = arith.constant 0 : index
    %get3A_9 = arith.constant 0 : index
    %get3A_10 = vector.load %arg1[%get3A_7, %get3A_8, %get3A_9] : memref<2x1000x128xf32, #tpu.memory_space<vmem>>, vector<1x1000x128xf32>
    %get3A_11 = vector.shape_cast %get3A_10 : vector<1x1000x128xf32> to vector<1000x128xf32>
    %add3A = arith.addf %get3A_6, %get3A_11 : vector<1000x128xf32>
    %get3A_12 = arith.constant 0 : index
    %get3A_13 = arith.constant 0 : index
    %get3A_14 = vector.load %arg2[%get3A_12, %get3A_13] : memref<1000x128xf32, #tpu.memory_space<vmem>>, vector<1000x128xf32>
    %add3A_15 = arith.addf %add3A, %get3A_14 : vector<1000x128xf32>
    %mul3A = vector.broadcast %get3A_1 : vector<1000x1xf32> to vector<1000x128xf32>
    %mul3A_16 = arith.mulf %add3A_15, %mul3A : vector<1000x128xf32>
    %get3A_17 = arith.constant 0 : index
    %get3A_18 = arith.constant 0 : index
    %get3A_19 = vector.load %arg4[%get3A_17, %get3A_18] : memref<128x40xf32, #tpu.memory_space<vmem>>, vector<128x40xf32>
    %dot_general3A = arith.constant dense<0.000000e+00> : vector<1000x40xf32>
    %dot_general3A_20 = tpu.matmul %mul3A_16, %get3A_19, %dot_general3A {dimension_numbers = #tpu.dot_dimension_numbers<[1], [0], [0], [1], [0, 0, 1, 1], [], []>, transpose_lhs_hint = false} : vector<1000x128xf32>, vector<128x40xf32>, vector<1000x40xf32> -> vector<1000x40xf32>
    %get3A_21 = arith.constant 0 : index
    %get3A_22 = arith.constant 0 : index
    %get3A_23 = vector.load %arg5[%get3A_21, %get3A_22] : memref<1x40xf32, #tpu.memory_space<vmem>>, vector<1x40xf32>
    %add3A_24 = vector.broadcast %get3A_23 : vector<1x40xf32> to vector<1000x40xf32>
    %add3A_25 = arith.addf %dot_general3A_20, %add3A_24 : vector<1000x40xf32>
    %reduce_max3A = arith.constant dense<0xFF800000> : vector<1000xf32>
    %reduce_max3A_26 = vector.multi_reduction <maximumf>, %add3A_25, %reduce_max3A [1] : vector<1000x40xf32> to vector<1000xf32>
    %broadcast_in_dim3A = vector.shape_cast %reduce_max3A_26 : vector<1000xf32> to vector<1000x1xf32>
    %sub3A = vector.broadcast %broadcast_in_dim3A : vector<1000x1xf32> to vector<1000x40xf32>
    %sub3A_27 = arith.subf %add3A_25, %sub3A : vector<1000x40xf32>
    %exp3A = math.exp %sub3A_27 : vector<1000x40xf32>
    %reduce_sum3A = arith.constant dense<0.000000e+00> : vector<1000xf32>
    %reduce_sum3A_28 = vector.multi_reduction <add>, %exp3A, %reduce_sum3A [1] : vector<1000x40xf32> to vector<1000xf32>
    %broadcast_in_dim3A_29 = vector.shape_cast %reduce_sum3A_28 : vector<1000xf32> to vector<1000x1xf32>
    %log3A = math.log %broadcast_in_dim3A_29 : vector<1000x1xf32>
    %sub3A_30 = vector.broadcast %log3A : vector<1000x1xf32> to vector<1000x40xf32>
    %sub3A_31 = arith.subf %sub3A_27, %sub3A_30 : vector<1000x40xf32>
    %swap3A = arith.constant 0 : index
    %swap3A_32 = arith.constant 0 : index
    %swap3A_33 = vector.load %arg6[%swap3A, %swap3A_32] : memref<1000x40xf32, #tpu.memory_space<vmem>>, vector<1000x40xf32>
    tpu.vector_store %arg6[%swap3A, %swap3A_32], %sub3A_31 {strides = array<i32>} : memref<1000x40xf32, #tpu.memory_space<vmem>>, vector<1000x40xf32>,
    return
  }
  func.func @transform_0(%arg0: i32) -> (i32, i32, i32) {
    %c0_i32 = arith.constant 0 : i32
    %c0_i32_0 = arith.constant 0 : i32
    %c0_i32_1 = arith.constant 0 : i32
    return %c0_i32, %arg0, %c0_i32_0 : i32, i32, i32
  }
  func.func @transform_1(%arg0: i32) -> (i32, i32) {
    %c0_i32 = arith.constant 0 : i32
    %c0_i32_0 = arith.constant 0 : i32
    return %arg0, %c0_i32 : i32, i32
  }
  func.func @transform_2(%arg0: i32) -> (i32, i32) {
    %c0_i32 = arith.constant 0 : i32
    %c0_i32_0 = arith.constant 0 : i32
    return %arg0, %c0_i32 : i32, i32
  }
  func.func @transform_3(%arg0: i32) -> (i32, i32) {
    %c0_i32 = arith.constant 0 : i32
    %c0_i32_0 = arith.constant 0 : i32
    %c0_i32_1 = arith.constant 0 : i32
    return %c0_i32, %c0_i32_0 : i32, i32
  }
  func.func @transform_4(%arg0: i32) -> (i32, i32) {
    %c0_i32 = arith.constant 0 : i32
    %c0_i32_0 = arith.constant 0 : i32
    %c0_i32_1 = arith.constant 0 : i32
    return %c0_i32, %c0_i32_0 : i32, i32
  }
  func.func @transform_5(%arg0: i32) -> (i32, i32) {
    %c0_i32 = arith.constant 0 : i32
    %c0_i32_0 = arith.constant 0 : i32
    return %arg0, %c0_i32 : i32, i32
  }
}

</mosaic_0001>

<sc_bundles>
// kernel: kernel.12.cloned.1.call-start
scs
__scs_entry_jumppad:
0x0: {  	(pc) =	sbr.rel $0x88, $3  }
0x1: {  	(tag) =	ssettag $0x0;
	lr =	simm.s32 $0x1  }
0x2: {  	[smem:$0x3F9B] =	sst lr;
	_ =	strace $0xD0000000  }
0x3: {  	_ = 	snop  }
0x4: {  	_ = 	snop  }
0x5: {  	_ = 	snop  }
0x6: {  	_ = 	snop  }
0x7: {  	_ = 	snop  }
__scs_overlays_trampoline_lowered:
0x8: {  	[smem:$0x3FAA] =	sst s0  }
0x9: {  	[smem:$0x3FAB] =	sst s1  }
0xa: {  	[smem:$0x3FAC] =	sst s2  }
0xb: {  	[smem:$0x3FAD] =	sst s3  }
0xc: {  	[smem:$0x3FAE] =	sst s4  }
0xd: {  	[smem:$0x3FAF] =	sst s5  }
0xe: {  	[smem:$0x3FB0] =	sst s6  }
0xf: {  	[smem:$0x3FB1] =	sst s7  }
0x10: {  	[smem:$0x3FB2] =	sst s8  }
0x11: {  	[smem:$0x3FB3] =	sst s9;
	s0 =	simm.s32 @!p0 $0x0  }
0x12: {  	s1 =	sld [smem:$0x3F99];
	s0 =	simm.s32 @p0 $0x1  }
0x13: {  	[smem:$0x3FB4] =	sst s0;
	s0 =	simm.s32 @!p1 $0x0  }
0x14: {  	s2 =	sld [smem:$0x3F98];
	s0 =	simm.s32 @p1 $0x1  }
0x15: {  	[smem:$0x3FB5] =	sst s0;
	s0 =	simm.s32 @!p2 $0x0  }
0x16: {  	s3 =	sld [smem:$0x3FDB];
	s0 =	simm.s32 @p2 $0x1  }
0x17: {  	s4 =	simm.s32 $0x1BF5;
	[smem:$0x3FB7] =	sst s0  }
0x18: {  	s0 =	sld [smem:$0x3F9A];
	_ =	swait.ge [sflag:s4], $0x0  }
0x19: {  	s7 =	sld [smem:$0x3F9B]  }
0x1a: {  	s8 =	sadd.s32 $0xFFFFE003, lr  }
0x1b: {  	s9 =	sadd.s32 $0xFFFFFEF7, lr;
	s5 =	simm.s32 $0xFFFFFFFF;
	p2 =	slt.u32 s8, $0xFFFFF086  }
0x1c: {  	p1 =	slt.u32 s9, $0xF7A;
	s5 =	simm.s32 @!p2 $0x0  }
0x1d: {  	s5 =	simm.s32 @p1 $0x1;
	p0 =	seq.s32 s7, s2  }
0x1e: {  	s7 =	smul.u32 @!p0 $0xF7A, s2;
	p2 =	seq.s32 @!p0 s5, $0x0  }
0x1f: {  	s9 =	smul.u32 $0xF7A, s1;
	s8 =	simm.s32 @!p0 $0x1BF5;
	p2 =	por !p2, p0  }
0x20: {  	[sflag:s8] =	ssyncset.s32 @!p0 $0xFFFFF086;
	s6 =	sadd.s32 @!p0 s3, s7;
	s7 =	simm.s32 @!p0 $0x108  }
0x21: {  	s3 =	sadd.s32 s3, s9;
	s6 =	sadd.s32 @!p0 $0x88, s6;
	s7 =	simm.s32 @p2 $0x1082  }
0x22: {  	[simem:s7], [sflag:s8] =	dma.local @!p0 [hbm:s6], $0xF7A  }
0x23: {  	s9 =	sor.u32 $0xD0000000, s2;
	s6 =	simm.s32 $0x108;
	_ =	swait.ge @!p0 [sflag:s8], $0x0  }
0x24: {  	s3 =	sadd.s32 $0x88, s3;
	s6 =	simm.s32 @!p1 $0x1082;
	[sflag:s4] =	ssyncset.s32 $0xFFFFF086  }
0x25: {  	[simem:s6], [sflag:s4] =	dma.local [hbm:s3], $0xF7A  }
0x26: {  	[smem:$0x3F9B] =	sst s1;
	(tag) =	ssettag s2;
	_ =	strace s9  }
0x27: {  	s1 =	sld [smem:$0x3FAB]  }
0x28: {  	s2 =	sld [smem:$0x3FAC]  }
0x29: {  	s4 =	sld [smem:$0x3FAE]  }
0x2a: {  	p0 =	seq.s32 s5, $0x0;
	s5 =	sld [smem:$0x3FAF]  }
0x2b: {  	s6 =	sld [smem:$0x3FB0]  }
0x2c: {  	s7 =	sld [smem:$0x3FB1]  }
0x2d: {  	s3 =	simm.s32 $0x108;
	s8 =	sld [smem:$0x3FB2]  }
0x2e: {  	s3 =	simm.s32 @!p0 $0x1082;
	s9 =	sld [smem:$0x3FB3]  }
0x2f: {  	lr =	sadd.s32 s0, s3;
	s0 =	sld [smem:$0x3FAA]  }
0x30: {  	s3 =	sld [smem:$0x3FAD]  }
0x31: {  	[smem:$0x3FB6] =	sst s10  }
0x32: {  	s10 =	sld [smem:$0x3FB4];
	_ =	sdelay $0x3  }
0x33: {  	p0 =	seq.s32 s10, $0x1;
	s10 =	sld [smem:$0x3FB6];
	_ =	sdelay $0x3  }
0x34: {  	[smem:$0x3FB6] =	sst s10  }
0x35: {  	s10 =	sld [smem:$0x3FB5];
	_ =	sdelay $0x3  }
0x36: {  	p1 =	seq.s32 s10, $0x1;
	s10 =	sld [smem:$0x3FB6];
	_ =	sdelay $0x3  }
0x37: {  	[smem:$0x3FB6] =	sst s10  }
0x38: {  	s10 =	sld [smem:$0x3FB7]  }
0x39: {  	_ = 	snop;
	(pc) =	sbr.ind lr, $3  }
0x3a: {  	_ = 	snop  }
0x3b: {  	_ = 	snop  }
0x3c: {  	p2 =	seq.s32 s10, $0x1;
	s10 =	sld [smem:$0x3FB6]  }
0x3d: {  	_ =	shalt  }
0x3e: {  	_ =	shalt  }
0x3f: {  	_ =	shalt  }
0x40: {  	_ =	shalt  }
0x41: {  	_ =	shalt  }
0x42: {  	_ =	shalt  }
0x43: {  	_ =	shalt  }
0x44: {  	_ =	shalt  }
0x45: {  	_ =	shalt  }
0x46: {  	_ =	shalt  }
0x47: {  	_ =	shalt  }
0x48: {  	_ =	shalt  }
0x49: {  	_ =	shalt  }
0x4a: {  	_ =	shalt  }
0x4b: {  	_ =	shalt  }
0x4c: {  	_ =	shalt  }
0x4d: {  	_ =	shalt  }
0x4e: {  	_ =	shalt  }
0x4f: {  	_ =	shalt  }
0x50: {  	_ =	shalt  }
0x51: {  	_ =	shalt  }
0x52: {  	_ =	shalt  }
0x53: {  	_ =	shalt  }
0x54: {  	_ =	shalt  }
0x55: {  	_ =	shalt  }
0x56: {  	_ =	shalt  }
0x57: {  	_ =	shalt  }
0x58: {  	_ =	shalt  }
0x59: {  	_ =	shalt  }
0x5a: {  	_ =	shalt  }
0x5b: {  	_ =	shalt  }
0x5c: {  	_ =	shalt  }
0x5d: {  	_ =	shalt  }
0x5e: {  	_ =	shalt  }
0x5f: {  	_ =	shalt  }
0x60: {  	_ =	shalt  }
0x61: {  	_ =	shalt  }
0x62: {  	_ =	shalt  }
0x63: {  	_ =	shalt  }
0x64: {  	_ =	shalt  }
0x65: {  	_ =	shalt  }
0x66: {  	_ =	shalt  }
0x67: {  	_ =	shalt  }
0x68: {  	_ =	shalt  }
0x69: {  	_ =	shalt  }
0x6a: {  	_ =	shalt  }
0x6b: {  	_ =	shalt  }
0x6c: {  	_ =	shalt  }
0x6d: {  	_ =	shalt  }
0x6e: {  	_ =	shalt  }
0x6f: {  	_ =	shalt  }
0x70: {  	_ =	shalt  }
0x71: {  	_ =	shalt  }
0x72: {  	_ =	shalt  }
0x73: {  	_ =	shalt  }
0x74: {  	_ =	shalt  }
0x75: {  	_ =	shalt  }
0x76: {  	_ =	shalt  }
0x77: {  	_ =	shalt  }
0x78: {  	_ =	shalt  }
0x79: {  	_ =	shalt  }
0x7a: {  	_ =	shalt  }
0x7b: {  	_ =	shalt  }
0x7c: {  	_ =	shalt  }
0x7d: {  	_ =	shalt  }
0x7e: {  	_ =	shalt  }
0x7f: {  	_ =	shalt  }
0x80: {  	_ =	shalt  }
0x81: {  	_ =	shalt  }
0x82: {  	_ =	shalt  }
0x83: {  	_ =	shalt  }
0x84: {  	_ =	shalt  }
0x85: {  	_ =	shalt  }
0x86: {  	_ =	shalt  }
0x87: {  	_ =	shalt  }
.Lfunc_end0:
.L_simem_size_0:
called_computation.1_lowered:
.L_overlay_start_0:
0x88: {  	s2 =	sld [smem:$0x3FD9]  }
0x89: {  	s3 =	sld [smem:$0x3FFE];
	_ =	sdelay $0x1  }
0x8a: {  	s1 =	srdreg.scid  }
0x8b: {  	s0 =	sand.u32 $0x1, s1  }
0x8c: {  	s17 =	sshll.u32 s0, $0xA;
	s2 =	sadd.s32 s3, s2  }
0x8d: {  	s2 =	sadd.s32 s2, s17  }
0x8e: {  	[smem:$0x3FC2] =	sst s2  }
0x8f: {  	_ = 	snop  }
0x90: {  	s2 =	sld [smem:$0x3FD0];
	(tm) =	ssettm $0x1  }
0x91: {  	s18 =	sld [smem:$0x3FFB];
	_ =	sdelay $0x3  }
0x92: {  	_ =	strace s18  }
0x93: {  	s3 =	sld [smem:$0x3FFC];
	_ =	sdelay $0x3  }
0x94: {  	_ =	strace s3  }
0x95: {  	s3 =	sld [smem:$0x3FFD];
	_ =	sdelay $0x3  }
0x96: {  	_ =	strace s3  }
0x97: {  	_ =	strace $0x8FFFFFFF  }
0x98: {  	s19 =	sld [smem:$0x3FDB];
	_ =	sdelay $0x1  }
0x99: {  	s4 =	simm.s32 $_scs_section_size  }
0x9a: {  	s5 =	simm.s32 $_size__tile_overlayer_lowered;
	s6 =	simm.s32 $_tile_overlayer_lowered  }
0x9b: {  	s22 =	simm.s32 $0x1BFF;
	s21 =	sshll.u32 s6, $0x1;
	s3 =	sadd.s32 s4, s19  }
0x9c: {  	s7 =	simm.s32 $0x0;
	s20 =	sshll.u32 s5, $0x1;
	s5 =	sadd.s32 s21, s3  }
0x9d: {  	[timem:s7], [sflag:s22] =	dma.local [hbm:s5], s20  }
0x9e: {  	_ =	swait.ge [sflag:s22], s20  }
0x9f: {  	s4 =	ssub.s32 $0x0, s20;
	[sflag:s22] =	ssyncset.done $0x0  }
0xa0: {  	[sflag:s22] =	ssyncadd.s32 s4;
	_ =	sdelay $0x1  }
0xa1: {  	s23 =	simm.s32 $0x1B8B  }
0xa2: {  	_ =	swait.ge [sflag:s23], $0x1  }
0xa3: {  	[sflag:s23] =	ssyncset.done $0x0  }
0xa4: {  	s25 =	simm.s32 $0x1B8E;
	s24 =	sld [smem:$0x3FFE];
	[sflag:s23] =	ssyncadd.s32 $0xFFFFFFFF  }
0xa5: {  	s26 =	simm.s32 $execute0_lowered;
	[smem:$0x3FD2] =	sst s25  }
0xa6: {  	s5 =	sshll.u32 s26, $0x1;
	_ =	strace $0x80000049;
	[dreg:$0x1] =	wrdreg $0xFFFFFFFF  }
0xa7: {  	s28 =	simm.s32 $_size_execute0_lowered;
	s3 =	sadd.s32 s3, s5;
	[dreg:$0x0] =	wrdreg $0x0  }
0xa8: {  	s5 =	sshll.u32 s28, $0x1;
	[dreg:$0x2] =	wrdreg s3  }
0xa9: {  	[dreg:$0x3] =	wrdreg s5  }
0xaa: {  	[dreg:$0x4] =	wrdreg $0xC0  }
0xab: {  	_ =	task [dreg:s7], $0x5FFFF  }
0xac: {  	[dreg:$0x1] =	wrdreg $0xFFFFFFFF  }
0xad: {  	[dreg:$0x0] =	wrdreg $0x60  }
0xae: {  	[dreg:$0x2] =	wrdreg s24  }
0xaf: {  	[dreg:$0x3] =	wrdreg s2  }
0xb0: {  	[dreg:$0x4] =	wrdreg $0x0  }
0xb1: {  	[dreg:$0x5] =	wrdreg $0x9  }
0xb2: {  	_ =	task.clear_ibuf [dreg:s7], $0x6FFFF;
	_ =	strace $0x90000049  }
0xb3: {  	s29 =	simm.s32 $0x9;
	_ =	strace $0x8000004B  }
0xb4: {  	_ =	swait.ge [sflag:s29], $0x1  }
0xb5: {  	[sflag:s29] =	ssyncadd.s32 $0xFFFFFFFF  }
0xb6: {  	_ =	strace $0x9000004B  }
0xb7: {  	_ =	sfence  }
0xb8: {  	s30 =	sld [smem:$0x0];
	_ =	sdelay $0x2  }
0xb9: {  	s31 =	sshll.u32 s1, $0xD;
	s1 =	sshrl.u32 s1, $0x2  }
0xba: {  	s3 =	sand.u32 $0x4000, s31;
	s1 =	sadd.s32 s1, s30  }
0xbb: {  	s0 =	sor.u32 s3, s0;
	s1 =	sshll.u32 s1, $0x11  }
0xbc: {  	s0 =	sor.u32 s1, s0  }
0xbd: {  	s0 =	sadd.s32 $0x8F2B, s0  }
0xbe: {  	[sflag:s0] =	ssyncadd.remote.s32 $0x1  }
0xbf: {  	_ =	sfence.sel $0xFFFF  }
0xc0: {  	[dreg:$0x0] =	wrdreg $0xFFFFFFFF;
	(pc) =	sbr.abs _section_cstart, $3  }
0xc1: {  	[dreg:$0x1] =	wrdreg $0xFFFFFFFF  }
0xc2: {  	_ =	task.clear_ibuf [dreg:s7], $0x2FFFF;
	_ =	strace $0x9FFFFFFF  }
0xc3: {  	(tm) =	ssettm $0x7FFFFFFF  }
tec
execute0_lowered:
.L_overlay_start_1:
0x0: {  	(tag) =	ssettag $0x1  }
0x1: {  	s0 =	rddreg [dreg:$0x0]  }
0x2: {  	s2 =	rddreg [dreg:$0x2];
	s1 =	srdreg.scid  }
0x3: {  	s4 =	simm.s32 $0x0;
	s9 =	stileid.u32;
	s10 =	simm.s32 $0x3  }
0x4: {  	s11 =	simm.s32 $0x13C00;
	s12 =	simm.s32 $0x14400;
	s13 =	simm.s32 $0x80  }
0x5: {  	s25 =	simm.s32 $0x13C80;
	s14 =	simm.s32 $0x14C00;
	s26 =	simm.s32 $0x13D00  }
0x6: {  	s15 =	simm.s32 $0x18C00;
	s16 =	simm.s32 $0x1;
	s17 =	simm.s32 $0x2  }
0x7: {  	s18 =	simm.s32 $0x14480;
	s19 =	simm.s32 $0x13D80;
	s28 =	simm.s32 $0x13F80  }
0x8: {  	s29 =	simm.s32 $0x14700;
	s30 =	simm.s32 $0x14000;
	s31 =	simm.s32 $0x14780  }
0x9: {  	s1 =	sand.u32 $0x1, s1;
	[smem:$0x7FF] =	sst s4;
	s6 =	smul.u32 $0x13C00, s9  }
0xa: {  	s5 =	sadd.s32 $0x2CC00, s0;
	s20 =	smul.u32 $0x4F000, s9;
	s8 =	sshll.u32 s9, $0x8  }
0xb: {  	s23 =	sshll.u32 s9, $0x6;
	s3 =	smul.u32 $0x13C000, s1;
	_ =	strace $0x8000004A  }
0xc: {  	s7 =	sshll.u32 s1, $0xC;
	s1 =	ssub.s32 $0x2, s1;
	[dreg:$0x6] =	wrdreg s25  }
0xd: {  	s9 =	sor.u32 $0x1C03, s23;
	[dreg:$0x7] =	wrdreg s26;
	s23 =	simm.s32 $0x13E80  }
0xe: {  	s25 =	simm.s32 $0x13F00;
	s26 =	simm.s32 $0x14680;
	s7 =	sadd.s32 s7, s0  }
0xf: {  	s21 =	sshrl.u32 s1, $0x1;
	s22 =	sshrl.u32 s20, $0x2;
	s20 =	simm.s32 $0x14500  }
0x10: {  	[dreg:$0x8] =	wrdreg s9;
	s3 =	sadd.s32 s6, s3;
	s7 =	sadd.s32 s8, s7  }
0x11: {  	s1 =	ssub.s32 s1, s21;
	s21 =	simm.s32 $0x13E00;
	s8 =	sadd.s32 $0x1CC00, s7  }
0x12: {  	s3 =	sshrl.u32 s3, $0x3;
	s24 =	smax.u32 s1, $0x1;
	[dreg:$0x4] =	wrdreg s8  }
0x13: {  	s7 =	sadd.s32 $0xCC00, s7;
	s1 =	simm.s32 $0x14880;
	[dreg:$0xa] =	wrdreg s24  }
0x14: {  	s0 =	sadd.s32 s3, s0;
	s3 =	sadd.s32 s22, s2;
	[dreg:$0x5] =	wrdreg s7  }
0x15: {  	s22 =	simm.s32 $0x14580;
	s24 =	simm.s32 $0x14600;
	s0 =	sadd.s32 $0x53E00, s0  }
0x16: {  	s7 =	simm.s32 $0x0;
	s8 =	sshrl.u32 s3, $0x3;
	[dreg:$0x9] =	wrdreg s0  }
0x17: {  	s3 =	simm.s32 $0x14800;
	s0 =	simm.s32 $0x14080;
	[dreg:$0xb] =	wrdreg s8  }
.LBB2_1:
0x18: {  	s6 =	rddreg [dreg:$0x1]  }
0x19: {  	[spmem:s8], [sflag:s9] =	dma.local [hbm:s6], $0x2780  }
0x1a: {  	_ =	swait.ge [sflag:s10], $0x2780  }
0x1b: {  	[sflag:s10] =	ssyncset.done $0x0  }
0x1c: {  	[sflag:s10] =	ssyncadd.s32 $0xFFFFD880  }
0x1d: {  	[bflag:$0x0] =	sbarrier.arrive $0xFFFF  }
0x1e: {  	s6 =	rddreg [dreg:$0x4]  }
0x1f: {  	s8 =	sadd.s32 $0x0, s6  }
0x20: {  	[tilespmem:s11], [sflag:$0x3] =	stream.linear.gather [hbm4b:s8+s4], $0x500, $0x38;
	[tilespmem:$0x1CC00] =	vst v63  }
0x21: {  	_ =	swait.ge [sflag:s10], $0x500  }
0x22: {  	s9 =	rddreg [dreg:$0x5];
	[sflag:s10] =	ssyncset.done $0x0  }
0x23: {  	[sflag:s10] =	ssyncadd.s32 $0xFFFFFB00;
	s8 =	sadd.s32 $0x0, s9  }
0x24: {  	[tilespmem:s12], [sflag:$0x3] =	stream.linear.gather [hbm4b:s8+s4], $0x500, $0x38;
	[tilespmem:$0x1CC00] =	vst v63  }
0x25: {  	_ =	swait.ge [sflag:s10], $0x500  }
0x26: {  	[sflag:s10] =	ssyncset.done $0x0  }
0x27: {  	[sflag:s10] =	ssyncadd.s32 $0xFFFFFB00  }
0x28: {  	[tilespmem:s14], [sflag:$0x1] =	stream.indirect.gather [hbm4b:s5+s13], $0x80, s11, s13, $0xb8;
	[tilespmem:$0x1CC00] =	vst v63  }
0x29: {  	s6 =	rddreg [dreg:$0x6]  }
0x2a: {  	[tilespmem:s15], [sflag:$0x2] =	stream.indirect.gather [hbm4b:s5+s13], $0x80, s6, s13, $0xb8;
	[tilespmem:$0x1CC00] =	vst v63  }
0x2b: {  	_ =	swait.ge [sflag:s16], $0x4000  }
0x2c: {  	[sflag:s16] =	ssyncset.done $0x0  }
0x2d: {  	[sflag:s16] =	ssyncadd.s32 $0xFFFFC000  }
0x2e: {  	[spmem:s2] =	stream.indirect.scatter.add.f32 [tilespmem:s14], [sflag:$0x3], $0x80, s12, s13, $0xb8;
	[tilespmem:$0x1CC00] =	vst v63  }
0x2f: {  	_ =	swait.ge [sflag:s10], $0x4000  }
0x30: {  	[sflag:s10] =	ssyncset.done $0x0  }
0x31: {  	s9 =	rddreg [dreg:$0x7];
	[sflag:s10] =	ssyncadd.s32 $0xFFFFC000  }
0x32: {  	[tilespmem:s14], [sflag:$0x1] =	stream.indirect.gather [hbm4b:s5+s13], $0x80, s9, s13, $0xb8;
	[tilespmem:$0x1CC00] =	vst v63  }
0x33: {  	_ =	swait.ge [sflag:s17], $0x4000  }
0x34: {  	[sflag:s17] =	ssyncset.done $0x0  }
0x35: {  	[sflag:s17] =	ssyncadd.s32 $0xFFFFC000  }
0x36: {  	[spmem:s2] =	stream.indirect.scatter.add.f32 [tilespmem:s15], [sflag:$0x3], $0x80, s18, s13, $0xb8;
	[tilespmem:$0x1CC00] =	vst v63  }
0x37: {  	_ =	swait.ge [sflag:s10], $0x4000  }
0x38: {  	[sflag:s10] =	ssyncset.done $0x0  }
0x39: {  	[sflag:s10] =	ssyncadd.s32 $0xFFFFC000  }
0x3a: {  	[tilespmem:s15], [sflag:$0x2] =	stream.indirect.gather [hbm4b:s5+s13], $0x80, s19, s13, $0xb8;
	[tilespmem:$0x1CC00] =	vst v63  }
0x3b: {  	_ =	swait.ge [sflag:s16], $0x4000  }
0x3c: {  	[sflag:s16] =	ssyncset.done $0x0  }
0x3d: {  	[sflag:s16] =	ssyncadd.s32 $0xFFFFC000  }
0x3e: {  	[spmem:s2] =	stream.indirect.scatter.add.f32 [tilespmem:s14], [sflag:$0x3], $0x80, s20, s13, $0xb8;
	[tilespmem:$0x1CC00] =	vst v63  }
0x3f: {  	_ =	swait.ge [sflag:s10], $0x4000  }
0x40: {  	[sflag:s10] =	ssyncset.done $0x0  }
0x41: {  	[sflag:s10] =	ssyncadd.s32 $0xFFFFC000  }
0x42: {  	[tilespmem:s14], [sflag:$0x1] =	stream.indirect.gather [hbm4b:s5+s13], $0x80, s21, s13, $0xb8;
	[tilespmem:$0x1CC00] =	vst v63  }
0x43: {  	_ =	swait.ge [sflag:s17], $0x4000  }
0x44: {  	[sflag:s17] =	ssyncset.done $0x0  }
0x45: {  	[sflag:s17] =	ssyncadd.s32 $0xFFFFC000  }
0x46: {  	[spmem:s2] =	stream.indirect.scatter.add.f32 [tilespmem:s15], [sflag:$0x3], $0x80, s22, s13, $0xb8;
	[tilespmem:$0x1CC00] =	vst v63  }
0x47: {  	_ =	swait.ge [sflag:s10], $0x4000  }
0x48: {  	[sflag:s10] =	ssyncset.done $0x0  }
0x49: {  	[sflag:s10] =	ssyncadd.s32 $0xFFFFC000  }
0x4a: {  	[tilespmem:s15], [sflag:$0x2] =	stream.indirect.gather [hbm4b:s5+s13], $0x80, s23, s13, $0xb8;
	[tilespmem:$0x1CC00] =	vst v63  }
0x4b: {  	_ =	swait.ge [sflag:s16], $0x4000  }
0x4c: {  	[sflag:s16] =	ssyncset.done $0x0  }
0x4d: {  	[sflag:s16] =	ssyncadd.s32 $0xFFFFC000  }
0x4e: {  	[spmem:s2] =	stream.indirect.scatter.add.f32 [tilespmem:s14], [sflag:$0x3], $0x80, s24, s13, $0xb8;
	[tilespmem:$0x1CC00] =	vst v63  }
0x4f: {  	_ =	swait.ge [sflag:s10], $0x4000  }
0x50: {  	[sflag:s10] =	ssyncset.done $0x0  }
0x51: {  	[sflag:s10] =	ssyncadd.s32 $0xFFFFC000  }
0x52: {  	[tilespmem:s14], [sflag:$0x1] =	stream.indirect.gather [hbm4b:s5+s13], $0x80, s25, s13, $0xb8;
	[tilespmem:$0x1CC00] =	vst v63  }
0x53: {  	_ =	swait.ge [sflag:s17], $0x4000  }
0x54: {  	[sflag:s17] =	ssyncset.done $0x0  }
0x55: {  	[sflag:s17] =	ssyncadd.s32 $0xFFFFC000  }
0x56: {  	[spmem:s2] =	stream.indirect.scatter.add.f32 [tilespmem:s15], [sflag:$0x3], $0x80, s26, s13, $0xb8;
	[tilespmem:$0x1CC00] =	vst v63  }
0x57: {  	_ =	swait.ge [sflag:s10], $0x4000  }
0x58: {  	[sflag:s10] =	ssyncset.done $0x0  }
0x59: {  	[sflag:s10] =	ssyncadd.s32 $0xFFFFC000  }
0x5a: {  	[tilespmem:s15], [sflag:$0x2] =	stream.indirect.gather [hbm4b:s5+s13], $0x80, s28, s13, $0xb8;
	[tilespmem:$0x1CC00] =	vst v63  }
0x5b: {  	_ =	swait.ge [sflag:s16], $0x4000  }
0x5c: {  	[sflag:s16] =	ssyncset.done $0x0  }
0x5d: {  	[sflag:s16] =	ssyncadd.s32 $0xFFFFC000  }
0x5e: {  	[spmem:s2] =	stream.indirect.scatter.add.f32 [tilespmem:s14], [sflag:$0x3], $0x80, s29, s13, $0xb8;
	[tilespmem:$0x1CC00] =	vst v63  }
0x5f: {  	_ =	swait.ge [sflag:s10], $0x4000  }
0x60: {  	[sflag:s10] =	ssyncset.done $0x0  }
0x61: {  	[sflag:s10] =	ssyncadd.s32 $0xFFFFC000  }
0x62: {  	[tilespmem:s14], [sflag:$0x1] =	stream.indirect.gather [hbm4b:s5+s13], $0x80, s30, s13, $0xb8;
	[tilespmem:$0x1CC00] =	vst v63  }
0x63: {  	_ =	swait.ge [sflag:s17], $0x4000  }
0x64: {  	[sflag:s17] =	ssyncset.done $0x0  }
0x65: {  	[sflag:s17] =	ssyncadd.s32 $0xFFFFC000  }
0x66: {  	[spmem:s2] =	stream.indirect.scatter.add.f32 [tilespmem:s15], [sflag:$0x3], $0x80, s31, s13, $0xb8;
	[tilespmem:$0x1CC00] =	vst v63  }
0x67: {  	_ =	swait.ge [sflag:s10], $0x4000  }
0x68: {  	[sflag:s10] =	ssyncset.done $0x0  }
0x69: {  	[sflag:s10] =	ssyncadd.s32 $0xFFFFC000  }
0x6a: {  	[tilespmem:s15], [sflag:$0x2] =	stream.indirect.gather [hbm4b:s5+s13], $0x80, s0, s13, $0xb8;
	[tilespmem:$0x1CC00] =	vst v63  }
0x6b: {  	_ =	swait.ge [sflag:s16], $0x4000  }
0x6c: {  	[sflag:s16] =	ssyncset.done $0x0  }
0x6d: {  	[sflag:s16] =	ssyncadd.s32 $0xFFFFC000  }
0x6e: {  	[spmem:s2] =	stream.indirect.scatter.add.f32 [tilespmem:s14], [sflag:$0x3], $0x80, s3, s13, $0xb8;
	[tilespmem:$0x1CC00] =	vst v63  }
0x6f: {  	_ =	swait.ge [sflag:s10], $0x4000  }
0x70: {  	[sflag:s10] =	ssyncset.done $0x0  }
0x71: {  	[sflag:s10] =	ssyncadd.s32 $0xFFFFC000  }
0x72: {  	_ =	swait.ge [sflag:s17], $0x4000  }
0x73: {  	[sflag:s17] =	ssyncset.done $0x0  }
0x74: {  	[sflag:s17] =	ssyncadd.s32 $0xFFFFC000  }
0x75: {  	[spmem:s2] =	stream.indirect.scatter.add.f32 [tilespmem:s15], [sflag:$0x3], $0x80, s1, s13, $0xb8;
	[tilespmem:$0x1CC00] =	vst v63  }
0x76: {  	s8 =	simm.s32 $0x2000;
	_ =	swait.ge [sflag:s10], $0x4000  }
.LBB2_2:
0x77: {  	s6 =	rddreg [dreg:$0x4];
	s9 =	smov.u32 s8;
	[sflag:s10] =	ssyncset.done $0x0  }
0x78: {  	s6 =	sadd.s32 s9, s6;
	[sflag:s10] =	ssyncadd.s32 $0xFFFFC000  }
0x79: {  	[tilespmem:s11], [sflag:$0x3] =	stream.linear.gather [hbm4b:s6+s4], $0x500, $0x38;
	[tilespmem:$0x1CC00] =	vst v63  }
0x7a: {  	_ =	swait.ge [sflag:s10], $0x500  }
0x7b: {  	s6 =	rddreg [dreg:$0x5];
	[sflag:s10] =	ssyncset.done $0x0  }
0x7c: {  	[sflag:s10] =	ssyncadd.s32 $0xFFFFFB00;
	s6 =	sadd.s32 s9, s6  }
0x7d: {  	[tilespmem:s12], [sflag:$0x3] =	stream.linear.gather [hbm4b:s6+s4], $0x500, $0x38;
	[tilespmem:$0x1CC00] =	vst v63  }
0x7e: {  	_ =	swait.ge [sflag:s10], $0x500  }
0x7f: {  	[sflag:s10] =	ssyncset.done $0x0  }
0x80: {  	[sflag:s10] =	ssyncadd.s32 $0xFFFFFB00  }
0x81: {  	[tilespmem:s14], [sflag:$0x1] =	stream.indirect.gather [hbm4b:s5+s13], $0x80, s11, s13, $0xb8;
	[tilespmem:$0x1CC00] =	vst v63  }
0x82: {  	s9 =	rddreg [dreg:$0x6]  }
0x83: {  	[tilespmem:s15], [sflag:$0x2] =	stream.indirect.gather [hbm4b:s5+s13], $0x80, s9, s13, $0xb8;
	[tilespmem:$0x1CC00] =	vst v63  }
0x84: {  	_ =	swait.ge [sflag:s16], $0x4000  }
0x85: {  	[sflag:s16] =	ssyncset.done $0x0  }
0x86: {  	[sflag:s16] =	ssyncadd.s32 $0xFFFFC000  }
0x87: {  	[spmem:s2] =	stream.indirect.scatter.add.f32 [tilespmem:s14], [sflag:$0x3], $0x80, s12, s13, $0xb8;
	[tilespmem:$0x1CC00] =	vst v63  }
0x88: {  	_ =	swait.ge [sflag:s10], $0x4000  }
0x89: {  	[sflag:s10] =	ssyncset.done $0x0  }
0x8a: {  	s9 =	rddreg [dreg:$0x7];
	[sflag:s10] =	ssyncadd.s32 $0xFFFFC000  }
0x8b: {  	[tilespmem:s14], [sflag:$0x1] =	stream.indirect.gather [hbm4b:s5+s13], $0x80, s9, s13, $0xb8;
	[tilespmem:$0x1CC00] =	vst v63  }
0x8c: {  	_ =	swait.ge [sflag:s17], $0x4000  }
0x8d: {  	[sflag:s17] =	ssyncset.done $0x0  }
0x8e: {  	[sflag:s17] =	ssyncadd.s32 $0xFFFFC000  }
0x8f: {  	[spmem:s2] =	stream.indirect.scatter.add.f32 [tilespmem:s15], [sflag:$0x3], $0x80, s18, s13, $0xb8;
	[tilespmem:$0x1CC00] =	vst v63  }
0x90: {  	_ =	swait.ge [sflag:s10], $0x4000  }
0x91: {  	[sflag:s10] =	ssyncset.done $0x0  }
0x92: {  	[sflag:s10] =	ssyncadd.s32 $0xFFFFC000  }
0x93: {  	[tilespmem:s15], [sflag:$0x2] =	stream.indirect.gather [hbm4b:s5+s13], $0x80, s19, s13, $0xb8;
	[tilespmem:$0x1CC00] =	vst v63  }
0x94: {  	_ =	swait.ge [sflag:s16], $0x4000  }
0x95: {  	[sflag:s16] =	ssyncset.done $0x0  }
0x96: {  	[sflag:s16] =	ssyncadd.s32 $0xFFFFC000  }
0x97: {  	[spmem:s2] =	stream.indirect.scatter.add.f32 [tilespmem:s14], [sflag:$0x3], $0x80, s20, s13, $0xb8;
	[tilespmem:$0x1CC00] =	vst v63  }
0x98: {  	_ =	swait.ge [sflag:s10], $0x4000  }
0x99: {  	[sflag:s10] =	ssyncset.done $0x0  }
0x9a: {  	[sflag:s10] =	ssyncadd.s32 $0xFFFFC000  }
0x9b: {  	[tilespmem:s14], [sflag:$0x1] =	stream.indirect.gather [hbm4b:s5+s13], $0x80, s21, s13, $0xb8;
	[tilespmem:$0x1CC00] =	vst v63  }
0x9c: {  	_ =	swait.ge [sflag:s17], $0x4000  }
0x9d: {  	[sflag:s17] =	ssyncset.done $0x0  }
0x9e: {  	[sflag:s17] =	ssyncadd.s32 $0xFFFFC000  }
0x9f: {  	[spmem:s2] =	stream.indirect.scatter.add.f32 [tilespmem:s15], [sflag:$0x3], $0x80, s22, s13, $0xb8;
	[tilespmem:$0x1CC00] =	vst v63  }
0xa0: {  	_ =	swait.ge [sflag:s10], $0x4000  }
0xa1: {  	[sflag:s10] =	ssyncset.done $0x0  }
0xa2: {  	[sflag:s10] =	ssyncadd.s32 $0xFFFFC000  }
0xa3: {  	[tilespmem:s15], [sflag:$0x2] =	stream.indirect.gather [hbm4b:s5+s13], $0x80, s23, s13, $0xb8;
	[tilespmem:$0x1CC00] =	vst v63  }
0xa4: {  	_ =	swait.ge [sflag:s16], $0x4000  }
0xa5: {  	[sflag:s16] =	ssyncset.done $0x0  }
0xa6: {  	[sflag:s16] =	ssyncadd.s32 $0xFFFFC000  }
0xa7: {  	[spmem:s2] =	stream.indirect.scatter.add.f32 [tilespmem:s14], [sflag:$0x3], $0x80, s24, s13, $0xb8;
	[tilespmem:$0x1CC00] =	vst v63  }
0xa8: {  	_ =	swait.ge [sflag:s10], $0x4000  }
0xa9: {  	[sflag:s10] =	ssyncset.done $0x0  }
0xaa: {  	[sflag:s10] =	ssyncadd.s32 $0xFFFFC000  }
0xab: {  	[tilespmem:s14], [sflag:$0x1] =	stream.indirect.gather [hbm4b:s5+s13], $0x80, s25, s13, $0xb8;
	[tilespmem:$0x1CC00] =	vst v63  }
0xac: {  	_ =	swait.ge [sflag:s17], $0x4000  }
0xad: {  	[sflag:s17] =	ssyncset.done $0x0  }
0xae: {  	[sflag:s17] =	ssyncadd.s32 $0xFFFFC000  }
0xaf: {  	[spmem:s2] =	stream.indirect.scatter.add.f32 [tilespmem:s15], [sflag:$0x3], $0x80, s26, s13, $0xb8;
	[tilespmem:$0x1CC00] =	vst v63  }
0xb0: {  	_ =	swait.ge [sflag:s10], $0x4000  }
0xb1: {  	[sflag:s10] =	ssyncset.done $0x0  }
0xb2: {  	[sflag:s10] =	ssyncadd.s32 $0xFFFFC000  }
0xb3: {  	[tilespmem:s15], [sflag:$0x2] =	stream.indirect.gather [hbm4b:s5+s13], $0x80, s28, s13, $0xb8;
	[tilespmem:$0x1CC00] =	vst v63  }
0xb4: {  	_ =	swait.ge [sflag:s16], $0x4000  }
0xb5: {  	[sflag:s16] =	ssyncset.done $0x0  }
0xb6: {  	[sflag:s16] =	ssyncadd.s32 $0xFFFFC000  }
0xb7: {  	[spmem:s2] =	stream.indirect.scatter.add.f32 [tilespmem:s14], [sflag:$0x3], $0x80, s29, s13, $0xb8;
	[tilespmem:$0x1CC00] =	vst v63  }
0xb8: {  	_ =	swait.ge [sflag:s10], $0x4000  }
0xb9: {  	[sflag:s10] =	ssyncset.done $0x0  }
0xba: {  	[sflag:s10] =	ssyncadd.s32 $0xFFFFC000  }
0xbb: {  	[tilespmem:s14], [sflag:$0x1] =	stream.indirect.gather [hbm4b:s5+s13], $0x80, s30, s13, $0xb8;
	[tilespmem:$0x1CC00] =	vst v63  }
0xbc: {  	_ =	swait.ge [sflag:s17], $0x4000  }
0xbd: {  	[sflag:s17] =	ssyncset.done $0x0  }
0xbe: {  	[sflag:s17] =	ssyncadd.s32 $0xFFFFC000  }
0xbf: {  	[spmem:s2] =	stream.indirect.scatter.add.f32 [tilespmem:s15], [sflag:$0x3], $0x80, s31, s13, $0xb8;
	[tilespmem:$0x1CC00] =	vst v63  }
0xc0: {  	_ =	swait.ge [sflag:s10], $0x4000  }
0xc1: {  	[sflag:s10] =	ssyncset.done $0x0  }
0xc2: {  	[sflag:s10] =	ssyncadd.s32 $0xFFFFC000  }
0xc3: {  	[tilespmem:s15], [sflag:$0x2] =	stream.indirect.gather [hbm4b:s5+s13], $0x80, s0, s13, $0xb8;
	[tilespmem:$0x1CC00] =	vst v63  }
0xc4: {  	_ =	swait.ge [sflag:s16], $0x4000  }
0xc5: {  	[sflag:s16] =	ssyncset.done $0x0  }
0xc6: {  	[sflag:s16] =	ssyncadd.s32 $0xFFFFC000  }
0xc7: {  	[spmem:s2] =	stream.indirect.scatter.add.f32 [tilespmem:s14], [sflag:$0x3], $0x80, s3, s13, $0xb8;
	[tilespmem:$0x1CC00] =	vst v63  }
0xc8: {  	_ =	swait.ge [sflag:s10], $0x4000  }
0xc9: {  	[sflag:s10] =	ssyncset.done $0x0  }
0xca: {  	p0 =	sne.s32 s8, $0xE000;
	[sflag:s10] =	ssyncadd.s32 $0xFFFFC000  }
.Ltmp0:
0xcb: {  	_ =	swait.ge [sflag:s17], $0x4000;
	(pc) =	sbr.rel @p0 .LBB2_2-.Ltmp0, $4  }
0xcc: {  	[sflag:s17] =	ssyncset.done $0x0  }
0xcd: {  	[sflag:s17] =	ssyncadd.s32 $0xFFFFC000  }
0xce: {  	[spmem:s2] =	stream.indirect.scatter.add.f32 [tilespmem:s15], [sflag:$0x3], $0x80, s1, s13, $0xb8;
	[tilespmem:$0x1CC00] =	vst v63  }
0xcf: {  	s8 =	sadd.s32 $0x2000, s8;
	_ =	swait.ge [sflag:s10], $0x4000  }
0xd0: {  	[sflag:s10] =	ssyncset.done $0x0  }
0xd1: {  	[sflag:s10] =	ssyncadd.s32 $0xFFFFC000  }
0xd2: {  	[bflag:$0x0] =	sbarrier.arrive $0xFFFF  }
0xd3: {  	s9 =	rddreg [dreg:$0x8]  }
0xd4: {  	s6 =	rddreg [dreg:$0x9]  }
0xd5: {  	s8 =	rddreg [dreg:$0xb]  }
0xd6: {  	[hbm:s6], [sflag:s9] =	dma.local [spmem:s8], $0x2780  }
0xd7: {  	_ =	swait.ge [sflag:s10], $0x2780  }
0xd8: {  	s7 =	sadd.s32 $0x1, s7;
	s6 =	rddreg [dreg:$0xa]  }
0xd9: {  	p0 =	sne.s32 s7, s6  }
.Ltmp1:
0xda: {  	_ = 	snop;
	(pc) =	sbr.rel @p0 .LBB2_1-.Ltmp1, $3  }
0xdb: {  	_ =	sdelay $0x1  }
0xdc: {  	[sflag:s10] =	ssyncset.done $0x0  }
0xdd: {  	[sflag:s10] =	ssyncadd.s32 $0xFFFFD880  }
0xde: {  	_ =	sfence.sel $0x180000  }
0xdf: {  	[bflag:$0x0] =	sbarrier.arrive $0xFFFF  }
0xe0: {  	_ =	strace $0x9000004A  }
0xe1: {  	s0 =	stileid.u32;
	[bflag:$0x2] =	sbarrier.arrive $0xFFFF  }
0xe2: {  	p0 =	sne.s32 s0, $0x0;
	s0 =	rddreg [dreg:$0x3]  }
0xe3: {  	s0 =	sadd.s32 @!p0 $0x100000, s0  }
0xe4: {  	[sflag:s0] =	ssyncadd.tile.s32 @!p0 $0x1;
	_ =	shalt  }
.Lfunc_end2:
_tile_overlayer_lowered:
.L_overlay_start_2:
0xe5: {  	(tag) =	ssettag $0x2  }
0xe6: {  	s0 =	rddreg [dreg:$0x0];
	s2 =	stileid.u32  }
0xe7: {  	s1 =	rddreg [dreg:$0x1];
	p0 =	sne.s32 s2, $0x0  }
0xe8: {  	s3 =	rddreg [dreg:$0x2];
	[bflag:$0x3] =	sbarrier.arrive $0xFFFF;
	s2 =	simm.s32 @!p0 $0x1C03  }
0xe9: {  	[timem:s3], [sflag:s2] =	dma.local @!p0 [hbm:s0], s1  }
0xea: {  	s0 =	simm.s32 @!p0 $0x3  }
0xeb: {  	_ =	swait.ge @!p0 [sflag:s0], s1  }
0xec: {  	s1 =	ssub.s32 @!p0 $0x0, s1;
	[sflag:s0] =	ssyncset.done @!p0 $0x0  }
0xed: {  	[sflag:s0] =	ssyncadd.s32 @!p0 s1  }
0xee: {  	[bflag:$0x3] =	sbarrier.arrive $0xFFFF  }
0xef: {  	_ =	shalt  }

// kernel: kernel.15.cloned.1.call-start
scs
__scs_entry_jumppad:
0x0: {  	(pc) =	sbr.rel $0x88, $3  }
0x1: {  	(tag) =	ssettag $0x0;
	lr =	simm.s32 $0x1  }
0x2: {  	[smem:$0x3F9B] =	sst lr;
	_ =	strace $0xD0000000  }
0x3: {  	_ = 	snop  }
0x4: {  	_ = 	snop  }
0x5: {  	_ = 	snop  }
0x6: {  	_ = 	snop  }
0x7: {  	_ = 	snop  }
__scs_overlays_trampoline_lowered:
0x8: {  	[smem:$0x3FAA] =	sst s0  }
0x9: {  	[smem:$0x3FAB] =	sst s1  }
0xa: {  	[smem:$0x3FAC] =	sst s2  }
0xb: {  	[smem:$0x3FAD] =	sst s3  }
0xc: {  	[smem:$0x3FAE] =	sst s4  }
0xd: {  	[smem:$0x3FAF] =	sst s5  }
0xe: {  	[smem:$0x3FB0] =	sst s6  }
0xf: {  	[smem:$0x3FB1] =	sst s7  }
0x10: {  	[smem:$0x3FB2] =	sst s8  }
0x11: {  	[smem:$0x3FB3] =	sst s9;
	s0 =	simm.s32 @!p0 $0x0  }
0x12: {  	s1 =	sld [smem:$0x3F99];
	s0 =	simm.s32 @p0 $0x1  }
0x13: {  	[smem:$0x3FB4] =	sst s0;
	s0 =	simm.s32 @!p1 $0x0  }
0x14: {  	s2 =	sld [smem:$0x3F98];
	s0 =	simm.s32 @p1 $0x1  }
0x15: {  	[smem:$0x3FB5] =	sst s0;
	s0 =	simm.s32 @!p2 $0x0  }
0x16: {  	s3 =	sld [smem:$0x3FDB];
	s0 =	simm.s32 @p2 $0x1  }
0x17: {  	s4 =	simm.s32 $0x1BF5;
	[smem:$0x3FB7] =	sst s0  }
0x18: {  	s0 =	sld [smem:$0x3F9A];
	_ =	swait.ge [sflag:s4], $0x0  }
0x19: {  	s7 =	sld [smem:$0x3F9B]  }
0x1a: {  	s8 =	sadd.s32 $0xFFFFE003, lr  }
0x1b: {  	s9 =	sadd.s32 $0xFFFFFEF7, lr;
	s5 =	simm.s32 $0xFFFFFFFF;
	p2 =	slt.u32 s8, $0xFFFFF086  }
0x1c: {  	p1 =	slt.u32 s9, $0xF7A;
	s5 =	simm.s32 @!p2 $0x0  }
0x1d: {  	s5 =	simm.s32 @p1 $0x1;
	p0 =	seq.s32 s7, s2  }
0x1e: {  	s7 =	smul.u32 @!p0 $0xF7A, s2;
	p2 =	seq.s32 @!p0 s5, $0x0  }
0x1f: {  	s9 =	smul.u32 $0xF7A, s1;
	s8 =	simm.s32 @!p0 $0x1BF5;
	p2 =	por !p2, p0  }
0x20: {  	[sflag:s8] =	ssyncset.s32 @!p0 $0xFFFFF086;
	s6 =	sadd.s32 @!p0 s3, s7;
	s7 =	simm.s32 @!p0 $0x108  }
0x21: {  	s3 =	sadd.s32 s3, s9;
	s6 =	sadd.s32 @!p0 $0x88, s6;
	s7 =	simm.s32 @p2 $0x1082  }
0x22: {  	[simem:s7], [sflag:s8] =	dma.local @!p0 [hbm:s6], $0xF7A  }
0x23: {  	s9 =	sor.u32 $0xD0000000, s2;
	s6 =	simm.s32 $0x108;
	_ =	swait.ge @!p0 [sflag:s8], $0x0  }
0x24: {  	s3 =	sadd.s32 $0x88, s3;
	s6 =	simm.s32 @!p1 $0x1082;
	[sflag:s4] =	ssyncset.s32 $0xFFFFF086  }
0x25: {  	[simem:s6], [sflag:s4] =	dma.local [hbm:s3], $0xF7A  }
0x26: {  	[smem:$0x3F9B] =	sst s1;
	(tag) =	ssettag s2;
	_ =	strace s9  }
0x27: {  	s1 =	sld [smem:$0x3FAB]  }
0x28: {  	s2 =	sld [smem:$0x3FAC]  }
0x29: {  	s4 =	sld [smem:$0x3FAE]  }
0x2a: {  	p0 =	seq.s32 s5, $0x0;
	s5 =	sld [smem:$0x3FAF]  }
0x2b: {  	s6 =	sld [smem:$0x3FB0]  }
0x2c: {  	s7 =	sld [smem:$0x3FB1]  }
0x2d: {  	s3 =	simm.s32 $0x108;
	s8 =	sld [smem:$0x3FB2]  }
0x2e: {  	s3 =	simm.s32 @!p0 $0x1082;
	s9 =	sld [smem:$0x3FB3]  }
0x2f: {  	lr =	sadd.s32 s0, s3;
	s0 =	sld [smem:$0x3FAA]  }
0x30: {  	s3 =	sld [smem:$0x3FAD]  }
0x31: {  	[smem:$0x3FB6] =	sst s10  }
0x32: {  	s10 =	sld [smem:$0x3FB4];
	_ =	sdelay $0x3  }
0x33: {  	p0 =	seq.s32 s10, $0x1;
	s10 =	sld [smem:$0x3FB6];
	_ =	sdelay $0x3  }
0x34: {  	[smem:$0x3FB6] =	sst s10  }
0x35: {  	s10 =	sld [smem:$0x3FB5];
	_ =	sdelay $0x3  }
0x36: {  	p1 =	seq.s32 s10, $0x1;
	s10 =	sld [smem:$0x3FB6];
	_ =	sdelay $0x3  }
0x37: {  	[smem:$0x3FB6] =	sst s10  }
0x38: {  	s10 =	sld [smem:$0x3FB7]  }
0x39: {  	_ = 	snop;
	(pc) =	sbr.ind lr, $3  }
0x3a: {  	_ = 	snop  }
0x3b: {  	_ = 	snop  }
0x3c: {  	p2 =	seq.s32 s10, $0x1;
	s10 =	sld [smem:$0x3FB6]  }
0x3d: {  	_ =	shalt  }
0x3e: {  	_ =	shalt  }
0x3f: {  	_ =	shalt  }
0x40: {  	_ =	shalt  }
0x41: {  	_ =	shalt  }
0x42: {  	_ =	shalt  }
0x43: {  	_ =	shalt  }
0x44: {  	_ =	shalt  }
0x45: {  	_ =	shalt  }
0x46: {  	_ =	shalt  }
0x47: {  	_ =	shalt  }
0x48: {  	_ =	shalt  }
0x49: {  	_ =	shalt  }
0x4a: {  	_ =	shalt  }
0x4b: {  	_ =	shalt  }
0x4c: {  	_ =	shalt  }
0x4d: {  	_ =	shalt  }
0x4e: {  	_ =	shalt  }
0x4f: {  	_ =	shalt  }
0x50: {  	_ =	shalt  }
0x51: {  	_ =	shalt  }
0x52: {  	_ =	shalt  }
0x53: {  	_ =	shalt  }
0x54: {  	_ =	shalt  }
0x55: {  	_ =	shalt  }
0x56: {  	_ =	shalt  }
0x57: {  	_ =	shalt  }
0x58: {  	_ =	shalt  }
0x59: {  	_ =	shalt  }
0x5a: {  	_ =	shalt  }
0x5b: {  	_ =	shalt  }
0x5c: {  	_ =	shalt  }
0x5d: {  	_ =	shalt  }
0x5e: {  	_ =	shalt  }
0x5f: {  	_ =	shalt  }
0x60: {  	_ =	shalt  }
0x61: {  	_ =	shalt  }
0x62: {  	_ =	shalt  }
0x63: {  	_ =	shalt  }
0x64: {  	_ =	shalt  }
0x65: {  	_ =	shalt  }
0x66: {  	_ =	shalt  }
0x67: {  	_ =	shalt  }
0x68: {  	_ =	shalt  }
0x69: {  	_ =	shalt  }
0x6a: {  	_ =	shalt  }
0x6b: {  	_ =	shalt  }
0x6c: {  	_ =	shalt  }
0x6d: {  	_ =	shalt  }
0x6e: {  	_ =	shalt  }
0x6f: {  	_ =	shalt  }
0x70: {  	_ =	shalt  }
0x71: {  	_ =	shalt  }
0x72: {  	_ =	shalt  }
0x73: {  	_ =	shalt  }
0x74: {  	_ =	shalt  }
0x75: {  	_ =	shalt  }
0x76: {  	_ =	shalt  }
0x77: {  	_ =	shalt  }
0x78: {  	_ =	shalt  }
0x79: {  	_ =	shalt  }
0x7a: {  	_ =	shalt  }
0x7b: {  	_ =	shalt  }
0x7c: {  	_ =	shalt  }
0x7d: {  	_ =	shalt  }
0x7e: {  	_ =	shalt  }
0x7f: {  	_ =	shalt  }
0x80: {  	_ =	shalt  }
0x81: {  	_ =	shalt  }
0x82: {  	_ =	shalt  }
0x83: {  	_ =	shalt  }
0x84: {  	_ =	shalt  }
0x85: {  	_ =	shalt  }
0x86: {  	_ =	shalt  }
0x87: {  	_ =	shalt  }
.Lfunc_end0:
.L_simem_size_0:
called_computation.2_lowered:
.L_overlay_start_0:
0x88: {  	s2 =	sld [smem:$0x3FD9]  }
0x89: {  	s3 =	sld [smem:$0x3FFE];
	_ =	sdelay $0x1  }
0x8a: {  	s1 =	srdreg.scid  }
0x8b: {  	s0 =	sand.u32 $0x1, s1  }
0x8c: {  	s17 =	sshll.u32 s0, $0xA;
	s2 =	sadd.s32 s3, s2  }
0x8d: {  	s2 =	sadd.s32 s2, s17  }
0x8e: {  	[smem:$0x3FC2] =	sst s2  }
0x8f: {  	_ = 	snop  }
0x90: {  	s2 =	sld [smem:$0x3FD0];
	(tm) =	ssettm $0x1  }
0x91: {  	s18 =	sld [smem:$0x3FFB];
	_ =	sdelay $0x3  }
0x92: {  	_ =	strace s18  }
0x93: {  	s3 =	sld [smem:$0x3FFC];
	_ =	sdelay $0x3  }
0x94: {  	_ =	strace s3  }
0x95: {  	s3 =	sld [smem:$0x3FFD];
	_ =	sdelay $0x3  }
0x96: {  	_ =	strace s3  }
0x97: {  	_ =	strace $0x8FFFFFFF  }
0x98: {  	s19 =	sld [smem:$0x3FDB];
	_ =	sdelay $0x1  }
0x99: {  	s4 =	simm.s32 $_scs_section_size  }
0x9a: {  	s5 =	simm.s32 $_size__tile_overlayer_lowered;
	s6 =	simm.s32 $_tile_overlayer_lowered  }
0x9b: {  	s22 =	simm.s32 $0x1BFF;
	s21 =	sshll.u32 s6, $0x1;
	s3 =	sadd.s32 s4, s19  }
0x9c: {  	s7 =	simm.s32 $0x0;
	s20 =	sshll.u32 s5, $0x1;
	s5 =	sadd.s32 s21, s3  }
0x9d: {  	[timem:s7], [sflag:s22] =	dma.local [hbm:s5], s20  }
0x9e: {  	_ =	swait.ge [sflag:s22], s20  }
0x9f: {  	s4 =	ssub.s32 $0x0, s20;
	[sflag:s22] =	ssyncset.done $0x0  }
0xa0: {  	[sflag:s22] =	ssyncadd.s32 s4;
	_ =	sdelay $0x1  }
0xa1: {  	s23 =	simm.s32 $0x1B8B  }
0xa2: {  	_ =	swait.ge [sflag:s23], $0x1  }
0xa3: {  	[sflag:s23] =	ssyncset.done $0x0  }
0xa4: {  	s25 =	simm.s32 $0x1B8E;
	s24 =	sld [smem:$0x3FFE];
	[sflag:s23] =	ssyncadd.s32 $0xFFFFFFFF  }
0xa5: {  	s26 =	simm.s32 $execute0_lowered;
	[smem:$0x3FD2] =	sst s25  }
0xa6: {  	s5 =	sshll.u32 s26, $0x1;
	_ =	strace $0x8000004C;
	[dreg:$0x1] =	wrdreg $0xFFFFFFFF  }
0xa7: {  	s28 =	simm.s32 $_size_execute0_lowered;
	s3 =	sadd.s32 s3, s5;
	[dreg:$0x0] =	wrdreg $0x0  }
0xa8: {  	s5 =	sshll.u32 s28, $0x1;
	[dreg:$0x2] =	wrdreg s3  }
0xa9: {  	[dreg:$0x3] =	wrdreg s5  }
0xaa: {  	[dreg:$0x4] =	wrdreg $0xC0  }
0xab: {  	_ =	task [dreg:s7], $0x5FFFF  }
0xac: {  	[dreg:$0x1] =	wrdreg $0xFFFFFFFF  }
0xad: {  	[dreg:$0x0] =	wrdreg $0x60  }
0xae: {  	[dreg:$0x2] =	wrdreg s24  }
0xaf: {  	[dreg:$0x3] =	wrdreg s2  }
0xb0: {  	[dreg:$0x4] =	wrdreg $0x0  }
0xb1: {  	[dreg:$0x5] =	wrdreg $0x9  }
0xb2: {  	_ =	task.clear_ibuf [dreg:s7], $0x6FFFF;
	_ =	strace $0x9000004C  }
0xb3: {  	s29 =	simm.s32 $0x9;
	_ =	strace $0x8000004E  }
0xb4: {  	_ =	swait.ge [sflag:s29], $0x1  }
0xb5: {  	[sflag:s29] =	ssyncadd.s32 $0xFFFFFFFF  }
0xb6: {  	_ =	strace $0x9000004E  }
0xb7: {  	_ =	sfence  }
0xb8: {  	s30 =	sld [smem:$0x0];
	_ =	sdelay $0x2  }
0xb9: {  	s31 =	sshll.u32 s1, $0xD;
	s1 =	sshrl.u32 s1, $0x2  }
0xba: {  	s3 =	sand.u32 $0x4000, s31;
	s1 =	sadd.s32 s1, s30  }
0xbb: {  	s0 =	sor.u32 s3, s0;
	s1 =	sshll.u32 s1, $0x11  }
0xbc: {  	s0 =	sor.u32 s1, s0  }
0xbd: {  	s0 =	sadd.s32 $0x8F2B, s0  }
0xbe: {  	[sflag:s0] =	ssyncadd.remote.s32 $0x1  }
0xbf: {  	_ =	sfence.sel $0xFFFF  }
0xc0: {  	[dreg:$0x0] =	wrdreg $0xFFFFFFFF;
	(pc) =	sbr.abs _section_cstart, $3  }
0xc1: {  	[dreg:$0x1] =	wrdreg $0xFFFFFFFF  }
0xc2: {  	_ =	task.clear_ibuf [dreg:s7], $0x2FFFF;
	_ =	strace $0x9FFFFFFF  }
0xc3: {  	(tm) =	ssettm $0x7FFFFFFF  }
tec
execute0_lowered:
.L_overlay_start_1:
0x0: {  	(tag) =	ssettag $0x1  }
0x1: {  	s0 =	rddreg [dreg:$0x0]  }
0x2: {  	s2 =	rddreg [dreg:$0x2];
	s1 =	srdreg.scid  }
0x3: {  	s4 =	simm.s32 $0x0;
	s9 =	stileid.u32;
	s10 =	simm.s32 $0x3  }
0x4: {  	s11 =	simm.s32 $0x13C00;
	s12 =	simm.s32 $0x14400;
	s13 =	simm.s32 $0x80  }
0x5: {  	s25 =	simm.s32 $0x13C80;
	s14 =	simm.s32 $0x14C00;
	s26 =	simm.s32 $0x13D00  }
0x6: {  	s15 =	simm.s32 $0x18C00;
	s16 =	simm.s32 $0x1;
	s17 =	simm.s32 $0x2  }
0x7: {  	s18 =	simm.s32 $0x14480;
	s19 =	simm.s32 $0x13D80;
	s28 =	simm.s32 $0x13F80  }
0x8: {  	s29 =	simm.s32 $0x14700;
	s30 =	simm.s32 $0x14000;
	s31 =	simm.s32 $0x14780  }
0x9: {  	s1 =	sand.u32 $0x1, s1;
	[smem:$0x7FF] =	sst s4;
	s6 =	smul.u32 $0x13C00, s9  }
0xa: {  	s5 =	sadd.s32 $0x2CC00, s0;
	s20 =	smul.u32 $0x4F000, s9;
	s8 =	sshll.u32 s9, $0x8  }
0xb: {  	s23 =	sshll.u32 s9, $0x6;
	s3 =	smul.u32 $0x13C000, s1;
	_ =	strace $0x8000004D  }
0xc: {  	s7 =	sshll.u32 s1, $0xC;
	s1 =	ssub.s32 $0x2, s1;
	[dreg:$0x6] =	wrdreg s25  }
0xd: {  	s9 =	sor.u32 $0x1C03, s23;
	[dreg:$0x7] =	wrdreg s26;
	s23 =	simm.s32 $0x13E80  }
0xe: {  	s25 =	simm.s32 $0x13F00;
	s26 =	simm.s32 $0x14680;
	s7 =	sadd.s32 s7, s0  }
0xf: {  	s21 =	sshrl.u32 s1, $0x1;
	s22 =	sshrl.u32 s20, $0x2;
	s20 =	simm.s32 $0x14500  }
0x10: {  	[dreg:$0x8] =	wrdreg s9;
	s3 =	sadd.s32 s6, s3;
	s7 =	sadd.s32 s8, s7  }
0x11: {  	s1 =	ssub.s32 s1, s21;
	s21 =	simm.s32 $0x13E00;
	s8 =	sadd.s32 $0x1CC00, s7  }
0x12: {  	s3 =	sshrl.u32 s3, $0x3;
	s24 =	smax.u32 s1, $0x1;
	[dreg:$0x4] =	wrdreg s8  }
0x13: {  	s7 =	sadd.s32 $0xCC00, s7;
	s1 =	simm.s32 $0x14880;
	[dreg:$0xa] =	wrdreg s24  }
0x14: {  	s0 =	sadd.s32 s3, s0;
	s3 =	sadd.s32 s22, s2;
	[dreg:$0x5] =	wrdreg s7  }
0x15: {  	s22 =	simm.s32 $0x14580;
	s24 =	simm.s32 $0x14600;
	s0 =	sadd.s32 $0x53E00, s0  }
0x16: {  	s7 =	simm.s32 $0x0;
	s8 =	sshrl.u32 s3, $0x3;
	[dreg:$0x9] =	wrdreg s0  }
0x17: {  	s3 =	simm.s32 $0x14800;
	s0 =	simm.s32 $0x14080;
	[dreg:$0xb] =	wrdreg s8  }
.LBB2_1:
0x18: {  	s6 =	rddreg [dreg:$0x1]  }
0x19: {  	[spmem:s8], [sflag:s9] =	dma.local [hbm:s6], $0x2780  }
0x1a: {  	_ =	swait.ge [sflag:s10], $0x2780  }
0x1b: {  	[sflag:s10] =	ssyncset.done $0x0  }
0x1c: {  	[sflag:s10] =	ssyncadd.s32 $0xFFFFD880  }
0x1d: {  	[bflag:$0x0] =	sbarrier.arrive $0xFFFF  }
0x1e: {  	s6 =	rddreg [dreg:$0x4]  }
0x1f: {  	s8 =	sadd.s32 $0x0, s6  }
0x20: {  	[tilespmem:s11], [sflag:$0x3] =	stream.linear.gather [hbm4b:s8+s4], $0x500, $0x38;
	[tilespmem:$0x1CC00] =	vst v63  }
0x21: {  	_ =	swait.ge [sflag:s10], $0x500  }
0x22: {  	s9 =	rddreg [dreg:$0x5];
	[sflag:s10] =	ssyncset.done $0x0  }
0x23: {  	[sflag:s10] =	ssyncadd.s32 $0xFFFFFB00;
	s8 =	sadd.s32 $0x0, s9  }
0x24: {  	[tilespmem:s12], [sflag:$0x3] =	stream.linear.gather [hbm4b:s8+s4], $0x500, $0x38;
	[tilespmem:$0x1CC00] =	vst v63  }
0x25: {  	_ =	swait.ge [sflag:s10], $0x500  }
0x26: {  	[sflag:s10] =	ssyncset.done $0x0  }
0x27: {  	[sflag:s10] =	ssyncadd.s32 $0xFFFFFB00  }
0x28: {  	[tilespmem:s14], [sflag:$0x1] =	stream.indirect.gather [hbm4b:s5+s13], $0x80, s11, s13, $0xb8;
	[tilespmem:$0x1CC00] =	vst v63  }
0x29: {  	s6 =	rddreg [dreg:$0x6]  }
0x2a: {  	[tilespmem:s15], [sflag:$0x2] =	stream.indirect.gather [hbm4b:s5+s13], $0x80, s6, s13, $0xb8;
	[tilespmem:$0x1CC00] =	vst v63  }
0x2b: {  	_ =	swait.ge [sflag:s16], $0x4000  }
0x2c: {  	[sflag:s16] =	ssyncset.done $0x0  }
0x2d: {  	[sflag:s16] =	ssyncadd.s32 $0xFFFFC000  }
0x2e: {  	[spmem:s2] =	stream.indirect.scatter.add.f32 [tilespmem:s14], [sflag:$0x3], $0x80, s12, s13, $0xb8;
	[tilespmem:$0x1CC00] =	vst v63  }
0x2f: {  	_ =	swait.ge [sflag:s10], $0x4000  }
0x30: {  	[sflag:s10] =	ssyncset.done $0x0  }
0x31: {  	s9 =	rddreg [dreg:$0x7];
	[sflag:s10] =	ssyncadd.s32 $0xFFFFC000  }
0x32: {  	[tilespmem:s14], [sflag:$0x1] =	stream.indirect.gather [hbm4b:s5+s13], $0x80, s9, s13, $0xb8;
	[tilespmem:$0x1CC00] =	vst v63  }
0x33: {  	_ =	swait.ge [sflag:s17], $0x4000  }
0x34: {  	[sflag:s17] =	ssyncset.done $0x0  }
0x35: {  	[sflag:s17] =	ssyncadd.s32 $0xFFFFC000  }
0x36: {  	[spmem:s2] =	stream.indirect.scatter.add.f32 [tilespmem:s15], [sflag:$0x3], $0x80, s18, s13, $0xb8;
	[tilespmem:$0x1CC00] =	vst v63  }
0x37: {  	_ =	swait.ge [sflag:s10], $0x4000  }
0x38: {  	[sflag:s10] =	ssyncset.done $0x0  }
0x39: {  	[sflag:s10] =	ssyncadd.s32 $0xFFFFC000  }
0x3a: {  	[tilespmem:s15], [sflag:$0x2] =	stream.indirect.gather [hbm4b:s5+s13], $0x80, s19, s13, $0xb8;
	[tilespmem:$0x1CC00] =	vst v63  }
0x3b: {  	_ =	swait.ge [sflag:s16], $0x4000  }
0x3c: {  	[sflag:s16] =	ssyncset.done $0x0  }
0x3d: {  	[sflag:s16] =	ssyncadd.s32 $0xFFFFC000  }
0x3e: {  	[spmem:s2] =	stream.indirect.scatter.add.f32 [tilespmem:s14], [sflag:$0x3], $0x80, s20, s13, $0xb8;
	[tilespmem:$0x1CC00] =	vst v63  }
0x3f: {  	_ =	swait.ge [sflag:s10], $0x4000  }
0x40: {  	[sflag:s10] =	ssyncset.done $0x0  }
0x41: {  	[sflag:s10] =	ssyncadd.s32 $0xFFFFC000  }
0x42: {  	[tilespmem:s14], [sflag:$0x1] =	stream.indirect.gather [hbm4b:s5+s13], $0x80, s21, s13, $0xb8;
	[tilespmem:$0x1CC00] =	vst v63  }
0x43: {  	_ =	swait.ge [sflag:s17], $0x4000  }
0x44: {  	[sflag:s17] =	ssyncset.done $0x0  }
0x45: {  	[sflag:s17] =	ssyncadd.s32 $0xFFFFC000  }
0x46: {  	[spmem:s2] =	stream.indirect.scatter.add.f32 [tilespmem:s15], [sflag:$0x3], $0x80, s22, s13, $0xb8;
	[tilespmem:$0x1CC00] =	vst v63  }
0x47: {  	_ =	swait.ge [sflag:s10], $0x4000  }
0x48: {  	[sflag:s10] =	ssyncset.done $0x0  }
0x49: {  	[sflag:s10] =	ssyncadd.s32 $0xFFFFC000  }
0x4a: {  	[tilespmem:s15], [sflag:$0x2] =	stream.indirect.gather [hbm4b:s5+s13], $0x80, s23, s13, $0xb8;
	[tilespmem:$0x1CC00] =	vst v63  }
0x4b: {  	_ =	swait.ge [sflag:s16], $0x4000  }
0x4c: {  	[sflag:s16] =	ssyncset.done $0x0  }
0x4d: {  	[sflag:s16] =	ssyncadd.s32 $0xFFFFC000  }
0x4e: {  	[spmem:s2] =	stream.indirect.scatter.add.f32 [tilespmem:s14], [sflag:$0x3], $0x80, s24, s13, $0xb8;
	[tilespmem:$0x1CC00] =	vst v63  }
0x4f: {  	_ =	swait.ge [sflag:s10], $0x4000  }
0x50: {  	[sflag:s10] =	ssyncset.done $0x0  }
0x51: {  	[sflag:s10] =	ssyncadd.s32 $0xFFFFC000  }
0x52: {  	[tilespmem:s14], [sflag:$0x1] =	stream.indirect.gather [hbm4b:s5+s13], $0x80, s25, s13, $0xb8;
	[tilespmem:$0x1CC00] =	vst v63  }
0x53: {  	_ =	swait.ge [sflag:s17], $0x4000  }
0x54: {  	[sflag:s17] =	ssyncset.done $0x0  }
0x55: {  	[sflag:s17] =	ssyncadd.s32 $0xFFFFC000  }
0x56: {  	[spmem:s2] =	stream.indirect.scatter.add.f32 [tilespmem:s15], [sflag:$0x3], $0x80, s26, s13, $0xb8;
	[tilespmem:$0x1CC00] =	vst v63  }
0x57: {  	_ =	swait.ge [sflag:s10], $0x4000  }
0x58: {  	[sflag:s10] =	ssyncset.done $0x0  }
0x59: {  	[sflag:s10] =	ssyncadd.s32 $0xFFFFC000  }
0x5a: {  	[tilespmem:s15], [sflag:$0x2] =	stream.indirect.gather [hbm4b:s5+s13], $0x80, s28, s13, $0xb8;
	[tilespmem:$0x1CC00] =	vst v63  }
0x5b: {  	_ =	swait.ge [sflag:s16], $0x4000  }
0x5c: {  	[sflag:s16] =	ssyncset.done $0x0  }
0x5d: {  	[sflag:s16] =	ssyncadd.s32 $0xFFFFC000  }
0x5e: {  	[spmem:s2] =	stream.indirect.scatter.add.f32 [tilespmem:s14], [sflag:$0x3], $0x80, s29, s13, $0xb8;
	[tilespmem:$0x1CC00] =	vst v63  }
0x5f: {  	_ =	swait.ge [sflag:s10], $0x4000  }
0x60: {  	[sflag:s10] =	ssyncset.done $0x0  }
0x61: {  	[sflag:s10] =	ssyncadd.s32 $0xFFFFC000  }
0x62: {  	[tilespmem:s14], [sflag:$0x1] =	stream.indirect.gather [hbm4b:s5+s13], $0x80, s30, s13, $0xb8;
	[tilespmem:$0x1CC00] =	vst v63  }
0x63: {  	_ =	swait.ge [sflag:s17], $0x4000  }
0x64: {  	[sflag:s17] =	ssyncset.done $0x0  }
0x65: {  	[sflag:s17] =	ssyncadd.s32 $0xFFFFC000  }
0x66: {  	[spmem:s2] =	stream.indirect.scatter.add.f32 [tilespmem:s15], [sflag:$0x3], $0x80, s31, s13, $0xb8;
	[tilespmem:$0x1CC00] =	vst v63  }
0x67: {  	_ =	swait.ge [sflag:s10], $0x4000  }
0x68: {  	[sflag:s10] =	ssyncset.done $0x0  }
0x69: {  	[sflag:s10] =	ssyncadd.s32 $0xFFFFC000  }
0x6a: {  	[tilespmem:s15], [sflag:$0x2] =	stream.indirect.gather [hbm4b:s5+s13], $0x80, s0, s13, $0xb8;
	[tilespmem:$0x1CC00] =	vst v63  }
0x6b: {  	_ =	swait.ge [sflag:s16], $0x4000  }
0x6c: {  	[sflag:s16] =	ssyncset.done $0x0  }
0x6d: {  	[sflag:s16] =	ssyncadd.s32 $0xFFFFC000  }
0x6e: {  	[spmem:s2] =	stream.indirect.scatter.add.f32 [tilespmem:s14], [sflag:$0x3], $0x80, s3, s13, $0xb8;
	[tilespmem:$0x1CC00] =	vst v63  }
0x6f: {  	_ =	swait.ge [sflag:s10], $0x4000  }
0x70: {  	[sflag:s10] =	ssyncset.done $0x0  }
0x71: {  	[sflag:s10] =	ssyncadd.s32 $0xFFFFC000  }
0x72: {  	_ =	swait.ge [sflag:s17], $0x4000  }
0x73: {  	[sflag:s17] =	ssyncset.done $0x0  }
0x74: {  	[sflag:s17] =	ssyncadd.s32 $0xFFFFC000  }
0x75: {  	[spmem:s2] =	stream.indirect.scatter.add.f32 [tilespmem:s15], [sflag:$0x3], $0x80, s1, s13, $0xb8;
	[tilespmem:$0x1CC00] =	vst v63  }
0x76: {  	s8 =	simm.s32 $0x2000;
	_ =	swait.ge [sflag:s10], $0x4000  }
.LBB2_2:
0x77: {  	s6 =	rddreg [dreg:$0x4];
	s9 =	smov.u32 s8;
	[sflag:s10] =	ssyncset.done $0x0  }
0x78: {  	s6 =	sadd.s32 s9, s6;
	[sflag:s10] =	ssyncadd.s32 $0xFFFFC000  }
0x79: {  	[tilespmem:s11], [sflag:$0x3] =	stream.linear.gather [hbm4b:s6+s4], $0x500, $0x38;
	[tilespmem:$0x1CC00] =	vst v63  }
0x7a: {  	_ =	swait.ge [sflag:s10], $0x500  }
0x7b: {  	s6 =	rddreg [dreg:$0x5];
	[sflag:s10] =	ssyncset.done $0x0  }
0x7c: {  	[sflag:s10] =	ssyncadd.s32 $0xFFFFFB00;
	s6 =	sadd.s32 s9, s6  }
0x7d: {  	[tilespmem:s12], [sflag:$0x3] =	stream.linear.gather [hbm4b:s6+s4], $0x500, $0x38;
	[tilespmem:$0x1CC00] =	vst v63  }
0x7e: {  	_ =	swait.ge [sflag:s10], $0x500  }
0x7f: {  	[sflag:s10] =	ssyncset.done $0x0  }
0x80: {  	[sflag:s10] =	ssyncadd.s32 $0xFFFFFB00  }
0x81: {  	[tilespmem:s14], [sflag:$0x1] =	stream.indirect.gather [hbm4b:s5+s13], $0x80, s11, s13, $0xb8;
	[tilespmem:$0x1CC00] =	vst v63  }
0x82: {  	s9 =	rddreg [dreg:$0x6]  }
0x83: {  	[tilespmem:s15], [sflag:$0x2] =	stream.indirect.gather [hbm4b:s5+s13], $0x80, s9, s13, $0xb8;
	[tilespmem:$0x1CC00] =	vst v63  }
0x84: {  	_ =	swait.ge [sflag:s16], $0x4000  }
0x85: {  	[sflag:s16] =	ssyncset.done $0x0  }
0x86: {  	[sflag:s16] =	ssyncadd.s32 $0xFFFFC000  }
0x87: {  	[spmem:s2] =	stream.indirect.scatter.add.f32 [tilespmem:s14], [sflag:$0x3], $0x80, s12, s13, $0xb8;
	[tilespmem:$0x1CC00] =	vst v63  }
0x88: {  	_ =	swait.ge [sflag:s10], $0x4000  }
0x89: {  	[sflag:s10] =	ssyncset.done $0x0  }
0x8a: {  	s9 =	rddreg [dreg:$0x7];
	[sflag:s10] =	ssyncadd.s32 $0xFFFFC000  }
0x8b: {  	[tilespmem:s14], [sflag:$0x1] =	stream.indirect.gather [hbm4b:s5+s13], $0x80, s9, s13, $0xb8;
	[tilespmem:$0x1CC00] =	vst v63  }
0x8c: {  	_ =	swait.ge [sflag:s17], $0x4000  }
0x8d: {  	[sflag:s17] =	ssyncset.done $0x0  }
0x8e: {  	[sflag:s17] =	ssyncadd.s32 $0xFFFFC000  }
0x8f: {  	[spmem:s2] =	stream.indirect.scatter.add.f32 [tilespmem:s15], [sflag:$0x3], $0x80, s18, s13, $0xb8;
	[tilespmem:$0x1CC00] =	vst v63  }
0x90: {  	_ =	swait.ge [sflag:s10], $0x4000  }
0x91: {  	[sflag:s10] =	ssyncset.done $0x0  }
0x92: {  	[sflag:s10] =	ssyncadd.s32 $0xFFFFC000  }
0x93: {  	[tilespmem:s15], [sflag:$0x2] =	stream.indirect.gather [hbm4b:s5+s13], $0x80, s19, s13, $0xb8;
	[tilespmem:$0x1CC00] =	vst v63  }
0x94: {  	_ =	swait.ge [sflag:s16], $0x4000  }
0x95: {  	[sflag:s16] =	ssyncset.done $0x0  }
0x96: {  	[sflag:s16] =	ssyncadd.s32 $0xFFFFC000  }
0x97: {  	[spmem:s2] =	stream.indirect.scatter.add.f32 [tilespmem:s14], [sflag:$0x3], $0x80, s20, s13, $0xb8;
	[tilespmem:$0x1CC00] =	vst v63  }
0x98: {  	_ =	swait.ge [sflag:s10], $0x4000  }
0x99: {  	[sflag:s10] =	ssyncset.done $0x0  }
0x9a: {  	[sflag:s10] =	ssyncadd.s32 $0xFFFFC000  }
0x9b: {  	[tilespmem:s14], [sflag:$0x1] =	stream.indirect.gather [hbm4b:s5+s13], $0x80, s21, s13, $0xb8;
	[tilespmem:$0x1CC00] =	vst v63  }
0x9c: {  	_ =	swait.ge [sflag:s17], $0x4000  }
0x9d: {  	[sflag:s17] =	ssyncset.done $0x0  }
0x9e: {  	[sflag:s17] =	ssyncadd.s32 $0xFFFFC000  }
0x9f: {  	[spmem:s2] =	stream.indirect.scatter.add.f32 [tilespmem:s15], [sflag:$0x3], $0x80, s22, s13, $0xb8;
	[tilespmem:$0x1CC00] =	vst v63  }
0xa0: {  	_ =	swait.ge [sflag:s10], $0x4000  }
0xa1: {  	[sflag:s10] =	ssyncset.done $0x0  }
0xa2: {  	[sflag:s10] =	ssyncadd.s32 $0xFFFFC000  }
0xa3: {  	[tilespmem:s15], [sflag:$0x2] =	stream.indirect.gather [hbm4b:s5+s13], $0x80, s23, s13, $0xb8;
	[tilespmem:$0x1CC00] =	vst v63  }
0xa4: {  	_ =	swait.ge [sflag:s16], $0x4000  }
0xa5: {  	[sflag:s16] =	ssyncset.done $0x0  }
0xa6: {  	[sflag:s16] =	ssyncadd.s32 $0xFFFFC000  }
0xa7: {  	[spmem:s2] =	stream.indirect.scatter.add.f32 [tilespmem:s14], [sflag:$0x3], $0x80, s24, s13, $0xb8;
	[tilespmem:$0x1CC00] =	vst v63  }
0xa8: {  	_ =	swait.ge [sflag:s10], $0x4000  }
0xa9: {  	[sflag:s10] =	ssyncset.done $0x0  }
0xaa: {  	[sflag:s10] =	ssyncadd.s32 $0xFFFFC000  }
0xab: {  	[tilespmem:s14], [sflag:$0x1] =	stream.indirect.gather [hbm4b:s5+s13], $0x80, s25, s13, $0xb8;
	[tilespmem:$0x1CC00] =	vst v63  }
0xac: {  	_ =	swait.ge [sflag:s17], $0x4000  }
0xad: {  	[sflag:s17] =	ssyncset.done $0x0  }
0xae: {  	[sflag:s17] =	ssyncadd.s32 $0xFFFFC000  }
0xaf: {  	[spmem:s2] =	stream.indirect.scatter.add.f32 [tilespmem:s15], [sflag:$0x3], $0x80, s26, s13, $0xb8;
	[tilespmem:$0x1CC00] =	vst v63  }
0xb0: {  	_ =	swait.ge [sflag:s10], $0x4000  }
0xb1: {  	[sflag:s10] =	ssyncset.done $0x0  }
0xb2: {  	[sflag:s10] =	ssyncadd.s32 $0xFFFFC000  }
0xb3: {  	[tilespmem:s15], [sflag:$0x2] =	stream.indirect.gather [hbm4b:s5+s13], $0x80, s28, s13, $0xb8;
	[tilespmem:$0x1CC00] =	vst v63  }
0xb4: {  	_ =	swait.ge [sflag:s16], $0x4000  }
0xb5: {  	[sflag:s16] =	ssyncset.done $0x0  }
0xb6: {  	[sflag:s16] =	ssyncadd.s32 $0xFFFFC000  }
0xb7: {  	[spmem:s2] =	stream.indirect.scatter.add.f32 [tilespmem:s14], [sflag:$0x3], $0x80, s29, s13, $0xb8;
	[tilespmem:$0x1CC00] =	vst v63  }
0xb8: {  	_ =	swait.ge [sflag:s10], $0x4000  }
0xb9: {  	[sflag:s10] =	ssyncset.done $0x0  }
0xba: {  	[sflag:s10] =	ssyncadd.s32 $0xFFFFC000  }
0xbb: {  	[tilespmem:s14], [sflag:$0x1] =	stream.indirect.gather [hbm4b:s5+s13], $0x80, s30, s13, $0xb8;
	[tilespmem:$0x1CC00] =	vst v63  }
0xbc: {  	_ =	swait.ge [sflag:s17], $0x4000  }
0xbd: {  	[sflag:s17] =	ssyncset.done $0x0  }
0xbe: {  	[sflag:s17] =	ssyncadd.s32 $0xFFFFC000  }
0xbf: {  	[spmem:s2] =	stream.indirect.scatter.add.f32 [tilespmem:s15], [sflag:$0x3], $0x80, s31, s13, $0xb8;
	[tilespmem:$0x1CC00] =	vst v63  }
0xc0: {  	_ =	swait.ge [sflag:s10], $0x4000  }
0xc1: {  	[sflag:s10] =	ssyncset.done $0x0  }
0xc2: {  	[sflag:s10] =	ssyncadd.s32 $0xFFFFC000  }
0xc3: {  	[tilespmem:s15], [sflag:$0x2] =	stream.indirect.gather [hbm4b:s5+s13], $0x80, s0, s13, $0xb8;
	[tilespmem:$0x1CC00] =	vst v63  }
0xc4: {  	_ =	swait.ge [sflag:s16], $0x4000  }
0xc5: {  	[sflag:s16] =	ssyncset.done $0x0  }
0xc6: {  	[sflag:s16] =	ssyncadd.s32 $0xFFFFC000  }
0xc7: {  	[spmem:s2] =	stream.indirect.scatter.add.f32 [tilespmem:s14], [sflag:$0x3], $0x80, s3, s13, $0xb8;
	[tilespmem:$0x1CC00] =	vst v63  }
0xc8: {  	_ =	swait.ge [sflag:s10], $0x4000  }
0xc9: {  	[sflag:s10] =	ssyncset.done $0x0  }
0xca: {  	p0 =	sne.s32 s8, $0xE000;
	[sflag:s10] =	ssyncadd.s32 $0xFFFFC000  }
.Ltmp0:
0xcb: {  	_ =	swait.ge [sflag:s17], $0x4000;
	(pc) =	sbr.rel @p0 .LBB2_2-.Ltmp0, $4  }
0xcc: {  	[sflag:s17] =	ssyncset.done $0x0  }
0xcd: {  	[sflag:s17] =	ssyncadd.s32 $0xFFFFC000  }
0xce: {  	[spmem:s2] =	stream.indirect.scatter.add.f32 [tilespmem:s15], [sflag:$0x3], $0x80, s1, s13, $0xb8;
	[tilespmem:$0x1CC00] =	vst v63  }
0xcf: {  	s8 =	sadd.s32 $0x2000, s8;
	_ =	swait.ge [sflag:s10], $0x4000  }
0xd0: {  	[sflag:s10] =	ssyncset.done $0x0  }
0xd1: {  	[sflag:s10] =	ssyncadd.s32 $0xFFFFC000  }
0xd2: {  	[bflag:$0x0] =	sbarrier.arrive $0xFFFF  }
0xd3: {  	s9 =	rddreg [dreg:$0x8]  }
0xd4: {  	s6 =	rddreg [dreg:$0x9]  }
0xd5: {  	s8 =	rddreg [dreg:$0xb]  }
0xd6: {  	[hbm:s6], [sflag:s9] =	dma.local [spmem:s8], $0x2780  }
0xd7: {  	_ =	swait.ge [sflag:s10], $0x2780  }
0xd8: {  	s7 =	sadd.s32 $0x1, s7;
	s6 =	rddreg [dreg:$0xa]  }
0xd9: {  	p0 =	sne.s32 s7, s6  }
.Ltmp1:
0xda: {  	_ = 	snop;
	(pc) =	sbr.rel @p0 .LBB2_1-.Ltmp1, $3  }
0xdb: {  	_ =	sdelay $0x1  }
0xdc: {  	[sflag:s10] =	ssyncset.done $0x0  }
0xdd: {  	[sflag:s10] =	ssyncadd.s32 $0xFFFFD880  }
0xde: {  	_ =	sfence.sel $0x180000  }
0xdf: {  	[bflag:$0x0] =	sbarrier.arrive $0xFFFF  }
0xe0: {  	_ =	strace $0x9000004D  }
0xe1: {  	s0 =	stileid.u32;
	[bflag:$0x2] =	sbarrier.arrive $0xFFFF  }
0xe2: {  	p0 =	sne.s32 s0, $0x0;
	s0 =	rddreg [dreg:$0x3]  }
0xe3: {  	s0 =	sadd.s32 @!p0 $0x100000, s0  }
0xe4: {  	[sflag:s0] =	ssyncadd.tile.s32 @!p0 $0x1;
	_ =	shalt  }
.Lfunc_end2:
_tile_overlayer_lowered:
.L_overlay_start_2:
0xe5: {  	(tag) =	ssettag $0x2  }
0xe6: {  	s0 =	rddreg [dreg:$0x0];
	s2 =	stileid.u32  }
0xe7: {  	s1 =	rddreg [dreg:$0x1];
	p0 =	sne.s32 s2, $0x0  }
0xe8: {  	s3 =	rddreg [dreg:$0x2];
	[bflag:$0x3] =	sbarrier.arrive $0xFFFF;
	s2 =	simm.s32 @!p0 $0x1C03  }
0xe9: {  	[timem:s3], [sflag:s2] =	dma.local @!p0 [hbm:s0], s1  }
0xea: {  	s0 =	simm.s32 @!p0 $0x3  }
0xeb: {  	_ =	swait.ge @!p0 [sflag:s0], s1  }
0xec: {  	s1 =	ssub.s32 @!p0 $0x0, s1;
	[sflag:s0] =	ssyncset.done @!p0 $0x0  }
0xed: {  	[sflag:s0] =	ssyncadd.s32 @!p0 s1  }
0xee: {  	[bflag:$0x3] =	sbarrier.arrive $0xFFFF  }
0xef: {  	_ =	shalt  }

// kernel: kernel.9.cloned.1.call-start
scs
__scs_entry_jumppad:
0x0: {  	(pc) =	sbr.rel $0x88, $3  }
0x1: {  	(tag) =	ssettag $0x0;
	lr =	simm.s32 $0x1  }
0x2: {  	[smem:$0x3F9B] =	sst lr;
	_ =	strace $0xD0000000  }
0x3: {  	_ = 	snop  }
0x4: {  	_ = 	snop  }
0x5: {  	_ = 	snop  }
0x6: {  	_ = 	snop  }
0x7: {  	_ = 	snop  }
__scs_overlays_trampoline_lowered:
0x8: {  	[smem:$0x3FAA] =	sst s0  }
0x9: {  	[smem:$0x3FAB] =	sst s1  }
0xa: {  	[smem:$0x3FAC] =	sst s2  }
0xb: {  	[smem:$0x3FAD] =	sst s3  }
0xc: {  	[smem:$0x3FAE] =	sst s4  }
0xd: {  	[smem:$0x3FAF] =	sst s5  }
0xe: {  	[smem:$0x3FB0] =	sst s6  }
0xf: {  	[smem:$0x3FB1] =	sst s7  }
0x10: {  	[smem:$0x3FB2] =	sst s8  }
0x11: {  	[smem:$0x3FB3] =	sst s9;
	s0 =	simm.s32 @!p0 $0x0  }
0x12: {  	s1 =	sld [smem:$0x3F99];
	s0 =	simm.s32 @p0 $0x1  }
0x13: {  	[smem:$0x3FB4] =	sst s0;
	s0 =	simm.s32 @!p1 $0x0  }
0x14: {  	s2 =	sld [smem:$0x3F98];
	s0 =	simm.s32 @p1 $0x1  }
0x15: {  	[smem:$0x3FB5] =	sst s0;
	s0 =	simm.s32 @!p2 $0x0  }
0x16: {  	s3 =	sld [smem:$0x3FDB];
	s0 =	simm.s32 @p2 $0x1  }
0x17: {  	s4 =	simm.s32 $0x1BF5;
	[smem:$0x3FB7] =	sst s0  }
0x18: {  	s0 =	sld [smem:$0x3F9A];
	_ =	swait.ge [sflag:s4], $0x0  }
0x19: {  	s7 =	sld [smem:$0x3F9B]  }
0x1a: {  	s8 =	sadd.s32 $0xFFFFE003, lr  }
0x1b: {  	s9 =	sadd.s32 $0xFFFFFEF7, lr;
	s5 =	simm.s32 $0xFFFFFFFF;
	p2 =	slt.u32 s8, $0xFFFFF086  }
0x1c: {  	p1 =	slt.u32 s9, $0xF7A;
	s5 =	simm.s32 @!p2 $0x0  }
0x1d: {  	s5 =	simm.s32 @p1 $0x1;
	p0 =	seq.s32 s7, s2  }
0x1e: {  	s7 =	smul.u32 @!p0 $0xF7A, s2;
	p2 =	seq.s32 @!p0 s5, $0x0  }
0x1f: {  	s9 =	smul.u32 $0xF7A, s1;
	s8 =	simm.s32 @!p0 $0x1BF5;
	p2 =	por !p2, p0  }
0x20: {  	[sflag:s8] =	ssyncset.s32 @!p0 $0xFFFFF086;
	s6 =	sadd.s32 @!p0 s3, s7;
	s7 =	simm.s32 @!p0 $0x108  }
0x21: {  	s3 =	sadd.s32 s3, s9;
	s6 =	sadd.s32 @!p0 $0x88, s6;
	s7 =	simm.s32 @p2 $0x1082  }
0x22: {  	[simem:s7], [sflag:s8] =	dma.local @!p0 [hbm:s6], $0xF7A  }
0x23: {  	s9 =	sor.u32 $0xD0000000, s2;
	s6 =	simm.s32 $0x108;
	_ =	swait.ge @!p0 [sflag:s8], $0x0  }
0x24: {  	s3 =	sadd.s32 $0x88, s3;
	s6 =	simm.s32 @!p1 $0x1082;
	[sflag:s4] =	ssyncset.s32 $0xFFFFF086  }
0x25: {  	[simem:s6], [sflag:s4] =	dma.local [hbm:s3], $0xF7A  }
0x26: {  	[smem:$0x3F9B] =	sst s1;
	(tag) =	ssettag s2;
	_ =	strace s9  }
0x27: {  	s1 =	sld [smem:$0x3FAB]  }
0x28: {  	s2 =	sld [smem:$0x3FAC]  }
0x29: {  	s4 =	sld [smem:$0x3FAE]  }
0x2a: {  	p0 =	seq.s32 s5, $0x0;
	s5 =	sld [smem:$0x3FAF]  }
0x2b: {  	s6 =	sld [smem:$0x3FB0]  }
0x2c: {  	s7 =	sld [smem:$0x3FB1]  }
0x2d: {  	s3 =	simm.s32 $0x108;
	s8 =	sld [smem:$0x3FB2]  }
0x2e: {  	s3 =	simm.s32 @!p0 $0x1082;
	s9 =	sld [smem:$0x3FB3]  }
0x2f: {  	lr =	sadd.s32 s0, s3;
	s0 =	sld [smem:$0x3FAA]  }
0x30: {  	s3 =	sld [smem:$0x3FAD]  }
0x31: {  	[smem:$0x3FB6] =	sst s10  }
0x32: {  	s10 =	sld [smem:$0x3FB4];
	_ =	sdelay $0x3  }
0x33: {  	p0 =	seq.s32 s10, $0x1;
	s10 =	sld [smem:$0x3FB6];
	_ =	sdelay $0x3  }
0x34: {  	[smem:$0x3FB6] =	sst s10  }
0x35: {  	s10 =	sld [smem:$0x3FB5];
	_ =	sdelay $0x3  }
0x36: {  	p1 =	seq.s32 s10, $0x1;
	s10 =	sld [smem:$0x3FB6];
	_ =	sdelay $0x3  }
0x37: {  	[smem:$0x3FB6] =	sst s10  }
0x38: {  	s10 =	sld [smem:$0x3FB7]  }
0x39: {  	_ = 	snop;
	(pc) =	sbr.ind lr, $3  }
0x3a: {  	_ = 	snop  }
0x3b: {  	_ = 	snop  }
0x3c: {  	p2 =	seq.s32 s10, $0x1;
	s10 =	sld [smem:$0x3FB6]  }
0x3d: {  	_ =	shalt  }
0x3e: {  	_ =	shalt  }
0x3f: {  	_ =	shalt  }
0x40: {  	_ =	shalt  }
0x41: {  	_ =	shalt  }
0x42: {  	_ =	shalt  }
0x43: {  	_ =	shalt  }
0x44: {  	_ =	shalt  }
0x45: {  	_ =	shalt  }
0x46: {  	_ =	shalt  }
0x47: {  	_ =	shalt  }
0x48: {  	_ =	shalt  }
0x49: {  	_ =	shalt  }
0x4a: {  	_ =	shalt  }
0x4b: {  	_ =	shalt  }
0x4c: {  	_ =	shalt  }
0x4d: {  	_ =	shalt  }
0x4e: {  	_ =	shalt  }
0x4f: {  	_ =	shalt  }
0x50: {  	_ =	shalt  }
0x51: {  	_ =	shalt  }
0x52: {  	_ =	shalt  }
0x53: {  	_ =	shalt  }
0x54: {  	_ =	shalt  }
0x55: {  	_ =	shalt  }
0x56: {  	_ =	shalt  }
0x57: {  	_ =	shalt  }
0x58: {  	_ =	shalt  }
0x59: {  	_ =	shalt  }
0x5a: {  	_ =	shalt  }
0x5b: {  	_ =	shalt  }
0x5c: {  	_ =	shalt  }
0x5d: {  	_ =	shalt  }
0x5e: {  	_ =	shalt  }
0x5f: {  	_ =	shalt  }
0x60: {  	_ =	shalt  }
0x61: {  	_ =	shalt  }
0x62: {  	_ =	shalt  }
0x63: {  	_ =	shalt  }
0x64: {  	_ =	shalt  }
0x65: {  	_ =	shalt  }
0x66: {  	_ =	shalt  }
0x67: {  	_ =	shalt  }
0x68: {  	_ =	shalt  }
0x69: {  	_ =	shalt  }
0x6a: {  	_ =	shalt  }
0x6b: {  	_ =	shalt  }
0x6c: {  	_ =	shalt  }
0x6d: {  	_ =	shalt  }
0x6e: {  	_ =	shalt  }
0x6f: {  	_ =	shalt  }
0x70: {  	_ =	shalt  }
0x71: {  	_ =	shalt  }
0x72: {  	_ =	shalt  }
0x73: {  	_ =	shalt  }
0x74: {  	_ =	shalt  }
0x75: {  	_ =	shalt  }
0x76: {  	_ =	shalt  }
0x77: {  	_ =	shalt  }
0x78: {  	_ =	shalt  }
0x79: {  	_ =	shalt  }
0x7a: {  	_ =	shalt  }
0x7b: {  	_ =	shalt  }
0x7c: {  	_ =	shalt  }
0x7d: {  	_ =	shalt  }
0x7e: {  	_ =	shalt  }
0x7f: {  	_ =	shalt  }
0x80: {  	_ =	shalt  }
0x81: {  	_ =	shalt  }
0x82: {  	_ =	shalt  }
0x83: {  	_ =	shalt  }
0x84: {  	_ =	shalt  }
0x85: {  	_ =	shalt  }
0x86: {  	_ =	shalt  }
0x87: {  	_ =	shalt  }
.Lfunc_end0:
.L_simem_size_0:
called_computation_lowered:
.L_overlay_start_0:
0x88: {  	s2 =	sld [smem:$0x3FD9]  }
0x89: {  	s3 =	sld [smem:$0x3FFE];
	_ =	sdelay $0x1  }
0x8a: {  	s1 =	srdreg.scid  }
0x8b: {  	s0 =	sand.u32 $0x1, s1  }
0x8c: {  	s17 =	sshll.u32 s0, $0xA;
	s2 =	sadd.s32 s3, s2  }
0x8d: {  	s2 =	sadd.s32 s2, s17  }
0x8e: {  	[smem:$0x3FC2] =	sst s2  }
0x8f: {  	_ = 	snop  }
0x90: {  	s2 =	sld [smem:$0x3FD0];
	(tm) =	ssettm $0x1  }
0x91: {  	s18 =	sld [smem:$0x3FFB];
	_ =	sdelay $0x3  }
0x92: {  	_ =	strace s18  }
0x93: {  	s3 =	sld [smem:$0x3FFC];
	_ =	sdelay $0x3  }
0x94: {  	_ =	strace s3  }
0x95: {  	s3 =	sld [smem:$0x3FFD];
	_ =	sdelay $0x3  }
0x96: {  	_ =	strace s3  }
0x97: {  	_ =	strace $0x8FFFFFFF  }
0x98: {  	s19 =	sld [smem:$0x3FDB];
	_ =	sdelay $0x1  }
0x99: {  	s4 =	simm.s32 $_scs_section_size  }
0x9a: {  	s5 =	simm.s32 $_size__tile_overlayer_lowered;
	s6 =	simm.s32 $_tile_overlayer_lowered  }
0x9b: {  	s22 =	simm.s32 $0x1BFF;
	s21 =	sshll.u32 s6, $0x1;
	s3 =	sadd.s32 s4, s19  }
0x9c: {  	s7 =	simm.s32 $0x0;
	s20 =	sshll.u32 s5, $0x1;
	s5 =	sadd.s32 s21, s3  }
0x9d: {  	[timem:s7], [sflag:s22] =	dma.local [hbm:s5], s20  }
0x9e: {  	_ =	swait.ge [sflag:s22], s20  }
0x9f: {  	s4 =	ssub.s32 $0x0, s20;
	[sflag:s22] =	ssyncset.done $0x0  }
0xa0: {  	[sflag:s22] =	ssyncadd.s32 s4;
	_ =	sdelay $0x1  }
0xa1: {  	s23 =	simm.s32 $0x1B8B  }
0xa2: {  	_ =	swait.ge [sflag:s23], $0x1  }
0xa3: {  	[sflag:s23] =	ssyncset.done $0x0  }
0xa4: {  	s25 =	simm.s32 $0x1B8E;
	s24 =	sld [smem:$0x3FFE];
	[sflag:s23] =	ssyncadd.s32 $0xFFFFFFFF  }
0xa5: {  	s26 =	simm.s32 $execute0_lowered;
	[smem:$0x3FD2] =	sst s25  }
0xa6: {  	s5 =	sshll.u32 s26, $0x1;
	_ =	strace $0x80000046;
	[dreg:$0x1] =	wrdreg $0xFFFFFFFF  }
0xa7: {  	s28 =	simm.s32 $_size_execute0_lowered;
	s3 =	sadd.s32 s3, s5;
	[dreg:$0x0] =	wrdreg $0x0  }
0xa8: {  	s5 =	sshll.u32 s28, $0x1;
	[dreg:$0x2] =	wrdreg s3  }
0xa9: {  	[dreg:$0x3] =	wrdreg s5  }
0xaa: {  	[dreg:$0x4] =	wrdreg $0xC0  }
0xab: {  	_ =	task [dreg:s7], $0x5FFFF  }
0xac: {  	[dreg:$0x1] =	wrdreg $0xFFFFFFFF  }
0xad: {  	[dreg:$0x0] =	wrdreg $0x60  }
0xae: {  	[dreg:$0x2] =	wrdreg s24  }
0xaf: {  	[dreg:$0x3] =	wrdreg s2  }
0xb0: {  	[dreg:$0x4] =	wrdreg $0x0  }
0xb1: {  	[dreg:$0x5] =	wrdreg $0x9  }
0xb2: {  	_ =	task.clear_ibuf [dreg:s7], $0x6FFFF;
	_ =	strace $0x90000046  }
0xb3: {  	s29 =	simm.s32 $0x9;
	_ =	strace $0x80000048  }
0xb4: {  	_ =	swait.ge [sflag:s29], $0x1  }
0xb5: {  	[sflag:s29] =	ssyncadd.s32 $0xFFFFFFFF  }
0xb6: {  	_ =	strace $0x90000048  }
0xb7: {  	_ =	sfence  }
0xb8: {  	s30 =	sld [smem:$0x0];
	_ =	sdelay $0x2  }
0xb9: {  	s31 =	sshll.u32 s1, $0xD;
	s1 =	sshrl.u32 s1, $0x2  }
0xba: {  	s3 =	sand.u32 $0x4000, s31;
	s1 =	sadd.s32 s1, s30  }
0xbb: {  	s0 =	sor.u32 s3, s0;
	s1 =	sshll.u32 s1, $0x11  }
0xbc: {  	s0 =	sor.u32 s1, s0  }
0xbd: {  	s0 =	sadd.s32 $0x8F2B, s0  }
0xbe: {  	[sflag:s0] =	ssyncadd.remote.s32 $0x1  }
0xbf: {  	_ =	sfence.sel $0xFFFF  }
0xc0: {  	[dreg:$0x0] =	wrdreg $0xFFFFFFFF;
	(pc) =	sbr.abs _section_cstart, $3  }
0xc1: {  	[dreg:$0x1] =	wrdreg $0xFFFFFFFF  }
0xc2: {  	_ =	task.clear_ibuf [dreg:s7], $0x2FFFF;
	_ =	strace $0x9FFFFFFF  }
0xc3: {  	(tm) =	ssettm $0x7FFFFFFF  }
tec
execute0_lowered:
.L_overlay_start_1:
0x0: {  	(tag) =	ssettag $0x1  }
0x1: {  	s0 =	rddreg [dreg:$0x0]  }
0x2: {  	s3 =	rddreg [dreg:$0x1]  }
0x3: {  	s1 =	rddreg [dreg:$0x2];
	s4 =	srdreg.scid;
	s2 =	simm.s32 $0x0  }
0x4: {  	s9 =	stileid.u32;
	s10 =	simm.s32 $0x1;
	s11 =	simm.s32 $0x2F50  }
0x5: {  	s12 =	simm.s32 $0x2780;
	s25 =	simm.s32 $0x27D0;
	s13 =	simm.s32 $0x50  }
0x6: {  	s26 =	simm.s32 $0x2820;
	s14 =	simm.s32 $0x2870;
	s15 =	simm.s32 $0x28C0  }
0x7: {  	s16 =	simm.s32 $0x2910;
	s17 =	simm.s32 $0x2960;
	s18 =	simm.s32 $0x29B0  }
0x8: {  	s19 =	simm.s32 $0x2A00;
	s28 =	simm.s32 $0x2C80;
	s29 =	simm.s32 $0x2CD0  }
0x9: {  	s30 =	simm.s32 $0x2D20;
	s31 =	simm.s32 $0x2D70;
	s7 =	smul.u32 $0x2780, s9  }
0xa: {  	s4 =	sand.u32 $0x1, s4;
	[smem:$0x7FF] =	sst s2;
	s22 =	smul.u32 $0xFA, s9  }
0xb: {  	s8 =	sadd.s32 $0xCA00, s0;
	s9 =	sshll.u32 s9, $0x6;
	s5 =	smul.u32 $0xFA0, s4  }
0xc: {  	_ =	strace $0x80000047;
	s6 =	ssub.s32 $0x2, s4;
	[dreg:$0x7] =	wrdreg s8  }
0xd: {  	s4 =	smul.u32 $0x27800, s4;
	s9 =	sor.u32 $0x1C01, s9;
	[dreg:$0x5] =	wrdreg s25  }
0xe: {  	[dreg:$0x6] =	wrdreg s26;
	s25 =	simm.s32 $0x2BE0;
	s26 =	simm.s32 $0x2C30  }
0xf: {  	s20 =	sshrl.u32 s6, $0x1;
	s23 =	sadd.s32 s7, s1;
	[dreg:$0x9] =	wrdreg s9  }
0x10: {  	s5 =	sadd.s32 s5, s0;
	s0 =	sadd.s32 $0xC400, s0;
	s21 =	ssub.s32 s6, s20  }
0x11: {  	s4 =	sadd.s32 s7, s4;
	s8 =	sshrl.u32 s23, $0x3;
	s20 =	simm.s32 $0x2A50  }
0x12: {  	s23 =	simm.s32 $0x2B40;
	s7 =	simm.s32 $0x2F00;
	s6 =	simm.s32 $0x0  }
0x13: {  	[dreg:$0x8] =	wrdreg s0;
	s4 =	sshrl.u32 s4, $0x3;
	s5 =	sadd.s32 s22, s5  }
0x14: {  	s0 =	smax.u32 s21, $0x1;
	s21 =	simm.s32 $0x2AA0;
	[dreg:$0xd] =	wrdreg s6  }
0x15: {  	s22 =	simm.s32 $0x2AF0;
	[dreg:$0xc] =	wrdreg s8;
	s3 =	sadd.s32 s3, s4  }
0x16: {  	[dreg:$0xb] =	wrdreg s0;
	s24 =	sadd.s32 $0x2600, s5;
	s0 =	simm.s32 $0x2DC0  }
0x17: {  	s4 =	simm.s32 $0x2E60;
	s5 =	simm.s32 $0x2EB0;
	[dreg:$0xa] =	wrdreg s3  }
0x18: {  	[dreg:$0x4] =	wrdreg s24;
	s24 =	simm.s32 $0x2B90;
	s3 =	simm.s32 $0x2E10  }
.LBB2_1:
0x19: {  	s6 =	rddreg [dreg:$0x8]  }
0x1a: {  	[spmem:s8], [sflag:s9] =	dma.local [hbm:s6], $0x4F0  }
0x1b: {  	_ =	swait.ge [sflag:s10], $0x4F0  }
0x1c: {  	[sflag:s10] =	ssyncset.done $0x0  }
0x1d: {  	s8 =	rddreg [dreg:$0x7];
	[sflag:s10] =	ssyncadd.s32 $0xFFFFFB10  }
0x1e: {  	[tilespmem:s11], [sflag:$0x1] =	stream.linear.gather [hbm4b:s8+s2], $0x500, $0x38;
	[tilespmem:$0x3450] =	vst v63  }
0x1f: {  	_ =	swait.ge [sflag:s10], $0x500  }
0x20: {  	[sflag:s10] =	ssyncset.done $0x0  }
0x21: {  	[sflag:s10] =	ssyncadd.s32 $0xFFFFFB00  }
0x22: {  	[bflag:$0x0] =	sbarrier.arrive $0xFFFF  }
0x23: {  	s9 =	rddreg [dreg:$0x4]  }
0x24: {  	s6 =	sadd.s32 $0x0, s9  }
0x25: {  	[tilespmem:s12], [sflag:$0x1] =	stream.linear.gather [hbm4b:s6+s2], $0x7D0, $0x38;
	[tilespmem:$0x3450] =	vst v63  }
0x26: {  	_ =	swait.ge [sflag:s10], $0x7D0  }
0x27: {  	[sflag:s10] =	ssyncset.done $0x0  }
0x28: {  	[sflag:s10] =	ssyncadd.s32 $0xFFFFF830  }
0x29: {  	[spmem:s1] =	stream.indirect.scatter.add.f32 [tilespmem:s11], [sflag:$0x1], $0x10, s12, s13, $0xb8;
	[tilespmem:$0x3450] =	vst v63  }
0x2a: {  	_ =	swait.ge [sflag:s10], $0x500  }
0x2b: {  	[sflag:s10] =	ssyncset.done $0x0  }
0x2c: {  	s8 =	rddreg [dreg:$0x5];
	[sflag:s10] =	ssyncadd.s32 $0xFFFFFB00  }
0x2d: {  	[spmem:s1] =	stream.indirect.scatter.add.f32 [tilespmem:s11], [sflag:$0x1], $0x10, s8, s13, $0xb8;
	[tilespmem:$0x3450] =	vst v63  }
0x2e: {  	_ =	swait.ge [sflag:s10], $0x500  }
0x2f: {  	[sflag:s10] =	ssyncset.done $0x0  }
0x30: {  	s9 =	rddreg [dreg:$0x6];
	[sflag:s10] =	ssyncadd.s32 $0xFFFFFB00  }
0x31: {  	[spmem:s1] =	stream.indirect.scatter.add.f32 [tilespmem:s11], [sflag:$0x1], $0x10, s9, s13, $0xb8;
	[tilespmem:$0x3450] =	vst v63  }
0x32: {  	_ =	swait.ge [sflag:s10], $0x500  }
0x33: {  	[sflag:s10] =	ssyncset.done $0x0  }
0x34: {  	[sflag:s10] =	ssyncadd.s32 $0xFFFFFB00  }
0x35: {  	[spmem:s1] =	stream.indirect.scatter.add.f32 [tilespmem:s11], [sflag:$0x1], $0x10, s14, s13, $0xb8;
	[tilespmem:$0x3450] =	vst v63  }
0x36: {  	_ =	swait.ge [sflag:s10], $0x500  }
0x37: {  	[sflag:s10] =	ssyncset.done $0x0  }
0x38: {  	[sflag:s10] =	ssyncadd.s32 $0xFFFFFB00  }
0x39: {  	[spmem:s1] =	stream.indirect.scatter.add.f32 [tilespmem:s11], [sflag:$0x1], $0x10, s15, s13, $0xb8;
	[tilespmem:$0x3450] =	vst v63  }
0x3a: {  	_ =	swait.ge [sflag:s10], $0x500  }
0x3b: {  	[sflag:s10] =	ssyncset.done $0x0  }
0x3c: {  	[sflag:s10] =	ssyncadd.s32 $0xFFFFFB00  }
0x3d: {  	[spmem:s1] =	stream.indirect.scatter.add.f32 [tilespmem:s11], [sflag:$0x1], $0x10, s16, s13, $0xb8;
	[tilespmem:$0x3450] =	vst v63  }
0x3e: {  	_ =	swait.ge [sflag:s10], $0x500  }
0x3f: {  	[sflag:s10] =	ssyncset.done $0x0  }
0x40: {  	[sflag:s10] =	ssyncadd.s32 $0xFFFFFB00  }
0x41: {  	[spmem:s1] =	stream.indirect.scatter.add.f32 [tilespmem:s11], [sflag:$0x1], $0x10, s17, s13, $0xb8;
	[tilespmem:$0x3450] =	vst v63  }
0x42: {  	_ =	swait.ge [sflag:s10], $0x500  }
0x43: {  	[sflag:s10] =	ssyncset.done $0x0  }
0x44: {  	[sflag:s10] =	ssyncadd.s32 $0xFFFFFB00  }
0x45: {  	[spmem:s1] =	stream.indirect.scatter.add.f32 [tilespmem:s11], [sflag:$0x1], $0x10, s18, s13, $0xb8;
	[tilespmem:$0x3450] =	vst v63  }
0x46: {  	_ =	swait.ge [sflag:s10], $0x500  }
0x47: {  	[sflag:s10] =	ssyncset.done $0x0  }
0x48: {  	[sflag:s10] =	ssyncadd.s32 $0xFFFFFB00  }
0x49: {  	[spmem:s1] =	stream.indirect.scatter.add.f32 [tilespmem:s11], [sflag:$0x1], $0x10, s19, s13, $0xb8;
	[tilespmem:$0x3450] =	vst v63  }
0x4a: {  	_ =	swait.ge [sflag:s10], $0x500  }
0x4b: {  	[sflag:s10] =	ssyncset.done $0x0  }
0x4c: {  	[sflag:s10] =	ssyncadd.s32 $0xFFFFFB00  }
0x4d: {  	[spmem:s1] =	stream.indirect.scatter.add.f32 [tilespmem:s11], [sflag:$0x1], $0x10, s20, s13, $0xb8;
	[tilespmem:$0x3450] =	vst v63  }
0x4e: {  	_ =	swait.ge [sflag:s10], $0x500  }
0x4f: {  	[sflag:s10] =	ssyncset.done $0x0  }
0x50: {  	[sflag:s10] =	ssyncadd.s32 $0xFFFFFB00  }
0x51: {  	[spmem:s1] =	stream.indirect.scatter.add.f32 [tilespmem:s11], [sflag:$0x1], $0x10, s21, s13, $0xb8;
	[tilespmem:$0x3450] =	vst v63  }
0x52: {  	_ =	swait.ge [sflag:s10], $0x500  }
0x53: {  	[sflag:s10] =	ssyncset.done $0x0  }
0x54: {  	[sflag:s10] =	ssyncadd.s32 $0xFFFFFB00  }
0x55: {  	[spmem:s1] =	stream.indirect.scatter.add.f32 [tilespmem:s11], [sflag:$0x1], $0x10, s22, s13, $0xb8;
	[tilespmem:$0x3450] =	vst v63  }
0x56: {  	_ =	swait.ge [sflag:s10], $0x500  }
0x57: {  	[sflag:s10] =	ssyncset.done $0x0  }
0x58: {  	[sflag:s10] =	ssyncadd.s32 $0xFFFFFB00  }
0x59: {  	[spmem:s1] =	stream.indirect.scatter.add.f32 [tilespmem:s11], [sflag:$0x1], $0x10, s23, s13, $0xb8;
	[tilespmem:$0x3450] =	vst v63  }
0x5a: {  	_ =	swait.ge [sflag:s10], $0x500  }
0x5b: {  	[sflag:s10] =	ssyncset.done $0x0  }
0x5c: {  	[sflag:s10] =	ssyncadd.s32 $0xFFFFFB00  }
0x5d: {  	[spmem:s1] =	stream.indirect.scatter.add.f32 [tilespmem:s11], [sflag:$0x1], $0x10, s24, s13, $0xb8;
	[tilespmem:$0x3450] =	vst v63  }
0x5e: {  	_ =	swait.ge [sflag:s10], $0x500  }
0x5f: {  	[sflag:s10] =	ssyncset.done $0x0  }
0x60: {  	[sflag:s10] =	ssyncadd.s32 $0xFFFFFB00  }
0x61: {  	[spmem:s1] =	stream.indirect.scatter.add.f32 [tilespmem:s11], [sflag:$0x1], $0x10, s25, s13, $0xb8;
	[tilespmem:$0x3450] =	vst v63  }
0x62: {  	_ =	swait.ge [sflag:s10], $0x500  }
0x63: {  	[sflag:s10] =	ssyncset.done $0x0  }
0x64: {  	[sflag:s10] =	ssyncadd.s32 $0xFFFFFB00  }
0x65: {  	[spmem:s1] =	stream.indirect.scatter.add.f32 [tilespmem:s11], [sflag:$0x1], $0x10, s26, s13, $0xb8;
	[tilespmem:$0x3450] =	vst v63  }
0x66: {  	_ =	swait.ge [sflag:s10], $0x500  }
0x67: {  	[sflag:s10] =	ssyncset.done $0x0  }
0x68: {  	[sflag:s10] =	ssyncadd.s32 $0xFFFFFB00  }
0x69: {  	[spmem:s1] =	stream.indirect.scatter.add.f32 [tilespmem:s11], [sflag:$0x1], $0x10, s28, s13, $0xb8;
	[tilespmem:$0x3450] =	vst v63  }
0x6a: {  	_ =	swait.ge [sflag:s10], $0x500  }
0x6b: {  	[sflag:s10] =	ssyncset.done $0x0  }
0x6c: {  	[sflag:s10] =	ssyncadd.s32 $0xFFFFFB00  }
0x6d: {  	[spmem:s1] =	stream.indirect.scatter.add.f32 [tilespmem:s11], [sflag:$0x1], $0x10, s29, s13, $0xb8;
	[tilespmem:$0x3450] =	vst v63  }
0x6e: {  	_ =	swait.ge [sflag:s10], $0x500  }
0x6f: {  	[sflag:s10] =	ssyncset.done $0x0  }
0x70: {  	[sflag:s10] =	ssyncadd.s32 $0xFFFFFB00  }
0x71: {  	[spmem:s1] =	stream.indirect.scatter.add.f32 [tilespmem:s11], [sflag:$0x1], $0x10, s30, s13, $0xb8;
	[tilespmem:$0x3450] =	vst v63  }
0x72: {  	_ =	swait.ge [sflag:s10], $0x500  }
0x73: {  	[sflag:s10] =	ssyncset.done $0x0  }
0x74: {  	[sflag:s10] =	ssyncadd.s32 $0xFFFFFB00  }
0x75: {  	[spmem:s1] =	stream.indirect.scatter.add.f32 [tilespmem:s11], [sflag:$0x1], $0x10, s31, s13, $0xb8;
	[tilespmem:$0x3450] =	vst v63  }
0x76: {  	_ =	swait.ge [sflag:s10], $0x500  }
0x77: {  	[sflag:s10] =	ssyncset.done $0x0  }
0x78: {  	[sflag:s10] =	ssyncadd.s32 $0xFFFFFB00  }
0x79: {  	[spmem:s1] =	stream.indirect.scatter.add.f32 [tilespmem:s11], [sflag:$0x1], $0x10, s0, s13, $0xb8;
	[tilespmem:$0x3450] =	vst v63  }
0x7a: {  	_ =	swait.ge [sflag:s10], $0x500  }
0x7b: {  	[sflag:s10] =	ssyncset.done $0x0  }
0x7c: {  	[sflag:s10] =	ssyncadd.s32 $0xFFFFFB00  }
0x7d: {  	[spmem:s1] =	stream.indirect.scatter.add.f32 [tilespmem:s11], [sflag:$0x1], $0x10, s3, s13, $0xb8;
	[tilespmem:$0x3450] =	vst v63  }
0x7e: {  	_ =	swait.ge [sflag:s10], $0x500  }
0x7f: {  	[sflag:s10] =	ssyncset.done $0x0  }
0x80: {  	[sflag:s10] =	ssyncadd.s32 $0xFFFFFB00  }
0x81: {  	[spmem:s1] =	stream.indirect.scatter.add.f32 [tilespmem:s11], [sflag:$0x1], $0x10, s4, s13, $0xb8;
	[tilespmem:$0x3450] =	vst v63  }
0x82: {  	_ =	swait.ge [sflag:s10], $0x500  }
0x83: {  	[sflag:s10] =	ssyncset.done $0x0  }
0x84: {  	[sflag:s10] =	ssyncadd.s32 $0xFFFFFB00  }
0x85: {  	[spmem:s1] =	stream.indirect.scatter.add.f32 [tilespmem:s11], [sflag:$0x1], $0x10, s5, s13, $0xb8;
	[tilespmem:$0x3450] =	vst v63  }
0x86: {  	_ =	swait.ge [sflag:s10], $0x500  }
0x87: {  	[sflag:s10] =	ssyncset.done $0x0  }
0x88: {  	[sflag:s10] =	ssyncadd.s32 $0xFFFFFB00  }
0x89: {  	[spmem:s1] =	stream.indirect.scatter.add.f32 [tilespmem:s11], [sflag:$0x1], $0x10, s7, s13, $0xb8;
	[tilespmem:$0x3450] =	vst v63  }
0x8a: {  	s6 =	simm.s32 $0x1F40;
	_ =	swait.ge [sflag:s10], $0x500  }
.LBB2_2:
0x8b: {  	s9 =	rddreg [dreg:$0x4];
	s8 =	smov.u32 s6;
	[sflag:s10] =	ssyncset.done $0x0  }
0x8c: {  	s8 =	sadd.s32 s8, s9;
	[sflag:s10] =	ssyncadd.s32 $0xFFFFFB00  }
0x8d: {  	[tilespmem:s12], [sflag:$0x1] =	stream.linear.gather [hbm4b:s8+s2], $0x7D0, $0x38;
	[tilespmem:$0x3450] =	vst v63  }
0x8e: {  	_ =	swait.ge [sflag:s10], $0x7D0  }
0x8f: {  	[sflag:s10] =	ssyncset.done $0x0  }
0x90: {  	[sflag:s10] =	ssyncadd.s32 $0xFFFFF830  }
0x91: {  	[spmem:s1] =	stream.indirect.scatter.add.f32 [tilespmem:s11], [sflag:$0x1], $0x10, s12, s13, $0xb8;
	[tilespmem:$0x3450] =	vst v63  }
0x92: {  	_ =	swait.ge [sflag:s10], $0x500  }
0x93: {  	[sflag:s10] =	ssyncset.done $0x0  }
0x94: {  	s9 =	rddreg [dreg:$0x5];
	[sflag:s10] =	ssyncadd.s32 $0xFFFFFB00  }
0x95: {  	[spmem:s1] =	stream.indirect.scatter.add.f32 [tilespmem:s11], [sflag:$0x1], $0x10, s9, s13, $0xb8;
	[tilespmem:$0x3450] =	vst v63  }
0x96: {  	_ =	swait.ge [sflag:s10], $0x500  }
0x97: {  	[sflag:s10] =	ssyncset.done $0x0  }
0x98: {  	s9 =	rddreg [dreg:$0x6];
	[sflag:s10] =	ssyncadd.s32 $0xFFFFFB00  }
0x99: {  	[spmem:s1] =	stream.indirect.scatter.add.f32 [tilespmem:s11], [sflag:$0x1], $0x10, s9, s13, $0xb8;
	[tilespmem:$0x3450] =	vst v63  }
0x9a: {  	_ =	swait.ge [sflag:s10], $0x500  }
0x9b: {  	[sflag:s10] =	ssyncset.done $0x0  }
0x9c: {  	[sflag:s10] =	ssyncadd.s32 $0xFFFFFB00  }
0x9d: {  	[spmem:s1] =	stream.indirect.scatter.add.f32 [tilespmem:s11], [sflag:$0x1], $0x10, s14, s13, $0xb8;
	[tilespmem:$0x3450] =	vst v63  }
0x9e: {  	_ =	swait.ge [sflag:s10], $0x500  }
0x9f: {  	[sflag:s10] =	ssyncset.done $0x0  }
0xa0: {  	[sflag:s10] =	ssyncadd.s32 $0xFFFFFB00  }
0xa1: {  	[spmem:s1] =	stream.indirect.scatter.add.f32 [tilespmem:s11], [sflag:$0x1], $0x10, s15, s13, $0xb8;
	[tilespmem:$0x3450] =	vst v63  }
0xa2: {  	_ =	swait.ge [sflag:s10], $0x500  }
0xa3: {  	[sflag:s10] =	ssyncset.done $0x0  }
0xa4: {  	[sflag:s10] =	ssyncadd.s32 $0xFFFFFB00  }
0xa5: {  	[spmem:s1] =	stream.indirect.scatter.add.f32 [tilespmem:s11], [sflag:$0x1], $0x10, s16, s13, $0xb8;
	[tilespmem:$0x3450] =	vst v63  }
0xa6: {  	_ =	swait.ge [sflag:s10], $0x500  }
0xa7: {  	[sflag:s10] =	ssyncset.done $0x0  }
0xa8: {  	[sflag:s10] =	ssyncadd.s32 $0xFFFFFB00  }
0xa9: {  	[spmem:s1] =	stream.indirect.scatter.add.f32 [tilespmem:s11], [sflag:$0x1], $0x10, s17, s13, $0xb8;
	[tilespmem:$0x3450] =	vst v63  }
0xaa: {  	_ =	swait.ge [sflag:s10], $0x500  }
0xab: {  	[sflag:s10] =	ssyncset.done $0x0  }
0xac: {  	[sflag:s10] =	ssyncadd.s32 $0xFFFFFB00  }
0xad: {  	[spmem:s1] =	stream.indirect.scatter.add.f32 [tilespmem:s11], [sflag:$0x1], $0x10, s18, s13, $0xb8;
	[tilespmem:$0x3450] =	vst v63  }
0xae: {  	_ =	swait.ge [sflag:s10], $0x500  }
0xaf: {  	[sflag:s10] =	ssyncset.done $0x0  }
0xb0: {  	[sflag:s10] =	ssyncadd.s32 $0xFFFFFB00  }
0xb1: {  	[spmem:s1] =	stream.indirect.scatter.add.f32 [tilespmem:s11], [sflag:$0x1], $0x10, s19, s13, $0xb8;
	[tilespmem:$0x3450] =	vst v63  }
0xb2: {  	_ =	swait.ge [sflag:s10], $0x500  }
0xb3: {  	[sflag:s10] =	ssyncset.done $0x0  }
0xb4: {  	[sflag:s10] =	ssyncadd.s32 $0xFFFFFB00  }
0xb5: {  	[spmem:s1] =	stream.indirect.scatter.add.f32 [tilespmem:s11], [sflag:$0x1], $0x10, s20, s13, $0xb8;
	[tilespmem:$0x3450] =	vst v63  }
0xb6: {  	_ =	swait.ge [sflag:s10], $0x500  }
0xb7: {  	[sflag:s10] =	ssyncset.done $0x0  }
0xb8: {  	[sflag:s10] =	ssyncadd.s32 $0xFFFFFB00  }
0xb9: {  	[spmem:s1] =	stream.indirect.scatter.add.f32 [tilespmem:s11], [sflag:$0x1], $0x10, s21, s13, $0xb8;
	[tilespmem:$0x3450] =	vst v63  }
0xba: {  	_ =	swait.ge [sflag:s10], $0x500  }
0xbb: {  	[sflag:s10] =	ssyncset.done $0x0  }
0xbc: {  	[sflag:s10] =	ssyncadd.s32 $0xFFFFFB00  }
0xbd: {  	[spmem:s1] =	stream.indirect.scatter.add.f32 [tilespmem:s11], [sflag:$0x1], $0x10, s22, s13, $0xb8;
	[tilespmem:$0x3450] =	vst v63  }
0xbe: {  	_ =	swait.ge [sflag:s10], $0x500  }
0xbf: {  	[sflag:s10] =	ssyncset.done $0x0  }
0xc0: {  	[sflag:s10] =	ssyncadd.s32 $0xFFFFFB00  }
0xc1: {  	[spmem:s1] =	stream.indirect.scatter.add.f32 [tilespmem:s11], [sflag:$0x1], $0x10, s23, s13, $0xb8;
	[tilespmem:$0x3450] =	vst v63  }
0xc2: {  	_ =	swait.ge [sflag:s10], $0x500  }
0xc3: {  	[sflag:s10] =	ssyncset.done $0x0  }
0xc4: {  	[sflag:s10] =	ssyncadd.s32 $0xFFFFFB00  }
0xc5: {  	[spmem:s1] =	stream.indirect.scatter.add.f32 [tilespmem:s11], [sflag:$0x1], $0x10, s24, s13, $0xb8;
	[tilespmem:$0x3450] =	vst v63  }
0xc6: {  	_ =	swait.ge [sflag:s10], $0x500  }
0xc7: {  	[sflag:s10] =	ssyncset.done $0x0  }
0xc8: {  	[sflag:s10] =	ssyncadd.s32 $0xFFFFFB00  }
0xc9: {  	[spmem:s1] =	stream.indirect.scatter.add.f32 [tilespmem:s11], [sflag:$0x1], $0x10, s25, s13, $0xb8;
	[tilespmem:$0x3450] =	vst v63  }
0xca: {  	_ =	swait.ge [sflag:s10], $0x500  }
0xcb: {  	[sflag:s10] =	ssyncset.done $0x0  }
0xcc: {  	[sflag:s10] =	ssyncadd.s32 $0xFFFFFB00  }
0xcd: {  	[spmem:s1] =	stream.indirect.scatter.add.f32 [tilespmem:s11], [sflag:$0x1], $0x10, s26, s13, $0xb8;
	[tilespmem:$0x3450] =	vst v63  }
0xce: {  	_ =	swait.ge [sflag:s10], $0x500  }
0xcf: {  	[sflag:s10] =	ssyncset.done $0x0  }
0xd0: {  	[sflag:s10] =	ssyncadd.s32 $0xFFFFFB00  }
0xd1: {  	[spmem:s1] =	stream.indirect.scatter.add.f32 [tilespmem:s11], [sflag:$0x1], $0x10, s28, s13, $0xb8;
	[tilespmem:$0x3450] =	vst v63  }
0xd2: {  	_ =	swait.ge [sflag:s10], $0x500  }
0xd3: {  	[sflag:s10] =	ssyncset.done $0x0  }
0xd4: {  	[sflag:s10] =	ssyncadd.s32 $0xFFFFFB00  }
0xd5: {  	[spmem:s1] =	stream.indirect.scatter.add.f32 [tilespmem:s11], [sflag:$0x1], $0x10, s29, s13, $0xb8;
	[tilespmem:$0x3450] =	vst v63  }
0xd6: {  	_ =	swait.ge [sflag:s10], $0x500  }
0xd7: {  	[sflag:s10] =	ssyncset.done $0x0  }
0xd8: {  	[sflag:s10] =	ssyncadd.s32 $0xFFFFFB00  }
0xd9: {  	[spmem:s1] =	stream.indirect.scatter.add.f32 [tilespmem:s11], [sflag:$0x1], $0x10, s30, s13, $0xb8;
	[tilespmem:$0x3450] =	vst v63  }
0xda: {  	_ =	swait.ge [sflag:s10], $0x500  }
0xdb: {  	[sflag:s10] =	ssyncset.done $0x0  }
0xdc: {  	[sflag:s10] =	ssyncadd.s32 $0xFFFFFB00  }
0xdd: {  	[spmem:s1] =	stream.indirect.scatter.add.f32 [tilespmem:s11], [sflag:$0x1], $0x10, s31, s13, $0xb8;
	[tilespmem:$0x3450] =	vst v63  }
0xde: {  	_ =	swait.ge [sflag:s10], $0x500  }
0xdf: {  	[sflag:s10] =	ssyncset.done $0x0  }
0xe0: {  	[sflag:s10] =	ssyncadd.s32 $0xFFFFFB00  }
0xe1: {  	[spmem:s1] =	stream.indirect.scatter.add.f32 [tilespmem:s11], [sflag:$0x1], $0x10, s0, s13, $0xb8;
	[tilespmem:$0x3450] =	vst v63  }
0xe2: {  	_ =	swait.ge [sflag:s10], $0x500  }
0xe3: {  	[sflag:s10] =	ssyncset.done $0x0  }
0xe4: {  	[sflag:s10] =	ssyncadd.s32 $0xFFFFFB00  }
0xe5: {  	[spmem:s1] =	stream.indirect.scatter.add.f32 [tilespmem:s11], [sflag:$0x1], $0x10, s3, s13, $0xb8;
	[tilespmem:$0x3450] =	vst v63  }
0xe6: {  	_ =	swait.ge [sflag:s10], $0x500  }
0xe7: {  	[sflag:s10] =	ssyncset.done $0x0  }
0xe8: {  	[sflag:s10] =	ssyncadd.s32 $0xFFFFFB00  }
0xe9: {  	[spmem:s1] =	stream.indirect.scatter.add.f32 [tilespmem:s11], [sflag:$0x1], $0x10, s4, s13, $0xb8;
	[tilespmem:$0x3450] =	vst v63  }
0xea: {  	_ =	swait.ge [sflag:s10], $0x500  }
0xeb: {  	[sflag:s10] =	ssyncset.done $0x0  }
0xec: {  	p0 =	sne.s32 s6, $0x7D00;
	[sflag:s10] =	ssyncadd.s32 $0xFFFFFB00  }
0xed: {  	[spmem:s1] =	stream.indirect.scatter.add.f32 [tilespmem:s11], [sflag:$0x1], $0x10, s5, s13, $0xb8;
	[tilespmem:$0x3450] =	vst v63  }
.Ltmp0:
0xee: {  	_ =	swait.ge [sflag:s10], $0x500;
	(pc) =	sbr.rel @p0 .LBB2_2-.Ltmp0, $4  }
0xef: {  	[sflag:s10] =	ssyncset.done $0x0  }
0xf0: {  	[sflag:s10] =	ssyncadd.s32 $0xFFFFFB00  }
0xf1: {  	[spmem:s1] =	stream.indirect.scatter.add.f32 [tilespmem:s11], [sflag:$0x1], $0x10, s7, s13, $0xb8;
	[tilespmem:$0x3450] =	vst v63  }
0xf2: {  	s6 =	sadd.s32 $0x1F40, s6;
	_ =	swait.ge [sflag:s10], $0x500  }
0xf3: {  	[sflag:s10] =	ssyncset.done $0x0  }
0xf4: {  	[sflag:s10] =	ssyncadd.s32 $0xFFFFFB00  }
0xf5: {  	[bflag:$0x0] =	sbarrier.arrive $0xFFFF  }
0xf6: {  	s9 =	rddreg [dreg:$0x9]  }
0xf7: {  	s6 =	rddreg [dreg:$0xa]  }
0xf8: {  	s8 =	rddreg [dreg:$0xc]  }
0xf9: {  	[hbm:s6], [sflag:s9] =	dma.local [spmem:s8], $0x4F0  }
0xfa: {  	_ =	swait.ge [sflag:s10], $0x4F0  }
0xfb: {  	s6 =	rddreg [dreg:$0xd]  }
0xfc: {  	s9 =	sadd.s32 $0x1, s6;
	s6 =	rddreg [dreg:$0xb]  }
0xfd: {  	p0 =	sne.s32 s9, s6  }
.Ltmp1:
0xfe: {  	_ = 	snop;
	(pc) =	sbr.rel @p0 .LBB2_1-.Ltmp1, $3  }
0xff: {  	_ =	sdelay $0x1  }
0x100: {  	[sflag:s10] =	ssyncset.done $0x0;
	[dreg:$0xd] =	wrdreg s9  }
0x101: {  	[sflag:s10] =	ssyncadd.s32 $0xFFFFFB10;
	s9 =	rddreg [dreg:$0x9]  }
0x102: {  	_ =	sfence.sel $0x180000  }
0x103: {  	[bflag:$0x0] =	sbarrier.arrive $0xFFFF  }
0x104: {  	_ =	strace $0x90000047  }
0x105: {  	s0 =	stileid.u32;
	[bflag:$0x2] =	sbarrier.arrive $0xFFFF  }
0x106: {  	p0 =	sne.s32 s0, $0x0;
	s0 =	rddreg [dreg:$0x3]  }
0x107: {  	s0 =	sadd.s32 @!p0 $0x100000, s0  }
0x108: {  	[sflag:s0] =	ssyncadd.tile.s32 @!p0 $0x1;
	_ =	shalt  }
.Lfunc_end2:
_tile_overlayer_lowered:
.L_overlay_start_2:
0x109: {  	(tag) =	ssettag $0x2  }
0x10a: {  	s0 =	rddreg [dreg:$0x0];
	s2 =	stileid.u32  }
0x10b: {  	s1 =	rddreg [dreg:$0x1];
	p0 =	sne.s32 s2, $0x0  }
0x10c: {  	s3 =	rddreg [dreg:$0x2];
	[bflag:$0x3] =	sbarrier.arrive $0xFFFF;
	s2 =	simm.s32 @!p0 $0x1C01  }
0x10d: {  	[timem:s3], [sflag:s2] =	dma.local @!p0 [hbm:s0], s1  }
0x10e: {  	s0 =	simm.s32 @!p0 $0x1  }
0x10f: {  	_ =	swait.ge @!p0 [sflag:s0], s1  }
0x110: {  	s1 =	ssub.s32 @!p0 $0x0, s1;
	[sflag:s0] =	ssyncset.done @!p0 $0x0  }
0x111: {  	[sflag:s0] =	ssyncadd.s32 @!p0 s1  }
0x112: {  	[bflag:$0x3] =	sbarrier.arrive $0xFFFF  }
0x113: {  	_ =	shalt  }

</sc_bundles>
